<compile_context>
chip_gen: v7x
topology: tpu7x:2x2x1
jax: 0.10.2.dev20260603
libtpu: 0.0.44.dev20260713+nightly
codegen_flags: <defaults>
</compile_context>

<pallas_src>
import functools

import jax
import jax.numpy as jnp
from jax import lax
from jax.experimental import pallas as pl
from jax.experimental.pallas import tpu as pltpu
from jax.experimental.pallas import tpu_sc as plsc

NC, NS = 2, 16


def _prep_body(nkb, kb_size, protos_ref, q_ref, c2_ref):
    for kb in range(nkb):
        sl = pl.ds(kb * kb_size, kb_size)
        p = protos_ref[sl, :]
        q_ref[sl, :] = -2.0 * p
        c2_ref[0, sl] = jnp.sum(p * p, axis=1)


def _argmin_body(nkb, kb_size, flat_ref, q_ref, c2_ref, closest_ref):
    z = flat_ref[...]
    m = z.shape[0]
    z2 = jnp.sum(z * z, axis=1, keepdims=True)

    best_val = jnp.full((m,), jnp.inf, jnp.float32)
    best_idx = jnp.zeros((m,), jnp.float32)
    for kb in range(nkb):
        q = q_ref[pl.ds(kb * kb_size, kb_size), :]
        c2 = c2_ref[0, pl.ds(kb * kb_size, kb_size)]
        crossn2 = lax.dot_general(z, q, (((1,), (1,)), ((), ())),
                                  preferred_element_type=jnp.float32,
                                  precision=lax.Precision.DEFAULT)
        x = (z2 + c2[None, :]) + crossn2
        bmin = jnp.maximum(jnp.min(x, axis=1, keepdims=True), 0.0)
        iota = lax.broadcasted_iota(jnp.int32, x.shape, 1).astype(jnp.float32)
        barg = jnp.min(jnp.where(x <= bmin, iota, 3e9), axis=1)
        bminv = bmin[:, 0]
        upd = bminv < best_val
        best_val = jnp.where(upd, bminv, best_val)
        best_idx = jnp.where(upd, barg + float(kb * kb_size), best_idx)

    closest_ref[0, 0, :] = best_idx.astype(jnp.int32)


def _counts_body(nkb, kb_size, closest_ref, counts_ref):
    i = pl.program_id(0)

    @pl.when(i == 0)
    def _init():
        counts_ref[...] = jnp.zeros_like(counts_ref)

    best_idx = closest_ref[0, 0, :]
    m = best_idx.shape[0]
    for kb in range(nkb):
        iota = lax.broadcasted_iota(jnp.int32, (m, kb_size), 1) + kb * kb_size
        maskf = (best_idx[:, None] == iota).astype(jnp.float32)
        counts_ref[kb, :] += jnp.sum(maskf, axis=0)


def _sc_sums_body(npts, k, dc, chunk, flat_a, flat_b, idx_hbm,
                  out_a, out_b, idx_v, data_v, zero_v, table):
    c = lax.axis_index("c")
    s = lax.axis_index("s")
    pts_per_tile = npts // NS
    nchunks = pts_per_tile // chunk
    zrows = zero_v.shape[0]
    rows_per_tile = k // NS

    def _zrow(r, carry):
        for j in range(dc // 16):
            zero_v[r, pl.ds(j * 16, 16)] = jnp.zeros((16,), jnp.float32)
        return carry
    lax.fori_loop(0, zrows, _zrow, 0)
    for q in range(rows_per_tile // zrows):
        pltpu.sync_copy(zero_v, table.at[pl.ds(s * rows_per_tile + q * zrows,
                                               zrows)])
    pltpu.sync_copy(idx_hbm.at[s], idx_v)
    plsc.subcore_barrier()

    base = s * pts_per_tile
    for j in range(nchunks):
        rows = pl.ds(base + j * chunk, chunk)

        @pl.when(c == 0)
        def _lda():
            pltpu.sync_copy(flat_a.at[rows], data_v)

        @pl.when(c == 1)
        def _ldb():
            pltpu.sync_copy(flat_b.at[rows], data_v)

        pltpu.sync_copy(data_v, table.at[idx_v.at[j]], add=True)

    plsc.subcore_barrier()

    stripe = pl.ds(s * rows_per_tile, rows_per_tile)

    @pl.when(c == 0)
    def _sta():
        pltpu.sync_copy(table.at[stripe], out_a.at[stripe])

    @pl.when(c == 1)
    def _stb():
        pltpu.sync_copy(table.at[stripe], out_b.at[stripe])


def kernel(batch, protos):
    b, n, d = batch.shape
    k = protos.shape[0]
    npts = b * n
    flat = batch.reshape(npts, d)

    m = min(1024, npts)
    kb_size = min(512, k)
    nblk = npts // m
    nkb = k // kb_size

    q, c2 = pl.pallas_call(
        functools.partial(_prep_body, nkb, kb_size),
        in_specs=[pl.BlockSpec((k, d), lambda: (0, 0))],
        out_specs=[pl.BlockSpec((k, d), lambda: (0, 0)),
                   pl.BlockSpec((1, k), lambda: (0, 0))],
        out_shape=[jax.ShapeDtypeStruct((k, d), jnp.float32),
                   jax.ShapeDtypeStruct((1, k), jnp.float32)],
    )(protos)

    closest3 = pl.pallas_call(
        functools.partial(_argmin_body, nkb, kb_size),
        grid=(nblk,),
        in_specs=[
            pl.BlockSpec((m, d), lambda i: (i, 0)),
            pl.BlockSpec((k, d), lambda i: (0, 0)),
            pl.BlockSpec((1, k), lambda i: (0, 0)),
        ],
        out_specs=pl.BlockSpec((1, 1, m), lambda i: (i, 0, 0)),
        out_shape=jax.ShapeDtypeStruct((nblk, 1, m), jnp.int32),
    )(flat, q, c2)

    closest = closest3.reshape(b, n)

    dc = d // NC
    chunk = 128
    idx3 = closest3.reshape(NS, npts // NS // chunk, chunk)
    flat_a = flat[:, :dc]
    flat_b = flat[:, dc:]

    mesh = plsc.VectorSubcoreMesh(core_axis_name="c", subcore_axis_name="s")
    out_a, out_b = pl.kernel(
        functools.partial(_sc_sums_body, npts, k, dc, chunk),
        out_type=[jax.ShapeDtypeStruct((k, dc), jnp.float32),
                  jax.ShapeDtypeStruct((k, dc), jnp.float32)],
        mesh=mesh,
        scratch_types=[
            pltpu.VMEM((npts // NS // chunk, chunk), jnp.int32),
            pltpu.VMEM((chunk, dc), jnp.float32),
            pltpu.VMEM((128, dc), jnp.float32),
            pltpu.VMEM_SHARED((k, dc), jnp.float32),
        ],
    )(flat_a, flat_b, idx3)
    sums = jnp.concatenate([out_a, out_b], axis=1)

    counts2 = pl.pallas_call(
        functools.partial(_counts_body, nkb, kb_size),
        grid=(nblk,),
        in_specs=[pl.BlockSpec((1, 1, m), lambda i: (i, 0, 0))],
        out_specs=pl.BlockSpec((nkb, kb_size), lambda i: (0, 0)),
        out_shape=jax.ShapeDtypeStruct((nkb, kb_size), jnp.float32),
    )(closest3)
    counts = counts2.reshape(k)

    return closest, sums, counts

# --- scband reference (transcript-rebuilt; emitter-appended) ---
"""Pipeline reference for scband-centroid-module-41231686042216 (READ-ONLY COPY).

The authoritative reference and input builder live on the scoring server;
editing this copy changes nothing except your own understanding.
"""

import jax, jax.numpy as jnp
import numpy as np

NUM_CENTROIDS = 8192
REPR_DIM = 256
B, N = 32, 1024


def setup_inputs(seed: int = 0) -> dict:
    key = jax.random.key(seed)
    k1, k2 = jax.random.split(key)
    batch = jax.random.normal(k1, (B, N, REPR_DIM), dtype=jnp.float32)
    # protos parameter as in __init__: randn / (5.0 * sqrt(reprDim))
    protos = jax.random.normal(k2, (NUM_CENTROIDS, REPR_DIM), dtype=jnp.float32) / (5.0 * np.sqrt(REPR_DIM))
    return {"batch": batch, "protos": protos}


def _se_distances_to_centroids(batch, protos):
    # squared euclidean distances: ||z||^2 + ||c||^2 - 2 z.c
    z2 = jnp.sum(batch * batch, axis=-1, keepdims=True)  # [B, N, 1]
    c2 = jnp.sum(protos * protos, axis=-1)                # [K]
    cross = jnp.einsum('bnd,kd->bnk', batch, protos)      # [B, N, K]
    return z2 + c2[None, None, :] - 2.0 * cross


def reference(batch, protos):
    distsSq = _se_distances_to_centroids(batch, protos)
    distsSq = jnp.clip(distsSq, 0.0)                      # torch.clamp(min=0)
    closest = jnp.argmin(distsSq, axis=-1)                # [B, N]
    flat = batch.reshape(-1, batch.shape[-1])             # [B*N, D]
    flat_idx = closest.reshape(-1)                        # [B*N]
    # getBatchSums: scatter-add points to their closest centroid
    batchSums = jax.ops.segment_sum(flat, flat_idx, num_segments=protos.shape[0])  # [K, D]
    closestCounts = jnp.bincount(flat_idx, length=protos.shape[0]).astype(jnp.float32)  # [K]
    return closest, batchSums, closestCounts

if __name__ == "__main__":
    import jax
    _d = setup_inputs()
    print(jax.jit(kernel)(*tuple(_d.values())))

</pallas_src>

<mosaic_0001>
#map = affine_map<(d0, d1) -> (0, 0)>
#map1 = affine_map<(d0, d1) -> (0, 0, 0)>
module attributes {stable_mosaic.version = 14 : i64} {
  func.func @_sc_sums_body(%arg0: i32, %arg1: i32, %arg2: memref<32768x128xf32, #tpu.memory_space<hbm>>, %arg3: memref<32768x128xf32, #tpu.memory_space<hbm>>, %arg4: memref<16x16x128xi32, #tpu.memory_space<hbm>>, %arg5: memref<8192x128xf32, #tpu.memory_space<hbm>>, %arg6: memref<8192x128xf32, #tpu.memory_space<hbm>>, %arg7: memref<16x128xi32, #tpu.memory_space<vmem>>, %arg8: memref<128x128xf32, #tpu.memory_space<vmem>>, %arg9: memref<128x128xf32, #tpu.memory_space<vmem>>, %arg10: memref<8192x128xf32, #tpu.memory_space<vmem_shared>>) attributes {dimension_semantics = [#tpu.dimension_semantics<core_parallel>, #tpu.dimension_semantics<subcore_parallel>], iteration_bounds = array<i64: 2, 16>, scalar_prefetch = 0 : i64, scratch_operands = 4 : i64, tpu.core_type = #tpu.core_type<sc_vector_subcore>, window_params = [{transform_indices = #map}, {transform_indices = #map}, {transform_indices = #map1}, {transform_indices = #map}, {transform_indices = #map}]} {
    %scan3A = arith.constant 0 : i32
    %scan3A_0 = arith.constant 0 : i32
    %scan3A_1 = arith.constant 128 : i32
    %scan3A_2 = arith.addi %scan3A_0, %scan3A_1 : i32
    %scan3A_3 = arith.constant 1 : i32
    scf.for %scan3A_238 = %scan3A_0 to %scan3A_2 step %scan3A_3  : i32 {
      %broadcast_in_dim3A = arith.constant 0.000000e+00 : f32
      %broadcast_in_dim3A_239 = vector.broadcast %broadcast_in_dim3A : f32 to vector<16xf32>
      %swap3A = arith.index_cast %scan3A_238 : i32 to index
      %swap3A_240 = arith.constant 0 : index
      %swap3A_241 = tpu.vector_load %arg9[%swap3A, %swap3A_240] {strides = array<i32>} : memref<128x128xf32, #tpu.memory_space<vmem>>, vector<1x16xf32>,
      %swap3A_242 = vector.shape_cast %swap3A_241 : vector<1x16xf32> to vector<16xf32>
      %swap3A_243 = vector.shape_cast %broadcast_in_dim3A_239 : vector<16xf32> to vector<1x16xf32>
      tpu.vector_store %arg9[%swap3A, %swap3A_240], %swap3A_243 {strides = array<i32>} : memref<128x128xf32, #tpu.memory_space<vmem>>, vector<1x16xf32>,
      %broadcast_in_dim3A_244 = arith.constant 0.000000e+00 : f32
      %broadcast_in_dim3A_245 = vector.broadcast %broadcast_in_dim3A_244 : f32 to vector<16xf32>
      %swap3A_246 = arith.index_cast %scan3A_238 : i32 to index
      %swap3A_247 = arith.constant 16 : index
      %swap3A_248 = tpu.vector_load %arg9[%swap3A_246, %swap3A_247] {strides = array<i32>} : memref<128x128xf32, #tpu.memory_space<vmem>>, vector<1x16xf32>,
      %swap3A_249 = vector.shape_cast %swap3A_248 : vector<1x16xf32> to vector<16xf32>
      %swap3A_250 = vector.shape_cast %broadcast_in_dim3A_245 : vector<16xf32> to vector<1x16xf32>
      tpu.vector_store %arg9[%swap3A_246, %swap3A_247], %swap3A_250 {strides = array<i32>} : memref<128x128xf32, #tpu.memory_space<vmem>>, vector<1x16xf32>,
      %broadcast_in_dim3A_251 = arith.constant 0.000000e+00 : f32
      %broadcast_in_dim3A_252 = vector.broadcast %broadcast_in_dim3A_251 : f32 to vector<16xf32>
      %swap3A_253 = arith.index_cast %scan3A_238 : i32 to index
      %swap3A_254 = arith.constant 32 : index
      %swap3A_255 = tpu.vector_load %arg9[%swap3A_253, %swap3A_254] {strides = array<i32>} : memref<128x128xf32, #tpu.memory_space<vmem>>, vector<1x16xf32>,
      %swap3A_256 = vector.shape_cast %swap3A_255 : vector<1x16xf32> to vector<16xf32>
      %swap3A_257 = vector.shape_cast %broadcast_in_dim3A_252 : vector<16xf32> to vector<1x16xf32>
      tpu.vector_store %arg9[%swap3A_253, %swap3A_254], %swap3A_257 {strides = array<i32>} : memref<128x128xf32, #tpu.memory_space<vmem>>, vector<1x16xf32>,
      %broadcast_in_dim3A_258 = arith.constant 0.000000e+00 : f32
      %broadcast_in_dim3A_259 = vector.broadcast %broadcast_in_dim3A_258 : f32 to vector<16xf32>
      %swap3A_260 = arith.index_cast %scan3A_238 : i32 to index
      %swap3A_261 = arith.constant 48 : index
      %swap3A_262 = tpu.vector_load %arg9[%swap3A_260, %swap3A_261] {strides = array<i32>} : memref<128x128xf32, #tpu.memory_space<vmem>>, vector<1x16xf32>,
      %swap3A_263 = vector.shape_cast %swap3A_262 : vector<1x16xf32> to vector<16xf32>
      %swap3A_264 = vector.shape_cast %broadcast_in_dim3A_259 : vector<16xf32> to vector<1x16xf32>
      tpu.vector_store %arg9[%swap3A_260, %swap3A_261], %swap3A_264 {strides = array<i32>} : memref<128x128xf32, #tpu.memory_space<vmem>>, vector<1x16xf32>,
      %broadcast_in_dim3A_265 = arith.constant 0.000000e+00 : f32
      %broadcast_in_dim3A_266 = vector.broadcast %broadcast_in_dim3A_265 : f32 to vector<16xf32>
      %swap3A_267 = arith.index_cast %scan3A_238 : i32 to index
      %swap3A_268 = arith.constant 64 : index
      %swap3A_269 = tpu.vector_load %arg9[%swap3A_267, %swap3A_268] {strides = array<i32>} : memref<128x128xf32, #tpu.memory_space<vmem>>, vector<1x16xf32>,
      %swap3A_270 = vector.shape_cast %swap3A_269 : vector<1x16xf32> to vector<16xf32>
      %swap3A_271 = vector.shape_cast %broadcast_in_dim3A_266 : vector<16xf32> to vector<1x16xf32>
      tpu.vector_store %arg9[%swap3A_267, %swap3A_268], %swap3A_271 {strides = array<i32>} : memref<128x128xf32, #tpu.memory_space<vmem>>, vector<1x16xf32>,
      %broadcast_in_dim3A_272 = arith.constant 0.000000e+00 : f32
      %broadcast_in_dim3A_273 = vector.broadcast %broadcast_in_dim3A_272 : f32 to vector<16xf32>
      %swap3A_274 = arith.index_cast %scan3A_238 : i32 to index
      %swap3A_275 = arith.constant 80 : index
      %swap3A_276 = tpu.vector_load %arg9[%swap3A_274, %swap3A_275] {strides = array<i32>} : memref<128x128xf32, #tpu.memory_space<vmem>>, vector<1x16xf32>,
      %swap3A_277 = vector.shape_cast %swap3A_276 : vector<1x16xf32> to vector<16xf32>
      %swap3A_278 = vector.shape_cast %broadcast_in_dim3A_273 : vector<16xf32> to vector<1x16xf32>
      tpu.vector_store %arg9[%swap3A_274, %swap3A_275], %swap3A_278 {strides = array<i32>} : memref<128x128xf32, #tpu.memory_space<vmem>>, vector<1x16xf32>,
      %broadcast_in_dim3A_279 = arith.constant 0.000000e+00 : f32
      %broadcast_in_dim3A_280 = vector.broadcast %broadcast_in_dim3A_279 : f32 to vector<16xf32>
      %swap3A_281 = arith.index_cast %scan3A_238 : i32 to index
      %swap3A_282 = arith.constant 96 : index
      %swap3A_283 = tpu.vector_load %arg9[%swap3A_281, %swap3A_282] {strides = array<i32>} : memref<128x128xf32, #tpu.memory_space<vmem>>, vector<1x16xf32>,
      %swap3A_284 = vector.shape_cast %swap3A_283 : vector<1x16xf32> to vector<16xf32>
      %swap3A_285 = vector.shape_cast %broadcast_in_dim3A_280 : vector<16xf32> to vector<1x16xf32>
      tpu.vector_store %arg9[%swap3A_281, %swap3A_282], %swap3A_285 {strides = array<i32>} : memref<128x128xf32, #tpu.memory_space<vmem>>, vector<1x16xf32>,
      %broadcast_in_dim3A_286 = arith.constant 0.000000e+00 : f32
      %broadcast_in_dim3A_287 = vector.broadcast %broadcast_in_dim3A_286 : f32 to vector<16xf32>
      %swap3A_288 = arith.index_cast %scan3A_238 : i32 to index
      %swap3A_289 = arith.constant 112 : index
      %swap3A_290 = tpu.vector_load %arg9[%swap3A_288, %swap3A_289] {strides = array<i32>} : memref<128x128xf32, #tpu.memory_space<vmem>>, vector<1x16xf32>,
      %swap3A_291 = vector.shape_cast %swap3A_290 : vector<1x16xf32> to vector<16xf32>
      %swap3A_292 = vector.shape_cast %broadcast_in_dim3A_287 : vector<16xf32> to vector<1x16xf32>
      tpu.vector_store %arg9[%swap3A_288, %swap3A_289], %swap3A_292 {strides = array<i32>} : memref<128x128xf32, #tpu.memory_space<vmem>>, vector<1x16xf32>,
    }
    %scan3A_4 = arith.constant 128 : i32
    %mul3A = arith.constant 512 : i32
    %mul3A_5 = arith.muli %arg1, %mul3A : i32
    %add3A = arith.constant 0 : i32
    %add3A_6 = arith.addi %mul3A_5, %add3A : i32
    "tpu.region"() ({
      %run_scoped3A_238 = tpu.sem_alloc : memref<!tpu.dma_semaphore, #tpu.memory_space<semaphore_mem>>
      %dma_start3A = arith.constant 0 : i32
      %dma_start3A_239 = tpu.memref_slice %arg10[%add3A_6, %dma_start3A] : memref<8192x128xf32, #tpu.memory_space<vmem_shared>> -> memref<128x128xf32, #tpu.memory_space<vmem_shared>>
      %dma_start3A_240 = arith.constant 0 : i32
      %dma_start3A_241 = tpu.memref_slice %arg10[%add3A_6, %dma_start3A_240] : memref<8192x128xf32, #tpu.memory_space<vmem_shared>> -> memref<128x128xf32, #tpu.memory_space<vmem_shared>>
      tpu.enqueue_dma source(%arg9 : memref<128x128xf32, #tpu.memory_space<vmem>>) target(%dma_start3A_241 : memref<128x128xf32, #tpu.memory_space<vmem_shared>>) target_semaphore(%run_scoped3A_238 : memref<!tpu.dma_semaphore, #tpu.memory_space<semaphore_mem>>)
      %dma_wait3A = arith.constant 0 : i32
      %dma_wait3A_242 = tpu.memref_slice %arg10[%add3A_6, %dma_wait3A] : memref<8192x128xf32, #tpu.memory_space<vmem_shared>> -> memref<128x128xf32, #tpu.memory_space<vmem_shared>>
      %dma_wait3A_243 = arith.constant 0 : i32
      %dma_wait3A_244 = tpu.memref_slice %arg10[%add3A_6, %dma_wait3A_243] : memref<8192x128xf32, #tpu.memory_space<vmem_shared>> -> memref<128x128xf32, #tpu.memory_space<vmem_shared>>
      tpu.wait_dma2 semaphore(%run_scoped3A_238 : memref<!tpu.dma_semaphore, #tpu.memory_space<semaphore_mem>>) src(%arg9 : memref<128x128xf32, #tpu.memory_space<vmem>>) dst(%dma_wait3A_244 : memref<128x128xf32, #tpu.memory_space<vmem_shared>>)
      tpu.yield
    }) : () -> ()
    %mul3A_7 = arith.constant 512 : i32
    %mul3A_8 = arith.muli %arg1, %mul3A_7 : i32
    %add3A_9 = arith.constant 128 : i32
    %add3A_10 = arith.addi %mul3A_8, %add3A_9 : i32
    "tpu.region"() ({
      %run_scoped3A_238 = tpu.sem_alloc : memref<!tpu.dma_semaphore, #tpu.memory_space<semaphore_mem>>
      %dma_start3A = arith.constant 0 : i32
      %dma_start3A_239 = tpu.memref_slice %arg10[%add3A_10, %dma_start3A] : memref<8192x128xf32, #tpu.memory_space<vmem_shared>> -> memref<128x128xf32, #tpu.memory_space<vmem_shared>>
      %dma_start3A_240 = arith.constant 0 : i32
      %dma_start3A_241 = tpu.memref_slice %arg10[%add3A_10, %dma_start3A_240] : memref<8192x128xf32, #tpu.memory_space<vmem_shared>> -> memref<128x128xf32, #tpu.memory_space<vmem_shared>>
      tpu.enqueue_dma source(%arg9 : memref<128x128xf32, #tpu.memory_space<vmem>>) target(%dma_start3A_241 : memref<128x128xf32, #tpu.memory_space<vmem_shared>>) target_semaphore(%run_scoped3A_238 : memref<!tpu.dma_semaphore, #tpu.memory_space<semaphore_mem>>)
      %dma_wait3A = arith.constant 0 : i32
      %dma_wait3A_242 = tpu.memref_slice %arg10[%add3A_10, %dma_wait3A] : memref<8192x128xf32, #tpu.memory_space<vmem_shared>> -> memref<128x128xf32, #tpu.memory_space<vmem_shared>>
      %dma_wait3A_243 = arith.constant 0 : i32
      %dma_wait3A_244 = tpu.memref_slice %arg10[%add3A_10, %dma_wait3A_243] : memref<8192x128xf32, #tpu.memory_space<vmem_shared>> -> memref<128x128xf32, #tpu.memory_space<vmem_shared>>
      tpu.wait_dma2 semaphore(%run_scoped3A_238 : memref<!tpu.dma_semaphore, #tpu.memory_space<semaphore_mem>>) src(%arg9 : memref<128x128xf32, #tpu.memory_space<vmem>>) dst(%dma_wait3A_244 : memref<128x128xf32, #tpu.memory_space<vmem_shared>>)
      tpu.yield
    }) : () -> ()
    %mul3A_11 = arith.constant 512 : i32
    %mul3A_12 = arith.muli %arg1, %mul3A_11 : i32
    %add3A_13 = arith.constant 256 : i32
    %add3A_14 = arith.addi %mul3A_12, %add3A_13 : i32
    "tpu.region"() ({
      %run_scoped3A_238 = tpu.sem_alloc : memref<!tpu.dma_semaphore, #tpu.memory_space<semaphore_mem>>
      %dma_start3A = arith.constant 0 : i32
      %dma_start3A_239 = tpu.memref_slice %arg10[%add3A_14, %dma_start3A] : memref<8192x128xf32, #tpu.memory_space<vmem_shared>> -> memref<128x128xf32, #tpu.memory_space<vmem_shared>>
      %dma_start3A_240 = arith.constant 0 : i32
      %dma_start3A_241 = tpu.memref_slice %arg10[%add3A_14, %dma_start3A_240] : memref<8192x128xf32, #tpu.memory_space<vmem_shared>> -> memref<128x128xf32, #tpu.memory_space<vmem_shared>>
      tpu.enqueue_dma source(%arg9 : memref<128x128xf32, #tpu.memory_space<vmem>>) target(%dma_start3A_241 : memref<128x128xf32, #tpu.memory_space<vmem_shared>>) target_semaphore(%run_scoped3A_238 : memref<!tpu.dma_semaphore, #tpu.memory_space<semaphore_mem>>)
      %dma_wait3A = arith.constant 0 : i32
      %dma_wait3A_242 = tpu.memref_slice %arg10[%add3A_14, %dma_wait3A] : memref<8192x128xf32, #tpu.memory_space<vmem_shared>> -> memref<128x128xf32, #tpu.memory_space<vmem_shared>>
      %dma_wait3A_243 = arith.constant 0 : i32
      %dma_wait3A_244 = tpu.memref_slice %arg10[%add3A_14, %dma_wait3A_243] : memref<8192x128xf32, #tpu.memory_space<vmem_shared>> -> memref<128x128xf32, #tpu.memory_space<vmem_shared>>
      tpu.wait_dma2 semaphore(%run_scoped3A_238 : memref<!tpu.dma_semaphore, #tpu.memory_space<semaphore_mem>>) src(%arg9 : memref<128x128xf32, #tpu.memory_space<vmem>>) dst(%dma_wait3A_244 : memref<128x128xf32, #tpu.memory_space<vmem_shared>>)
      tpu.yield
    }) : () -> ()
    %mul3A_15 = arith.constant 512 : i32
    %mul3A_16 = arith.muli %arg1, %mul3A_15 : i32
    %add3A_17 = arith.constant 384 : i32
    %add3A_18 = arith.addi %mul3A_16, %add3A_17 : i32
    "tpu.region"() ({
      %run_scoped3A_238 = tpu.sem_alloc : memref<!tpu.dma_semaphore, #tpu.memory_space<semaphore_mem>>
      %dma_start3A = arith.constant 0 : i32
      %dma_start3A_239 = tpu.memref_slice %arg10[%add3A_18, %dma_start3A] : memref<8192x128xf32, #tpu.memory_space<vmem_shared>> -> memref<128x128xf32, #tpu.memory_space<vmem_shared>>
      %dma_start3A_240 = arith.constant 0 : i32
      %dma_start3A_241 = tpu.memref_slice %arg10[%add3A_18, %dma_start3A_240] : memref<8192x128xf32, #tpu.memory_space<vmem_shared>> -> memref<128x128xf32, #tpu.memory_space<vmem_shared>>
      tpu.enqueue_dma source(%arg9 : memref<128x128xf32, #tpu.memory_space<vmem>>) target(%dma_start3A_241 : memref<128x128xf32, #tpu.memory_space<vmem_shared>>) target_semaphore(%run_scoped3A_238 : memref<!tpu.dma_semaphore, #tpu.memory_space<semaphore_mem>>)
      %dma_wait3A = arith.constant 0 : i32
      %dma_wait3A_242 = tpu.memref_slice %arg10[%add3A_18, %dma_wait3A] : memref<8192x128xf32, #tpu.memory_space<vmem_shared>> -> memref<128x128xf32, #tpu.memory_space<vmem_shared>>
      %dma_wait3A_243 = arith.constant 0 : i32
      %dma_wait3A_244 = tpu.memref_slice %arg10[%add3A_18, %dma_wait3A_243] : memref<8192x128xf32, #tpu.memory_space<vmem_shared>> -> memref<128x128xf32, #tpu.memory_space<vmem_shared>>
      tpu.wait_dma2 semaphore(%run_scoped3A_238 : memref<!tpu.dma_semaphore, #tpu.memory_space<semaphore_mem>>) src(%arg9 : memref<128x128xf32, #tpu.memory_space<vmem>>) dst(%dma_wait3A_244 : memref<128x128xf32, #tpu.memory_space<vmem_shared>>)
      tpu.yield
    }) : () -> ()
    "tpu.region"() ({
      %run_scoped3A_238 = tpu.sem_alloc : memref<!tpu.dma_semaphore, #tpu.memory_space<semaphore_mem>>
      %dma_start3A = arith.constant 0 : i32
      %dma_start3A_239 = arith.constant 0 : i32
      %dma_start3A_240 = tpu.memref_slice %arg4[%arg1, %dma_start3A, %dma_start3A_239] : memref<16x16x128xi32, #tpu.memory_space<hbm>> -> memref<1x16x128xi32, #tpu.memory_space<hbm>>
      %dma_start3A_241 = tpu.memref_squeeze %dma_start3A_240 : memref<1x16x128xi32, #tpu.memory_space<hbm>> -> memref<16x128xi32, #tpu.memory_space<hbm>>
      %dma_start3A_242 = arith.constant 0 : i32
      %dma_start3A_243 = arith.constant 0 : i32
      %dma_start3A_244 = tpu.memref_slice %arg4[%arg1, %dma_start3A_242, %dma_start3A_243] : memref<16x16x128xi32, #tpu.memory_space<hbm>> -> memref<1x16x128xi32, #tpu.memory_space<hbm>>
      %dma_start3A_245 = tpu.memref_squeeze %dma_start3A_244 : memref<1x16x128xi32, #tpu.memory_space<hbm>> -> memref<16x128xi32, #tpu.memory_space<hbm>>
      tpu.enqueue_dma source(%dma_start3A_245 : memref<16x128xi32, #tpu.memory_space<hbm>>) target(%arg7 : memref<16x128xi32, #tpu.memory_space<vmem>>) target_semaphore(%run_scoped3A_238 : memref<!tpu.dma_semaphore, #tpu.memory_space<semaphore_mem>>)
      %dma_wait3A = arith.constant 0 : i32
      %dma_wait3A_246 = arith.constant 0 : i32
      %dma_wait3A_247 = tpu.memref_slice %arg4[%arg1, %dma_wait3A, %dma_wait3A_246] : memref<16x16x128xi32, #tpu.memory_space<hbm>> -> memref<1x16x128xi32, #tpu.memory_space<hbm>>
      %dma_wait3A_248 = tpu.memref_squeeze %dma_wait3A_247 : memref<1x16x128xi32, #tpu.memory_space<hbm>> -> memref<16x128xi32, #tpu.memory_space<hbm>>
      %dma_wait3A_249 = arith.constant 0 : i32
      %dma_wait3A_250 = arith.constant 0 : i32
      %dma_wait3A_251 = tpu.memref_slice %arg4[%arg1, %dma_wait3A_249, %dma_wait3A_250] : memref<16x16x128xi32, #tpu.memory_space<hbm>> -> memref<1x16x128xi32, #tpu.memory_space<hbm>>
      %dma_wait3A_252 = tpu.memref_squeeze %dma_wait3A_251 : memref<1x16x128xi32, #tpu.memory_space<hbm>> -> memref<16x128xi32, #tpu.memory_space<hbm>>
      tpu.wait_dma2 semaphore(%run_scoped3A_238 : memref<!tpu.dma_semaphore, #tpu.memory_space<semaphore_mem>>) src(%dma_wait3A_252 : memref<16x128xi32, #tpu.memory_space<hbm>>) dst(%arg7 : memref<16x128xi32, #tpu.memory_space<vmem>>)
      tpu.yield
    }) : () -> ()
    %barrier3A = arith.constant 0 : index
    tpu.barrier barrier_id(%barrier3A)
    %mul3A_19 = arith.constant 2048 : i32
    %mul3A_20 = arith.muli %arg1, %mul3A_19 : i32
    %add3A_21 = arith.constant 0 : i32
    %add3A_22 = arith.addi %mul3A_20, %add3A_21 : i32
    %eq3A = arith.constant 0 : i32
    %eq3A_23 = arith.cmpi eq, %arg0, %eq3A : i32
    %convert_element_type3A = arith.extui %eq3A_23 : i1 to i32
    %cond3A = arith.constant 0 : i32
    %cond3A_24 = arith.cmpi ne, %convert_element_type3A, %cond3A : i32
    scf.if %cond3A_24 {
      "tpu.region"() ({
        %run_scoped3A_238 = tpu.sem_alloc : memref<!tpu.dma_semaphore, #tpu.memory_space<semaphore_mem>>
        %dma_start3A = arith.constant 0 : i32
        %dma_start3A_239 = tpu.memref_slice %arg2[%add3A_22, %dma_start3A] : memref<32768x128xf32, #tpu.memory_space<hbm>> -> memref<128x128xf32, #tpu.memory_space<hbm>>
        %dma_start3A_240 = arith.constant 0 : i32
        %dma_start3A_241 = tpu.memref_slice %arg2[%add3A_22, %dma_start3A_240] : memref<32768x128xf32, #tpu.memory_space<hbm>> -> memref<128x128xf32, #tpu.memory_space<hbm>>
        tpu.enqueue_dma source(%dma_start3A_241 : memref<128x128xf32, #tpu.memory_space<hbm>>) target(%arg8 : memref<128x128xf32, #tpu.memory_space<vmem>>) target_semaphore(%run_scoped3A_238 : memref<!tpu.dma_semaphore, #tpu.memory_space<semaphore_mem>>)
        %dma_wait3A = arith.constant 0 : i32
        %dma_wait3A_242 = tpu.memref_slice %arg2[%add3A_22, %dma_wait3A] : memref<32768x128xf32, #tpu.memory_space<hbm>> -> memref<128x128xf32, #tpu.memory_space<hbm>>
        %dma_wait3A_243 = arith.constant 0 : i32
        %dma_wait3A_244 = tpu.memref_slice %arg2[%add3A_22, %dma_wait3A_243] : memref<32768x128xf32, #tpu.memory_space<hbm>> -> memref<128x128xf32, #tpu.memory_space<hbm>>
        tpu.wait_dma2 semaphore(%run_scoped3A_238 : memref<!tpu.dma_semaphore, #tpu.memory_space<semaphore_mem>>) src(%dma_wait3A_244 : memref<128x128xf32, #tpu.memory_space<hbm>>) dst(%arg8 : memref<128x128xf32, #tpu.memory_space<vmem>>)
        tpu.yield
      }) : () -> ()
    } else {
    }
    %eq3A_25 = arith.constant 1 : i32
    %eq3A_26 = arith.cmpi eq, %arg0, %eq3A_25 : i32
    %convert_element_type3A_27 = arith.extui %eq3A_26 : i1 to i32
    %cond3A_28 = arith.constant 0 : i32
    %cond3A_29 = arith.cmpi ne, %convert_element_type3A_27, %cond3A_28 : i32
    scf.if %cond3A_29 {
      "tpu.region"() ({
        %run_scoped3A_238 = tpu.sem_alloc : memref<!tpu.dma_semaphore, #tpu.memory_space<semaphore_mem>>
        %dma_start3A = arith.constant 0 : i32
        %dma_start3A_239 = tpu.memref_slice %arg3[%add3A_22, %dma_start3A] : memref<32768x128xf32, #tpu.memory_space<hbm>> -> memref<128x128xf32, #tpu.memory_space<hbm>>
        %dma_start3A_240 = arith.constant 0 : i32
        %dma_start3A_241 = tpu.memref_slice %arg3[%add3A_22, %dma_start3A_240] : memref<32768x128xf32, #tpu.memory_space<hbm>> -> memref<128x128xf32, #tpu.memory_space<hbm>>
        tpu.enqueue_dma source(%dma_start3A_241 : memref<128x128xf32, #tpu.memory_space<hbm>>) target(%arg8 : memref<128x128xf32, #tpu.memory_space<vmem>>) target_semaphore(%run_scoped3A_238 : memref<!tpu.dma_semaphore, #tpu.memory_space<semaphore_mem>>)
        %dma_wait3A = arith.constant 0 : i32
        %dma_wait3A_242 = tpu.memref_slice %arg3[%add3A_22, %dma_wait3A] : memref<32768x128xf32, #tpu.memory_space<hbm>> -> memref<128x128xf32, #tpu.memory_space<hbm>>
        %dma_wait3A_243 = arith.constant 0 : i32
        %dma_wait3A_244 = tpu.memref_slice %arg3[%add3A_22, %dma_wait3A_243] : memref<32768x128xf32, #tpu.memory_space<hbm>> -> memref<128x128xf32, #tpu.memory_space<hbm>>
        tpu.wait_dma2 semaphore(%run_scoped3A_238 : memref<!tpu.dma_semaphore, #tpu.memory_space<semaphore_mem>>) src(%dma_wait3A_244 : memref<128x128xf32, #tpu.memory_space<hbm>>) dst(%arg8 : memref<128x128xf32, #tpu.memory_space<vmem>>)
        tpu.yield
      }) : () -> ()
    } else {
    }
    %run_scoped3A = arith.constant 0 : i32
    "tpu.region"() ({
      %run_scoped3A_238 = tpu.sem_alloc : memref<!tpu.dma_semaphore, #tpu.memory_space<semaphore_mem>>
      %dma_start3A = arith.constant 0 : i32
      %dma_start3A_239 = tpu.memref_slice %arg7[%run_scoped3A, %dma_start3A] : memref<16x128xi32, #tpu.memory_space<vmem>> -> memref<1x128xi32, #tpu.memory_space<vmem>>
      %dma_start3A_240 = tpu.memref_squeeze %dma_start3A_239 : memref<1x128xi32, #tpu.memory_space<vmem>> -> memref<128xi32, #tpu.memory_space<vmem>>
      %dma_start3A_241 = arith.constant 0 : i32
      %dma_start3A_242 = arith.constant 0 : i32
      %dma_start3A_243 = tpu.memref_slice %arg10[%dma_start3A_241, %dma_start3A_242] : memref<8192x128xf32, #tpu.memory_space<vmem_shared>> -> memref<8192x128xf32, #tpu.memory_space<vmem_shared>>
      tpu.enqueue_indirect_dma source(%arg8 : memref<128x128xf32, #tpu.memory_space<vmem>>) target(%dma_start3A_243 : memref<8192x128xf32, #tpu.memory_space<vmem_shared>>) offsets(%dma_start3A_240 : memref<128xi32, #tpu.memory_space<vmem>>) semaphore(%run_scoped3A_238 : memref<!tpu.dma_semaphore, #tpu.memory_space<semaphore_mem>>) {add = true}
      %dma_wait3A = arith.constant 0 : i32
      %dma_wait3A_244 = tpu.memref_slice %arg7[%run_scoped3A, %dma_wait3A] : memref<16x128xi32, #tpu.memory_space<vmem>> -> memref<1x128xi32, #tpu.memory_space<vmem>>
      %dma_wait3A_245 = tpu.memref_squeeze %dma_wait3A_244 : memref<1x128xi32, #tpu.memory_space<vmem>> -> memref<128xi32, #tpu.memory_space<vmem>>
      %dma_wait3A_246 = arith.constant 0 : i32
      %dma_wait3A_247 = arith.constant 0 : i32
      %dma_wait3A_248 = tpu.memref_slice %arg10[%dma_wait3A_246, %dma_wait3A_247] : memref<8192x128xf32, #tpu.memory_space<vmem_shared>> -> memref<8192x128xf32, #tpu.memory_space<vmem_shared>>
      tpu.wait_indirect_dma semaphore(%run_scoped3A_238 : memref<!tpu.dma_semaphore, #tpu.memory_space<semaphore_mem>>) src(%arg8 : memref<128x128xf32, #tpu.memory_space<vmem>>) dst(%dma_wait3A_248 : memref<8192x128xf32, #tpu.memory_space<vmem_shared>>)
      tpu.yield
    }) : () -> ()
    %add3A_30 = arith.constant 128 : i32
    %add3A_31 = arith.addi %mul3A_20, %add3A_30 : i32
    %eq3A_32 = arith.constant 0 : i32
    %eq3A_33 = arith.cmpi eq, %arg0, %eq3A_32 : i32
    %convert_element_type3A_34 = arith.extui %eq3A_33 : i1 to i32
    %cond3A_35 = arith.constant 0 : i32
    %cond3A_36 = arith.cmpi ne, %convert_element_type3A_34, %cond3A_35 : i32
    scf.if %cond3A_36 {
      "tpu.region"() ({
        %run_scoped3A_238 = tpu.sem_alloc : memref<!tpu.dma_semaphore, #tpu.memory_space<semaphore_mem>>
        %dma_start3A = arith.constant 0 : i32
        %dma_start3A_239 = tpu.memref_slice %arg2[%add3A_31, %dma_start3A] : memref<32768x128xf32, #tpu.memory_space<hbm>> -> memref<128x128xf32, #tpu.memory_space<hbm>>
        %dma_start3A_240 = arith.constant 0 : i32
        %dma_start3A_241 = tpu.memref_slice %arg2[%add3A_31, %dma_start3A_240] : memref<32768x128xf32, #tpu.memory_space<hbm>> -> memref<128x128xf32, #tpu.memory_space<hbm>>
        tpu.enqueue_dma source(%dma_start3A_241 : memref<128x128xf32, #tpu.memory_space<hbm>>) target(%arg8 : memref<128x128xf32, #tpu.memory_space<vmem>>) target_semaphore(%run_scoped3A_238 : memref<!tpu.dma_semaphore, #tpu.memory_space<semaphore_mem>>)
        %dma_wait3A = arith.constant 0 : i32
        %dma_wait3A_242 = tpu.memref_slice %arg2[%add3A_31, %dma_wait3A] : memref<32768x128xf32, #tpu.memory_space<hbm>> -> memref<128x128xf32, #tpu.memory_space<hbm>>
        %dma_wait3A_243 = arith.constant 0 : i32
        %dma_wait3A_244 = tpu.memref_slice %arg2[%add3A_31, %dma_wait3A_243] : memref<32768x128xf32, #tpu.memory_space<hbm>> -> memref<128x128xf32, #tpu.memory_space<hbm>>
        tpu.wait_dma2 semaphore(%run_scoped3A_238 : memref<!tpu.dma_semaphore, #tpu.memory_space<semaphore_mem>>) src(%dma_wait3A_244 : memref<128x128xf32, #tpu.memory_space<hbm>>) dst(%arg8 : memref<128x128xf32, #tpu.memory_space<vmem>>)
        tpu.yield
      }) : () -> ()
    } else {
    }
    %eq3A_37 = arith.constant 1 : i32
    %eq3A_38 = arith.cmpi eq, %arg0, %eq3A_37 : i32
    %convert_element_type3A_39 = arith.extui %eq3A_38 : i1 to i32
    %cond3A_40 = arith.constant 0 : i32
    %cond3A_41 = arith.cmpi ne, %convert_element_type3A_39, %cond3A_40 : i32
    scf.if %cond3A_41 {
      "tpu.region"() ({
        %run_scoped3A_238 = tpu.sem_alloc : memref<!tpu.dma_semaphore, #tpu.memory_space<semaphore_mem>>
        %dma_start3A = arith.constant 0 : i32
        %dma_start3A_239 = tpu.memref_slice %arg3[%add3A_31, %dma_start3A] : memref<32768x128xf32, #tpu.memory_space<hbm>> -> memref<128x128xf32, #tpu.memory_space<hbm>>
        %dma_start3A_240 = arith.constant 0 : i32
        %dma_start3A_241 = tpu.memref_slice %arg3[%add3A_31, %dma_start3A_240] : memref<32768x128xf32, #tpu.memory_space<hbm>> -> memref<128x128xf32, #tpu.memory_space<hbm>>
        tpu.enqueue_dma source(%dma_start3A_241 : memref<128x128xf32, #tpu.memory_space<hbm>>) target(%arg8 : memref<128x128xf32, #tpu.memory_space<vmem>>) target_semaphore(%run_scoped3A_238 : memref<!tpu.dma_semaphore, #tpu.memory_space<semaphore_mem>>)
        %dma_wait3A = arith.constant 0 : i32
        %dma_wait3A_242 = tpu.memref_slice %arg3[%add3A_31, %dma_wait3A] : memref<32768x128xf32, #tpu.memory_space<hbm>> -> memref<128x128xf32, #tpu.memory_space<hbm>>
        %dma_wait3A_243 = arith.constant 0 : i32
        %dma_wait3A_244 = tpu.memref_slice %arg3[%add3A_31, %dma_wait3A_243] : memref<32768x128xf32, #tpu.memory_space<hbm>> -> memref<128x128xf32, #tpu.memory_space<hbm>>
        tpu.wait_dma2 semaphore(%run_scoped3A_238 : memref<!tpu.dma_semaphore, #tpu.memory_space<semaphore_mem>>) src(%dma_wait3A_244 : memref<128x128xf32, #tpu.memory_space<hbm>>) dst(%arg8 : memref<128x128xf32, #tpu.memory_space<vmem>>)
        tpu.yield
      }) : () -> ()
    } else {
    }
    %run_scoped3A_42 = arith.constant 1 : i32
    "tpu.region"() ({
      %run_scoped3A_238 = tpu.sem_alloc : memref<!tpu.dma_semaphore, #tpu.memory_space<semaphore_mem>>
      %dma_start3A = arith.constant 0 : i32
      %dma_start3A_239 = tpu.memref_slice %arg7[%run_scoped3A_42, %dma_start3A] : memref<16x128xi32, #tpu.memory_space<vmem>> -> memref<1x128xi32, #tpu.memory_space<vmem>>
      %dma_start3A_240 = tpu.memref_squeeze %dma_start3A_239 : memref<1x128xi32, #tpu.memory_space<vmem>> -> memref<128xi32, #tpu.memory_space<vmem>>
      %dma_start3A_241 = arith.constant 0 : i32
      %dma_start3A_242 = arith.constant 0 : i32
      %dma_start3A_243 = tpu.memref_slice %arg10[%dma_start3A_241, %dma_start3A_242] : memref<8192x128xf32, #tpu.memory_space<vmem_shared>> -> memref<8192x128xf32, #tpu.memory_space<vmem_shared>>
      tpu.enqueue_indirect_dma source(%arg8 : memref<128x128xf32, #tpu.memory_space<vmem>>) target(%dma_start3A_243 : memref<8192x128xf32, #tpu.memory_space<vmem_shared>>) offsets(%dma_start3A_240 : memref<128xi32, #tpu.memory_space<vmem>>) semaphore(%run_scoped3A_238 : memref<!tpu.dma_semaphore, #tpu.memory_space<semaphore_mem>>) {add = true}
      %dma_wait3A = arith.constant 0 : i32
      %dma_wait3A_244 = tpu.memref_slice %arg7[%run_scoped3A_42, %dma_wait3A] : memref<16x128xi32, #tpu.memory_space<vmem>> -> memref<1x128xi32, #tpu.memory_space<vmem>>
      %dma_wait3A_245 = tpu.memref_squeeze %dma_wait3A_244 : memref<1x128xi32, #tpu.memory_space<vmem>> -> memref<128xi32, #tpu.memory_space<vmem>>
      %dma_wait3A_246 = arith.constant 0 : i32
      %dma_wait3A_247 = arith.constant 0 : i32
      %dma_wait3A_248 = tpu.memref_slice %arg10[%dma_wait3A_246, %dma_wait3A_247] : memref<8192x128xf32, #tpu.memory_space<vmem_shared>> -> memref<8192x128xf32, #tpu.memory_space<vmem_shared>>
      tpu.wait_indirect_dma semaphore(%run_scoped3A_238 : memref<!tpu.dma_semaphore, #tpu.memory_space<semaphore_mem>>) src(%arg8 : memref<128x128xf32, #tpu.memory_space<vmem>>) dst(%dma_wait3A_248 : memref<8192x128xf32, #tpu.memory_space<vmem_shared>>)
      tpu.yield
    }) : () -> ()
    %add3A_43 = arith.constant 256 : i32
    %add3A_44 = arith.addi %mul3A_20, %add3A_43 : i32
    %eq3A_45 = arith.constant 0 : i32
    %eq3A_46 = arith.cmpi eq, %arg0, %eq3A_45 : i32
    %convert_element_type3A_47 = arith.extui %eq3A_46 : i1 to i32
    %cond3A_48 = arith.constant 0 : i32
    %cond3A_49 = arith.cmpi ne, %convert_element_type3A_47, %cond3A_48 : i32
    scf.if %cond3A_49 {
      "tpu.region"() ({
        %run_scoped3A_238 = tpu.sem_alloc : memref<!tpu.dma_semaphore, #tpu.memory_space<semaphore_mem>>
        %dma_start3A = arith.constant 0 : i32
        %dma_start3A_239 = tpu.memref_slice %arg2[%add3A_44, %dma_start3A] : memref<32768x128xf32, #tpu.memory_space<hbm>> -> memref<128x128xf32, #tpu.memory_space<hbm>>
        %dma_start3A_240 = arith.constant 0 : i32
        %dma_start3A_241 = tpu.memref_slice %arg2[%add3A_44, %dma_start3A_240] : memref<32768x128xf32, #tpu.memory_space<hbm>> -> memref<128x128xf32, #tpu.memory_space<hbm>>
        tpu.enqueue_dma source(%dma_start3A_241 : memref<128x128xf32, #tpu.memory_space<hbm>>) target(%arg8 : memref<128x128xf32, #tpu.memory_space<vmem>>) target_semaphore(%run_scoped3A_238 : memref<!tpu.dma_semaphore, #tpu.memory_space<semaphore_mem>>)
        %dma_wait3A = arith.constant 0 : i32
        %dma_wait3A_242 = tpu.memref_slice %arg2[%add3A_44, %dma_wait3A] : memref<32768x128xf32, #tpu.memory_space<hbm>> -> memref<128x128xf32, #tpu.memory_space<hbm>>
        %dma_wait3A_243 = arith.constant 0 : i32
        %dma_wait3A_244 = tpu.memref_slice %arg2[%add3A_44, %dma_wait3A_243] : memref<32768x128xf32, #tpu.memory_space<hbm>> -> memref<128x128xf32, #tpu.memory_space<hbm>>
        tpu.wait_dma2 semaphore(%run_scoped3A_238 : memref<!tpu.dma_semaphore, #tpu.memory_space<semaphore_mem>>) src(%dma_wait3A_244 : memref<128x128xf32, #tpu.memory_space<hbm>>) dst(%arg8 : memref<128x128xf32, #tpu.memory_space<vmem>>)
        tpu.yield
      }) : () -> ()
    } else {
    }
    %eq3A_50 = arith.constant 1 : i32
    %eq3A_51 = arith.cmpi eq, %arg0, %eq3A_50 : i32
    %convert_element_type3A_52 = arith.extui %eq3A_51 : i1 to i32
    %cond3A_53 = arith.constant 0 : i32
    %cond3A_54 = arith.cmpi ne, %convert_element_type3A_52, %cond3A_53 : i32
    scf.if %cond3A_54 {
      "tpu.region"() ({
        %run_scoped3A_238 = tpu.sem_alloc : memref<!tpu.dma_semaphore, #tpu.memory_space<semaphore_mem>>
        %dma_start3A = arith.constant 0 : i32
        %dma_start3A_239 = tpu.memref_slice %arg3[%add3A_44, %dma_start3A] : memref<32768x128xf32, #tpu.memory_space<hbm>> -> memref<128x128xf32, #tpu.memory_space<hbm>>
        %dma_start3A_240 = arith.constant 0 : i32
        %dma_start3A_241 = tpu.memref_slice %arg3[%add3A_44, %dma_start3A_240] : memref<32768x128xf32, #tpu.memory_space<hbm>> -> memref<128x128xf32, #tpu.memory_space<hbm>>
        tpu.enqueue_dma source(%dma_start3A_241 : memref<128x128xf32, #tpu.memory_space<hbm>>) target(%arg8 : memref<128x128xf32, #tpu.memory_space<vmem>>) target_semaphore(%run_scoped3A_238 : memref<!tpu.dma_semaphore, #tpu.memory_space<semaphore_mem>>)
        %dma_wait3A = arith.constant 0 : i32
        %dma_wait3A_242 = tpu.memref_slice %arg3[%add3A_44, %dma_wait3A] : memref<32768x128xf32, #tpu.memory_space<hbm>> -> memref<128x128xf32, #tpu.memory_space<hbm>>
        %dma_wait3A_243 = arith.constant 0 : i32
        %dma_wait3A_244 = tpu.memref_slice %arg3[%add3A_44, %dma_wait3A_243] : memref<32768x128xf32, #tpu.memory_space<hbm>> -> memref<128x128xf32, #tpu.memory_space<hbm>>
        tpu.wait_dma2 semaphore(%run_scoped3A_238 : memref<!tpu.dma_semaphore, #tpu.memory_space<semaphore_mem>>) src(%dma_wait3A_244 : memref<128x128xf32, #tpu.memory_space<hbm>>) dst(%arg8 : memref<128x128xf32, #tpu.memory_space<vmem>>)
        tpu.yield
      }) : () -> ()
    } else {
    }
    %run_scoped3A_55 = arith.constant 2 : i32
    "tpu.region"() ({
      %run_scoped3A_238 = tpu.sem_alloc : memref<!tpu.dma_semaphore, #tpu.memory_space<semaphore_mem>>
      %dma_start3A = arith.constant 0 : i32
      %dma_start3A_239 = tpu.memref_slice %arg7[%run_scoped3A_55, %dma_start3A] : memref<16x128xi32, #tpu.memory_space<vmem>> -> memref<1x128xi32, #tpu.memory_space<vmem>>
      %dma_start3A_240 = tpu.memref_squeeze %dma_start3A_239 : memref<1x128xi32, #tpu.memory_space<vmem>> -> memref<128xi32, #tpu.memory_space<vmem>>
      %dma_start3A_241 = arith.constant 0 : i32
      %dma_start3A_242 = arith.constant 0 : i32
      %dma_start3A_243 = tpu.memref_slice %arg10[%dma_start3A_241, %dma_start3A_242] : memref<8192x128xf32, #tpu.memory_space<vmem_shared>> -> memref<8192x128xf32, #tpu.memory_space<vmem_shared>>
      tpu.enqueue_indirect_dma source(%arg8 : memref<128x128xf32, #tpu.memory_space<vmem>>) target(%dma_start3A_243 : memref<8192x128xf32, #tpu.memory_space<vmem_shared>>) offsets(%dma_start3A_240 : memref<128xi32, #tpu.memory_space<vmem>>) semaphore(%run_scoped3A_238 : memref<!tpu.dma_semaphore, #tpu.memory_space<semaphore_mem>>) {add = true}
      %dma_wait3A = arith.constant 0 : i32
      %dma_wait3A_244 = tpu.memref_slice %arg7[%run_scoped3A_55, %dma_wait3A] : memref<16x128xi32, #tpu.memory_space<vmem>> -> memref<1x128xi32, #tpu.memory_space<vmem>>
      %dma_wait3A_245 = tpu.memref_squeeze %dma_wait3A_244 : memref<1x128xi32, #tpu.memory_space<vmem>> -> memref<128xi32, #tpu.memory_space<vmem>>
      %dma_wait3A_246 = arith.constant 0 : i32
      %dma_wait3A_247 = arith.constant 0 : i32
      %dma_wait3A_248 = tpu.memref_slice %arg10[%dma_wait3A_246, %dma_wait3A_247] : memref<8192x128xf32, #tpu.memory_space<vmem_shared>> -> memref<8192x128xf32, #tpu.memory_space<vmem_shared>>
      tpu.wait_indirect_dma semaphore(%run_scoped3A_238 : memref<!tpu.dma_semaphore, #tpu.memory_space<semaphore_mem>>) src(%arg8 : memref<128x128xf32, #tpu.memory_space<vmem>>) dst(%dma_wait3A_248 : memref<8192x128xf32, #tpu.memory_space<vmem_shared>>)
      tpu.yield
    }) : () -> ()
    %add3A_56 = arith.constant 384 : i32
    %add3A_57 = arith.addi %mul3A_20, %add3A_56 : i32
    %eq3A_58 = arith.constant 0 : i32
    %eq3A_59 = arith.cmpi eq, %arg0, %eq3A_58 : i32
    %convert_element_type3A_60 = arith.extui %eq3A_59 : i1 to i32
    %cond3A_61 = arith.constant 0 : i32
    %cond3A_62 = arith.cmpi ne, %convert_element_type3A_60, %cond3A_61 : i32
    scf.if %cond3A_62 {
      "tpu.region"() ({
        %run_scoped3A_238 = tpu.sem_alloc : memref<!tpu.dma_semaphore, #tpu.memory_space<semaphore_mem>>
        %dma_start3A = arith.constant 0 : i32
        %dma_start3A_239 = tpu.memref_slice %arg2[%add3A_57, %dma_start3A] : memref<32768x128xf32, #tpu.memory_space<hbm>> -> memref<128x128xf32, #tpu.memory_space<hbm>>
        %dma_start3A_240 = arith.constant 0 : i32
        %dma_start3A_241 = tpu.memref_slice %arg2[%add3A_57, %dma_start3A_240] : memref<32768x128xf32, #tpu.memory_space<hbm>> -> memref<128x128xf32, #tpu.memory_space<hbm>>
        tpu.enqueue_dma source(%dma_start3A_241 : memref<128x128xf32, #tpu.memory_space<hbm>>) target(%arg8 : memref<128x128xf32, #tpu.memory_space<vmem>>) target_semaphore(%run_scoped3A_238 : memref<!tpu.dma_semaphore, #tpu.memory_space<semaphore_mem>>)
        %dma_wait3A = arith.constant 0 : i32
        %dma_wait3A_242 = tpu.memref_slice %arg2[%add3A_57, %dma_wait3A] : memref<32768x128xf32, #tpu.memory_space<hbm>> -> memref<128x128xf32, #tpu.memory_space<hbm>>
        %dma_wait3A_243 = arith.constant 0 : i32
        %dma_wait3A_244 = tpu.memref_slice %arg2[%add3A_57, %dma_wait3A_243] : memref<32768x128xf32, #tpu.memory_space<hbm>> -> memref<128x128xf32, #tpu.memory_space<hbm>>
        tpu.wait_dma2 semaphore(%run_scoped3A_238 : memref<!tpu.dma_semaphore, #tpu.memory_space<semaphore_mem>>) src(%dma_wait3A_244 : memref<128x128xf32, #tpu.memory_space<hbm>>) dst(%arg8 : memref<128x128xf32, #tpu.memory_space<vmem>>)
        tpu.yield
      }) : () -> ()
    } else {
    }
    %eq3A_63 = arith.constant 1 : i32
    %eq3A_64 = arith.cmpi eq, %arg0, %eq3A_63 : i32
    %convert_element_type3A_65 = arith.extui %eq3A_64 : i1 to i32
    %cond3A_66 = arith.constant 0 : i32
    %cond3A_67 = arith.cmpi ne, %convert_element_type3A_65, %cond3A_66 : i32
    scf.if %cond3A_67 {
      "tpu.region"() ({
        %run_scoped3A_238 = tpu.sem_alloc : memref<!tpu.dma_semaphore, #tpu.memory_space<semaphore_mem>>
        %dma_start3A = arith.constant 0 : i32
        %dma_start3A_239 = tpu.memref_slice %arg3[%add3A_57, %dma_start3A] : memref<32768x128xf32, #tpu.memory_space<hbm>> -> memref<128x128xf32, #tpu.memory_space<hbm>>
        %dma_start3A_240 = arith.constant 0 : i32
        %dma_start3A_241 = tpu.memref_slice %arg3[%add3A_57, %dma_start3A_240] : memref<32768x128xf32, #tpu.memory_space<hbm>> -> memref<128x128xf32, #tpu.memory_space<hbm>>
        tpu.enqueue_dma source(%dma_start3A_241 : memref<128x128xf32, #tpu.memory_space<hbm>>) target(%arg8 : memref<128x128xf32, #tpu.memory_space<vmem>>) target_semaphore(%run_scoped3A_238 : memref<!tpu.dma_semaphore, #tpu.memory_space<semaphore_mem>>)
        %dma_wait3A = arith.constant 0 : i32
        %dma_wait3A_242 = tpu.memref_slice %arg3[%add3A_57, %dma_wait3A] : memref<32768x128xf32, #tpu.memory_space<hbm>> -> memref<128x128xf32, #tpu.memory_space<hbm>>
        %dma_wait3A_243 = arith.constant 0 : i32
        %dma_wait3A_244 = tpu.memref_slice %arg3[%add3A_57, %dma_wait3A_243] : memref<32768x128xf32, #tpu.memory_space<hbm>> -> memref<128x128xf32, #tpu.memory_space<hbm>>
        tpu.wait_dma2 semaphore(%run_scoped3A_238 : memref<!tpu.dma_semaphore, #tpu.memory_space<semaphore_mem>>) src(%dma_wait3A_244 : memref<128x128xf32, #tpu.memory_space<hbm>>) dst(%arg8 : memref<128x128xf32, #tpu.memory_space<vmem>>)
        tpu.yield
      }) : () -> ()
    } else {
    }
    %run_scoped3A_68 = arith.constant 3 : i32
    "tpu.region"() ({
      %run_scoped3A_238 = tpu.sem_alloc : memref<!tpu.dma_semaphore, #tpu.memory_space<semaphore_mem>>
      %dma_start3A = arith.constant 0 : i32
      %dma_start3A_239 = tpu.memref_slice %arg7[%run_scoped3A_68, %dma_start3A] : memref<16x128xi32, #tpu.memory_space<vmem>> -> memref<1x128xi32, #tpu.memory_space<vmem>>
      %dma_start3A_240 = tpu.memref_squeeze %dma_start3A_239 : memref<1x128xi32, #tpu.memory_space<vmem>> -> memref<128xi32, #tpu.memory_space<vmem>>
      %dma_start3A_241 = arith.constant 0 : i32
      %dma_start3A_242 = arith.constant 0 : i32
      %dma_start3A_243 = tpu.memref_slice %arg10[%dma_start3A_241, %dma_start3A_242] : memref<8192x128xf32, #tpu.memory_space<vmem_shared>> -> memref<8192x128xf32, #tpu.memory_space<vmem_shared>>
      tpu.enqueue_indirect_dma source(%arg8 : memref<128x128xf32, #tpu.memory_space<vmem>>) target(%dma_start3A_243 : memref<8192x128xf32, #tpu.memory_space<vmem_shared>>) offsets(%dma_start3A_240 : memref<128xi32, #tpu.memory_space<vmem>>) semaphore(%run_scoped3A_238 : memref<!tpu.dma_semaphore, #tpu.memory_space<semaphore_mem>>) {add = true}
      %dma_wait3A = arith.constant 0 : i32
      %dma_wait3A_244 = tpu.memref_slice %arg7[%run_scoped3A_68, %dma_wait3A] : memref<16x128xi32, #tpu.memory_space<vmem>> -> memref<1x128xi32, #tpu.memory_space<vmem>>
      %dma_wait3A_245 = tpu.memref_squeeze %dma_wait3A_244 : memref<1x128xi32, #tpu.memory_space<vmem>> -> memref<128xi32, #tpu.memory_space<vmem>>
      %dma_wait3A_246 = arith.constant 0 : i32
      %dma_wait3A_247 = arith.constant 0 : i32
      %dma_wait3A_248 = tpu.memref_slice %arg10[%dma_wait3A_246, %dma_wait3A_247] : memref<8192x128xf32, #tpu.memory_space<vmem_shared>> -> memref<8192x128xf32, #tpu.memory_space<vmem_shared>>
      tpu.wait_indirect_dma semaphore(%run_scoped3A_238 : memref<!tpu.dma_semaphore, #tpu.memory_space<semaphore_mem>>) src(%arg8 : memref<128x128xf32, #tpu.memory_space<vmem>>) dst(%dma_wait3A_248 : memref<8192x128xf32, #tpu.memory_space<vmem_shared>>)
      tpu.yield
    }) : () -> ()
    %add3A_69 = arith.constant 512 : i32
    %add3A_70 = arith.addi %mul3A_20, %add3A_69 : i32
    %eq3A_71 = arith.constant 0 : i32
    %eq3A_72 = arith.cmpi eq, %arg0, %eq3A_71 : i32
    %convert_element_type3A_73 = arith.extui %eq3A_72 : i1 to i32
    %cond3A_74 = arith.constant 0 : i32
    %cond3A_75 = arith.cmpi ne, %convert_element_type3A_73, %cond3A_74 : i32
    scf.if %cond3A_75 {
      "tpu.region"() ({
        %run_scoped3A_238 = tpu.sem_alloc : memref<!tpu.dma_semaphore, #tpu.memory_space<semaphore_mem>>
        %dma_start3A = arith.constant 0 : i32
        %dma_start3A_239 = tpu.memref_slice %arg2[%add3A_70, %dma_start3A] : memref<32768x128xf32, #tpu.memory_space<hbm>> -> memref<128x128xf32, #tpu.memory_space<hbm>>
        %dma_start3A_240 = arith.constant 0 : i32
        %dma_start3A_241 = tpu.memref_slice %arg2[%add3A_70, %dma_start3A_240] : memref<32768x128xf32, #tpu.memory_space<hbm>> -> memref<128x128xf32, #tpu.memory_space<hbm>>
        tpu.enqueue_dma source(%dma_start3A_241 : memref<128x128xf32, #tpu.memory_space<hbm>>) target(%arg8 : memref<128x128xf32, #tpu.memory_space<vmem>>) target_semaphore(%run_scoped3A_238 : memref<!tpu.dma_semaphore, #tpu.memory_space<semaphore_mem>>)
        %dma_wait3A = arith.constant 0 : i32
        %dma_wait3A_242 = tpu.memref_slice %arg2[%add3A_70, %dma_wait3A] : memref<32768x128xf32, #tpu.memory_space<hbm>> -> memref<128x128xf32, #tpu.memory_space<hbm>>
        %dma_wait3A_243 = arith.constant 0 : i32
        %dma_wait3A_244 = tpu.memref_slice %arg2[%add3A_70, %dma_wait3A_243] : memref<32768x128xf32, #tpu.memory_space<hbm>> -> memref<128x128xf32, #tpu.memory_space<hbm>>
        tpu.wait_dma2 semaphore(%run_scoped3A_238 : memref<!tpu.dma_semaphore, #tpu.memory_space<semaphore_mem>>) src(%dma_wait3A_244 : memref<128x128xf32, #tpu.memory_space<hbm>>) dst(%arg8 : memref<128x128xf32, #tpu.memory_space<vmem>>)
        tpu.yield
      }) : () -> ()
    } else {
    }
    %eq3A_76 = arith.constant 1 : i32
    %eq3A_77 = arith.cmpi eq, %arg0, %eq3A_76 : i32
    %convert_element_type3A_78 = arith.extui %eq3A_77 : i1 to i32
    %cond3A_79 = arith.constant 0 : i32
    %cond3A_80 = arith.cmpi ne, %convert_element_type3A_78, %cond3A_79 : i32
    scf.if %cond3A_80 {
      "tpu.region"() ({
        %run_scoped3A_238 = tpu.sem_alloc : memref<!tpu.dma_semaphore, #tpu.memory_space<semaphore_mem>>
        %dma_start3A = arith.constant 0 : i32
        %dma_start3A_239 = tpu.memref_slice %arg3[%add3A_70, %dma_start3A] : memref<32768x128xf32, #tpu.memory_space<hbm>> -> memref<128x128xf32, #tpu.memory_space<hbm>>
        %dma_start3A_240 = arith.constant 0 : i32
        %dma_start3A_241 = tpu.memref_slice %arg3[%add3A_70, %dma_start3A_240] : memref<32768x128xf32, #tpu.memory_space<hbm>> -> memref<128x128xf32, #tpu.memory_space<hbm>>
        tpu.enqueue_dma source(%dma_start3A_241 : memref<128x128xf32, #tpu.memory_space<hbm>>) target(%arg8 : memref<128x128xf32, #tpu.memory_space<vmem>>) target_semaphore(%run_scoped3A_238 : memref<!tpu.dma_semaphore, #tpu.memory_space<semaphore_mem>>)
        %dma_wait3A = arith.constant 0 : i32
        %dma_wait3A_242 = tpu.memref_slice %arg3[%add3A_70, %dma_wait3A] : memref<32768x128xf32, #tpu.memory_space<hbm>> -> memref<128x128xf32, #tpu.memory_space<hbm>>
        %dma_wait3A_243 = arith.constant 0 : i32
        %dma_wait3A_244 = tpu.memref_slice %arg3[%add3A_70, %dma_wait3A_243] : memref<32768x128xf32, #tpu.memory_space<hbm>> -> memref<128x128xf32, #tpu.memory_space<hbm>>
        tpu.wait_dma2 semaphore(%run_scoped3A_238 : memref<!tpu.dma_semaphore, #tpu.memory_space<semaphore_mem>>) src(%dma_wait3A_244 : memref<128x128xf32, #tpu.memory_space<hbm>>) dst(%arg8 : memref<128x128xf32, #tpu.memory_space<vmem>>)
        tpu.yield
      }) : () -> ()
    } else {
    }
    %run_scoped3A_81 = arith.constant 4 : i32
    "tpu.region"() ({
      %run_scoped3A_238 = tpu.sem_alloc : memref<!tpu.dma_semaphore, #tpu.memory_space<semaphore_mem>>
      %dma_start3A = arith.constant 0 : i32
      %dma_start3A_239 = tpu.memref_slice %arg7[%run_scoped3A_81, %dma_start3A] : memref<16x128xi32, #tpu.memory_space<vmem>> -> memref<1x128xi32, #tpu.memory_space<vmem>>
      %dma_start3A_240 = tpu.memref_squeeze %dma_start3A_239 : memref<1x128xi32, #tpu.memory_space<vmem>> -> memref<128xi32, #tpu.memory_space<vmem>>
      %dma_start3A_241 = arith.constant 0 : i32
      %dma_start3A_242 = arith.constant 0 : i32
      %dma_start3A_243 = tpu.memref_slice %arg10[%dma_start3A_241, %dma_start3A_242] : memref<8192x128xf32, #tpu.memory_space<vmem_shared>> -> memref<8192x128xf32, #tpu.memory_space<vmem_shared>>
      tpu.enqueue_indirect_dma source(%arg8 : memref<128x128xf32, #tpu.memory_space<vmem>>) target(%dma_start3A_243 : memref<8192x128xf32, #tpu.memory_space<vmem_shared>>) offsets(%dma_start3A_240 : memref<128xi32, #tpu.memory_space<vmem>>) semaphore(%run_scoped3A_238 : memref<!tpu.dma_semaphore, #tpu.memory_space<semaphore_mem>>) {add = true}
      %dma_wait3A = arith.constant 0 : i32
      %dma_wait3A_244 = tpu.memref_slice %arg7[%run_scoped3A_81, %dma_wait3A] : memref<16x128xi32, #tpu.memory_space<vmem>> -> memref<1x128xi32, #tpu.memory_space<vmem>>
      %dma_wait3A_245 = tpu.memref_squeeze %dma_wait3A_244 : memref<1x128xi32, #tpu.memory_space<vmem>> -> memref<128xi32, #tpu.memory_space<vmem>>
      %dma_wait3A_246 = arith.constant 0 : i32
      %dma_wait3A_247 = arith.constant 0 : i32
      %dma_wait3A_248 = tpu.memref_slice %arg10[%dma_wait3A_246, %dma_wait3A_247] : memref<8192x128xf32, #tpu.memory_space<vmem_shared>> -> memref<8192x128xf32, #tpu.memory_space<vmem_shared>>
      tpu.wait_indirect_dma semaphore(%run_scoped3A_238 : memref<!tpu.dma_semaphore, #tpu.memory_space<semaphore_mem>>) src(%arg8 : memref<128x128xf32, #tpu.memory_space<vmem>>) dst(%dma_wait3A_248 : memref<8192x128xf32, #tpu.memory_space<vmem_shared>>)
      tpu.yield
    }) : () -> ()
    %add3A_82 = arith.constant 640 : i32
    %add3A_83 = arith.addi %mul3A_20, %add3A_82 : i32
    %eq3A_84 = arith.constant 0 : i32
    %eq3A_85 = arith.cmpi eq, %arg0, %eq3A_84 : i32
    %convert_element_type3A_86 = arith.extui %eq3A_85 : i1 to i32
    %cond3A_87 = arith.constant 0 : i32
    %cond3A_88 = arith.cmpi ne, %convert_element_type3A_86, %cond3A_87 : i32
    scf.if %cond3A_88 {
      "tpu.region"() ({
        %run_scoped3A_238 = tpu.sem_alloc : memref<!tpu.dma_semaphore, #tpu.memory_space<semaphore_mem>>
        %dma_start3A = arith.constant 0 : i32
        %dma_start3A_239 = tpu.memref_slice %arg2[%add3A_83, %dma_start3A] : memref<32768x128xf32, #tpu.memory_space<hbm>> -> memref<128x128xf32, #tpu.memory_space<hbm>>
        %dma_start3A_240 = arith.constant 0 : i32
        %dma_start3A_241 = tpu.memref_slice %arg2[%add3A_83, %dma_start3A_240] : memref<32768x128xf32, #tpu.memory_space<hbm>> -> memref<128x128xf32, #tpu.memory_space<hbm>>
        tpu.enqueue_dma source(%dma_start3A_241 : memref<128x128xf32, #tpu.memory_space<hbm>>) target(%arg8 : memref<128x128xf32, #tpu.memory_space<vmem>>) target_semaphore(%run_scoped3A_238 : memref<!tpu.dma_semaphore, #tpu.memory_space<semaphore_mem>>)
        %dma_wait3A = arith.constant 0 : i32
        %dma_wait3A_242 = tpu.memref_slice %arg2[%add3A_83, %dma_wait3A] : memref<32768x128xf32, #tpu.memory_space<hbm>> -> memref<128x128xf32, #tpu.memory_space<hbm>>
        %dma_wait3A_243 = arith.constant 0 : i32
        %dma_wait3A_244 = tpu.memref_slice %arg2[%add3A_83, %dma_wait3A_243] : memref<32768x128xf32, #tpu.memory_space<hbm>> -> memref<128x128xf32, #tpu.memory_space<hbm>>
        tpu.wait_dma2 semaphore(%run_scoped3A_238 : memref<!tpu.dma_semaphore, #tpu.memory_space<semaphore_mem>>) src(%dma_wait3A_244 : memref<128x128xf32, #tpu.memory_space<hbm>>) dst(%arg8 : memref<128x128xf32, #tpu.memory_space<vmem>>)
        tpu.yield
      }) : () -> ()
    } else {
    }
    %eq3A_89 = arith.constant 1 : i32
    %eq3A_90 = arith.cmpi eq, %arg0, %eq3A_89 : i32
    %convert_element_type3A_91 = arith.extui %eq3A_90 : i1 to i32
    %cond3A_92 = arith.constant 0 : i32
    %cond3A_93 = arith.cmpi ne, %convert_element_type3A_91, %cond3A_92 : i32
    scf.if %cond3A_93 {
      "tpu.region"() ({
        %run_scoped3A_238 = tpu.sem_alloc : memref<!tpu.dma_semaphore, #tpu.memory_space<semaphore_mem>>
        %dma_start3A = arith.constant 0 : i32
        %dma_start3A_239 = tpu.memref_slice %arg3[%add3A_83, %dma_start3A] : memref<32768x128xf32, #tpu.memory_space<hbm>> -> memref<128x128xf32, #tpu.memory_space<hbm>>
        %dma_start3A_240 = arith.constant 0 : i32
        %dma_start3A_241 = tpu.memref_slice %arg3[%add3A_83, %dma_start3A_240] : memref<32768x128xf32, #tpu.memory_space<hbm>> -> memref<128x128xf32, #tpu.memory_space<hbm>>
        tpu.enqueue_dma source(%dma_start3A_241 : memref<128x128xf32, #tpu.memory_space<hbm>>) target(%arg8 : memref<128x128xf32, #tpu.memory_space<vmem>>) target_semaphore(%run_scoped3A_238 : memref<!tpu.dma_semaphore, #tpu.memory_space<semaphore_mem>>)
        %dma_wait3A = arith.constant 0 : i32
        %dma_wait3A_242 = tpu.memref_slice %arg3[%add3A_83, %dma_wait3A] : memref<32768x128xf32, #tpu.memory_space<hbm>> -> memref<128x128xf32, #tpu.memory_space<hbm>>
        %dma_wait3A_243 = arith.constant 0 : i32
        %dma_wait3A_244 = tpu.memref_slice %arg3[%add3A_83, %dma_wait3A_243] : memref<32768x128xf32, #tpu.memory_space<hbm>> -> memref<128x128xf32, #tpu.memory_space<hbm>>
        tpu.wait_dma2 semaphore(%run_scoped3A_238 : memref<!tpu.dma_semaphore, #tpu.memory_space<semaphore_mem>>) src(%dma_wait3A_244 : memref<128x128xf32, #tpu.memory_space<hbm>>) dst(%arg8 : memref<128x128xf32, #tpu.memory_space<vmem>>)
        tpu.yield
      }) : () -> ()
    } else {
    }
    %run_scoped3A_94 = arith.constant 5 : i32
    "tpu.region"() ({
      %run_scoped3A_238 = tpu.sem_alloc : memref<!tpu.dma_semaphore, #tpu.memory_space<semaphore_mem>>
      %dma_start3A = arith.constant 0 : i32
      %dma_start3A_239 = tpu.memref_slice %arg7[%run_scoped3A_94, %dma_start3A] : memref<16x128xi32, #tpu.memory_space<vmem>> -> memref<1x128xi32, #tpu.memory_space<vmem>>
      %dma_start3A_240 = tpu.memref_squeeze %dma_start3A_239 : memref<1x128xi32, #tpu.memory_space<vmem>> -> memref<128xi32, #tpu.memory_space<vmem>>
      %dma_start3A_241 = arith.constant 0 : i32
      %dma_start3A_242 = arith.constant 0 : i32
      %dma_start3A_243 = tpu.memref_slice %arg10[%dma_start3A_241, %dma_start3A_242] : memref<8192x128xf32, #tpu.memory_space<vmem_shared>> -> memref<8192x128xf32, #tpu.memory_space<vmem_shared>>
      tpu.enqueue_indirect_dma source(%arg8 : memref<128x128xf32, #tpu.memory_space<vmem>>) target(%dma_start3A_243 : memref<8192x128xf32, #tpu.memory_space<vmem_shared>>) offsets(%dma_start3A_240 : memref<128xi32, #tpu.memory_space<vmem>>) semaphore(%run_scoped3A_238 : memref<!tpu.dma_semaphore, #tpu.memory_space<semaphore_mem>>) {add = true}
      %dma_wait3A = arith.constant 0 : i32
      %dma_wait3A_244 = tpu.memref_slice %arg7[%run_scoped3A_94, %dma_wait3A] : memref<16x128xi32, #tpu.memory_space<vmem>> -> memref<1x128xi32, #tpu.memory_space<vmem>>
      %dma_wait3A_245 = tpu.memref_squeeze %dma_wait3A_244 : memref<1x128xi32, #tpu.memory_space<vmem>> -> memref<128xi32, #tpu.memory_space<vmem>>
      %dma_wait3A_246 = arith.constant 0 : i32
      %dma_wait3A_247 = arith.constant 0 : i32
      %dma_wait3A_248 = tpu.memref_slice %arg10[%dma_wait3A_246, %dma_wait3A_247] : memref<8192x128xf32, #tpu.memory_space<vmem_shared>> -> memref<8192x128xf32, #tpu.memory_space<vmem_shared>>
      tpu.wait_indirect_dma semaphore(%run_scoped3A_238 : memref<!tpu.dma_semaphore, #tpu.memory_space<semaphore_mem>>) src(%arg8 : memref<128x128xf32, #tpu.memory_space<vmem>>) dst(%dma_wait3A_248 : memref<8192x128xf32, #tpu.memory_space<vmem_shared>>)
      tpu.yield
    }) : () -> ()
    %add3A_95 = arith.constant 768 : i32
    %add3A_96 = arith.addi %mul3A_20, %add3A_95 : i32
    %eq3A_97 = arith.constant 0 : i32
    %eq3A_98 = arith.cmpi eq, %arg0, %eq3A_97 : i32
    %convert_element_type3A_99 = arith.extui %eq3A_98 : i1 to i32
    %cond3A_100 = arith.constant 0 : i32
    %cond3A_101 = arith.cmpi ne, %convert_element_type3A_99, %cond3A_100 : i32
    scf.if %cond3A_101 {
      "tpu.region"() ({
        %run_scoped3A_238 = tpu.sem_alloc : memref<!tpu.dma_semaphore, #tpu.memory_space<semaphore_mem>>
        %dma_start3A = arith.constant 0 : i32
        %dma_start3A_239 = tpu.memref_slice %arg2[%add3A_96, %dma_start3A] : memref<32768x128xf32, #tpu.memory_space<hbm>> -> memref<128x128xf32, #tpu.memory_space<hbm>>
        %dma_start3A_240 = arith.constant 0 : i32
        %dma_start3A_241 = tpu.memref_slice %arg2[%add3A_96, %dma_start3A_240] : memref<32768x128xf32, #tpu.memory_space<hbm>> -> memref<128x128xf32, #tpu.memory_space<hbm>>
        tpu.enqueue_dma source(%dma_start3A_241 : memref<128x128xf32, #tpu.memory_space<hbm>>) target(%arg8 : memref<128x128xf32, #tpu.memory_space<vmem>>) target_semaphore(%run_scoped3A_238 : memref<!tpu.dma_semaphore, #tpu.memory_space<semaphore_mem>>)
        %dma_wait3A = arith.constant 0 : i32
        %dma_wait3A_242 = tpu.memref_slice %arg2[%add3A_96, %dma_wait3A] : memref<32768x128xf32, #tpu.memory_space<hbm>> -> memref<128x128xf32, #tpu.memory_space<hbm>>
        %dma_wait3A_243 = arith.constant 0 : i32
        %dma_wait3A_244 = tpu.memref_slice %arg2[%add3A_96, %dma_wait3A_243] : memref<32768x128xf32, #tpu.memory_space<hbm>> -> memref<128x128xf32, #tpu.memory_space<hbm>>
        tpu.wait_dma2 semaphore(%run_scoped3A_238 : memref<!tpu.dma_semaphore, #tpu.memory_space<semaphore_mem>>) src(%dma_wait3A_244 : memref<128x128xf32, #tpu.memory_space<hbm>>) dst(%arg8 : memref<128x128xf32, #tpu.memory_space<vmem>>)
        tpu.yield
      }) : () -> ()
    } else {
    }
    %eq3A_102 = arith.constant 1 : i32
    %eq3A_103 = arith.cmpi eq, %arg0, %eq3A_102 : i32
    %convert_element_type3A_104 = arith.extui %eq3A_103 : i1 to i32
    %cond3A_105 = arith.constant 0 : i32
    %cond3A_106 = arith.cmpi ne, %convert_element_type3A_104, %cond3A_105 : i32
    scf.if %cond3A_106 {
      "tpu.region"() ({
        %run_scoped3A_238 = tpu.sem_alloc : memref<!tpu.dma_semaphore, #tpu.memory_space<semaphore_mem>>
        %dma_start3A = arith.constant 0 : i32
        %dma_start3A_239 = tpu.memref_slice %arg3[%add3A_96, %dma_start3A] : memref<32768x128xf32, #tpu.memory_space<hbm>> -> memref<128x128xf32, #tpu.memory_space<hbm>>
        %dma_start3A_240 = arith.constant 0 : i32
        %dma_start3A_241 = tpu.memref_slice %arg3[%add3A_96, %dma_start3A_240] : memref<32768x128xf32, #tpu.memory_space<hbm>> -> memref<128x128xf32, #tpu.memory_space<hbm>>
        tpu.enqueue_dma source(%dma_start3A_241 : memref<128x128xf32, #tpu.memory_space<hbm>>) target(%arg8 : memref<128x128xf32, #tpu.memory_space<vmem>>) target_semaphore(%run_scoped3A_238 : memref<!tpu.dma_semaphore, #tpu.memory_space<semaphore_mem>>)
        %dma_wait3A = arith.constant 0 : i32
        %dma_wait3A_242 = tpu.memref_slice %arg3[%add3A_96, %dma_wait3A] : memref<32768x128xf32, #tpu.memory_space<hbm>> -> memref<128x128xf32, #tpu.memory_space<hbm>>
        %dma_wait3A_243 = arith.constant 0 : i32
        %dma_wait3A_244 = tpu.memref_slice %arg3[%add3A_96, %dma_wait3A_243] : memref<32768x128xf32, #tpu.memory_space<hbm>> -> memref<128x128xf32, #tpu.memory_space<hbm>>
        tpu.wait_dma2 semaphore(%run_scoped3A_238 : memref<!tpu.dma_semaphore, #tpu.memory_space<semaphore_mem>>) src(%dma_wait3A_244 : memref<128x128xf32, #tpu.memory_space<hbm>>) dst(%arg8 : memref<128x128xf32, #tpu.memory_space<vmem>>)
        tpu.yield
      }) : () -> ()
    } else {
    }
    %run_scoped3A_107 = arith.constant 6 : i32
    "tpu.region"() ({
      %run_scoped3A_238 = tpu.sem_alloc : memref<!tpu.dma_semaphore, #tpu.memory_space<semaphore_mem>>
      %dma_start3A = arith.constant 0 : i32
      %dma_start3A_239 = tpu.memref_slice %arg7[%run_scoped3A_107, %dma_start3A] : memref<16x128xi32, #tpu.memory_space<vmem>> -> memref<1x128xi32, #tpu.memory_space<vmem>>
      %dma_start3A_240 = tpu.memref_squeeze %dma_start3A_239 : memref<1x128xi32, #tpu.memory_space<vmem>> -> memref<128xi32, #tpu.memory_space<vmem>>
      %dma_start3A_241 = arith.constant 0 : i32
      %dma_start3A_242 = arith.constant 0 : i32
      %dma_start3A_243 = tpu.memref_slice %arg10[%dma_start3A_241, %dma_start3A_242] : memref<8192x128xf32, #tpu.memory_space<vmem_shared>> -> memref<8192x128xf32, #tpu.memory_space<vmem_shared>>
      tpu.enqueue_indirect_dma source(%arg8 : memref<128x128xf32, #tpu.memory_space<vmem>>) target(%dma_start3A_243 : memref<8192x128xf32, #tpu.memory_space<vmem_shared>>) offsets(%dma_start3A_240 : memref<128xi32, #tpu.memory_space<vmem>>) semaphore(%run_scoped3A_238 : memref<!tpu.dma_semaphore, #tpu.memory_space<semaphore_mem>>) {add = true}
      %dma_wait3A = arith.constant 0 : i32
      %dma_wait3A_244 = tpu.memref_slice %arg7[%run_scoped3A_107, %dma_wait3A] : memref<16x128xi32, #tpu.memory_space<vmem>> -> memref<1x128xi32, #tpu.memory_space<vmem>>
      %dma_wait3A_245 = tpu.memref_squeeze %dma_wait3A_244 : memref<1x128xi32, #tpu.memory_space<vmem>> -> memref<128xi32, #tpu.memory_space<vmem>>
      %dma_wait3A_246 = arith.constant 0 : i32
      %dma_wait3A_247 = arith.constant 0 : i32
      %dma_wait3A_248 = tpu.memref_slice %arg10[%dma_wait3A_246, %dma_wait3A_247] : memref<8192x128xf32, #tpu.memory_space<vmem_shared>> -> memref<8192x128xf32, #tpu.memory_space<vmem_shared>>
      tpu.wait_indirect_dma semaphore(%run_scoped3A_238 : memref<!tpu.dma_semaphore, #tpu.memory_space<semaphore_mem>>) src(%arg8 : memref<128x128xf32, #tpu.memory_space<vmem>>) dst(%dma_wait3A_248 : memref<8192x128xf32, #tpu.memory_space<vmem_shared>>)
      tpu.yield
    }) : () -> ()
    %add3A_108 = arith.constant 896 : i32
    %add3A_109 = arith.addi %mul3A_20, %add3A_108 : i32
    %eq3A_110 = arith.constant 0 : i32
    %eq3A_111 = arith.cmpi eq, %arg0, %eq3A_110 : i32
    %convert_element_type3A_112 = arith.extui %eq3A_111 : i1 to i32
    %cond3A_113 = arith.constant 0 : i32
    %cond3A_114 = arith.cmpi ne, %convert_element_type3A_112, %cond3A_113 : i32
    scf.if %cond3A_114 {
      "tpu.region"() ({
        %run_scoped3A_238 = tpu.sem_alloc : memref<!tpu.dma_semaphore, #tpu.memory_space<semaphore_mem>>
        %dma_start3A = arith.constant 0 : i32
        %dma_start3A_239 = tpu.memref_slice %arg2[%add3A_109, %dma_start3A] : memref<32768x128xf32, #tpu.memory_space<hbm>> -> memref<128x128xf32, #tpu.memory_space<hbm>>
        %dma_start3A_240 = arith.constant 0 : i32
        %dma_start3A_241 = tpu.memref_slice %arg2[%add3A_109, %dma_start3A_240] : memref<32768x128xf32, #tpu.memory_space<hbm>> -> memref<128x128xf32, #tpu.memory_space<hbm>>
        tpu.enqueue_dma source(%dma_start3A_241 : memref<128x128xf32, #tpu.memory_space<hbm>>) target(%arg8 : memref<128x128xf32, #tpu.memory_space<vmem>>) target_semaphore(%run_scoped3A_238 : memref<!tpu.dma_semaphore, #tpu.memory_space<semaphore_mem>>)
        %dma_wait3A = arith.constant 0 : i32
        %dma_wait3A_242 = tpu.memref_slice %arg2[%add3A_109, %dma_wait3A] : memref<32768x128xf32, #tpu.memory_space<hbm>> -> memref<128x128xf32, #tpu.memory_space<hbm>>
        %dma_wait3A_243 = arith.constant 0 : i32
        %dma_wait3A_244 = tpu.memref_slice %arg2[%add3A_109, %dma_wait3A_243] : memref<32768x128xf32, #tpu.memory_space<hbm>> -> memref<128x128xf32, #tpu.memory_space<hbm>>
        tpu.wait_dma2 semaphore(%run_scoped3A_238 : memref<!tpu.dma_semaphore, #tpu.memory_space<semaphore_mem>>) src(%dma_wait3A_244 : memref<128x128xf32, #tpu.memory_space<hbm>>) dst(%arg8 : memref<128x128xf32, #tpu.memory_space<vmem>>)
        tpu.yield
      }) : () -> ()
    } else {
    }
    %eq3A_115 = arith.constant 1 : i32
    %eq3A_116 = arith.cmpi eq, %arg0, %eq3A_115 : i32
    %convert_element_type3A_117 = arith.extui %eq3A_116 : i1 to i32
    %cond3A_118 = arith.constant 0 : i32
    %cond3A_119 = arith.cmpi ne, %convert_element_type3A_117, %cond3A_118 : i32
    scf.if %cond3A_119 {
      "tpu.region"() ({
        %run_scoped3A_238 = tpu.sem_alloc : memref<!tpu.dma_semaphore, #tpu.memory_space<semaphore_mem>>
        %dma_start3A = arith.constant 0 : i32
        %dma_start3A_239 = tpu.memref_slice %arg3[%add3A_109, %dma_start3A] : memref<32768x128xf32, #tpu.memory_space<hbm>> -> memref<128x128xf32, #tpu.memory_space<hbm>>
        %dma_start3A_240 = arith.constant 0 : i32
        %dma_start3A_241 = tpu.memref_slice %arg3[%add3A_109, %dma_start3A_240] : memref<32768x128xf32, #tpu.memory_space<hbm>> -> memref<128x128xf32, #tpu.memory_space<hbm>>
        tpu.enqueue_dma source(%dma_start3A_241 : memref<128x128xf32, #tpu.memory_space<hbm>>) target(%arg8 : memref<128x128xf32, #tpu.memory_space<vmem>>) target_semaphore(%run_scoped3A_238 : memref<!tpu.dma_semaphore, #tpu.memory_space<semaphore_mem>>)
        %dma_wait3A = arith.constant 0 : i32
        %dma_wait3A_242 = tpu.memref_slice %arg3[%add3A_109, %dma_wait3A] : memref<32768x128xf32, #tpu.memory_space<hbm>> -> memref<128x128xf32, #tpu.memory_space<hbm>>
        %dma_wait3A_243 = arith.constant 0 : i32
        %dma_wait3A_244 = tpu.memref_slice %arg3[%add3A_109, %dma_wait3A_243] : memref<32768x128xf32, #tpu.memory_space<hbm>> -> memref<128x128xf32, #tpu.memory_space<hbm>>
        tpu.wait_dma2 semaphore(%run_scoped3A_238 : memref<!tpu.dma_semaphore, #tpu.memory_space<semaphore_mem>>) src(%dma_wait3A_244 : memref<128x128xf32, #tpu.memory_space<hbm>>) dst(%arg8 : memref<128x128xf32, #tpu.memory_space<vmem>>)
        tpu.yield
      }) : () -> ()
    } else {
    }
    %run_scoped3A_120 = arith.constant 7 : i32
    "tpu.region"() ({
      %run_scoped3A_238 = tpu.sem_alloc : memref<!tpu.dma_semaphore, #tpu.memory_space<semaphore_mem>>
      %dma_start3A = arith.constant 0 : i32
      %dma_start3A_239 = tpu.memref_slice %arg7[%run_scoped3A_120, %dma_start3A] : memref<16x128xi32, #tpu.memory_space<vmem>> -> memref<1x128xi32, #tpu.memory_space<vmem>>
      %dma_start3A_240 = tpu.memref_squeeze %dma_start3A_239 : memref<1x128xi32, #tpu.memory_space<vmem>> -> memref<128xi32, #tpu.memory_space<vmem>>
      %dma_start3A_241 = arith.constant 0 : i32
      %dma_start3A_242 = arith.constant 0 : i32
      %dma_start3A_243 = tpu.memref_slice %arg10[%dma_start3A_241, %dma_start3A_242] : memref<8192x128xf32, #tpu.memory_space<vmem_shared>> -> memref<8192x128xf32, #tpu.memory_space<vmem_shared>>
      tpu.enqueue_indirect_dma source(%arg8 : memref<128x128xf32, #tpu.memory_space<vmem>>) target(%dma_start3A_243 : memref<8192x128xf32, #tpu.memory_space<vmem_shared>>) offsets(%dma_start3A_240 : memref<128xi32, #tpu.memory_space<vmem>>) semaphore(%run_scoped3A_238 : memref<!tpu.dma_semaphore, #tpu.memory_space<semaphore_mem>>) {add = true}
      %dma_wait3A = arith.constant 0 : i32
      %dma_wait3A_244 = tpu.memref_slice %arg7[%run_scoped3A_120, %dma_wait3A] : memref<16x128xi32, #tpu.memory_space<vmem>> -> memref<1x128xi32, #tpu.memory_space<vmem>>
      %dma_wait3A_245 = tpu.memref_squeeze %dma_wait3A_244 : memref<1x128xi32, #tpu.memory_space<vmem>> -> memref<128xi32, #tpu.memory_space<vmem>>
      %dma_wait3A_246 = arith.constant 0 : i32
      %dma_wait3A_247 = arith.constant 0 : i32
      %dma_wait3A_248 = tpu.memref_slice %arg10[%dma_wait3A_246, %dma_wait3A_247] : memref<8192x128xf32, #tpu.memory_space<vmem_shared>> -> memref<8192x128xf32, #tpu.memory_space<vmem_shared>>
      tpu.wait_indirect_dma semaphore(%run_scoped3A_238 : memref<!tpu.dma_semaphore, #tpu.memory_space<semaphore_mem>>) src(%arg8 : memref<128x128xf32, #tpu.memory_space<vmem>>) dst(%dma_wait3A_248 : memref<8192x128xf32, #tpu.memory_space<vmem_shared>>)
      tpu.yield
    }) : () -> ()
    %add3A_121 = arith.constant 1024 : i32
    %add3A_122 = arith.addi %mul3A_20, %add3A_121 : i32
    %eq3A_123 = arith.constant 0 : i32
    %eq3A_124 = arith.cmpi eq, %arg0, %eq3A_123 : i32
    %convert_element_type3A_125 = arith.extui %eq3A_124 : i1 to i32
    %cond3A_126 = arith.constant 0 : i32
    %cond3A_127 = arith.cmpi ne, %convert_element_type3A_125, %cond3A_126 : i32
    scf.if %cond3A_127 {
      "tpu.region"() ({
        %run_scoped3A_238 = tpu.sem_alloc : memref<!tpu.dma_semaphore, #tpu.memory_space<semaphore_mem>>
        %dma_start3A = arith.constant 0 : i32
        %dma_start3A_239 = tpu.memref_slice %arg2[%add3A_122, %dma_start3A] : memref<32768x128xf32, #tpu.memory_space<hbm>> -> memref<128x128xf32, #tpu.memory_space<hbm>>
        %dma_start3A_240 = arith.constant 0 : i32
        %dma_start3A_241 = tpu.memref_slice %arg2[%add3A_122, %dma_start3A_240] : memref<32768x128xf32, #tpu.memory_space<hbm>> -> memref<128x128xf32, #tpu.memory_space<hbm>>
        tpu.enqueue_dma source(%dma_start3A_241 : memref<128x128xf32, #tpu.memory_space<hbm>>) target(%arg8 : memref<128x128xf32, #tpu.memory_space<vmem>>) target_semaphore(%run_scoped3A_238 : memref<!tpu.dma_semaphore, #tpu.memory_space<semaphore_mem>>)
        %dma_wait3A = arith.constant 0 : i32
        %dma_wait3A_242 = tpu.memref_slice %arg2[%add3A_122, %dma_wait3A] : memref<32768x128xf32, #tpu.memory_space<hbm>> -> memref<128x128xf32, #tpu.memory_space<hbm>>
        %dma_wait3A_243 = arith.constant 0 : i32
        %dma_wait3A_244 = tpu.memref_slice %arg2[%add3A_122, %dma_wait3A_243] : memref<32768x128xf32, #tpu.memory_space<hbm>> -> memref<128x128xf32, #tpu.memory_space<hbm>>
        tpu.wait_dma2 semaphore(%run_scoped3A_238 : memref<!tpu.dma_semaphore, #tpu.memory_space<semaphore_mem>>) src(%dma_wait3A_244 : memref<128x128xf32, #tpu.memory_space<hbm>>) dst(%arg8 : memref<128x128xf32, #tpu.memory_space<vmem>>)
        tpu.yield
      }) : () -> ()
    } else {
    }
    %eq3A_128 = arith.constant 1 : i32
    %eq3A_129 = arith.cmpi eq, %arg0, %eq3A_128 : i32
    %convert_element_type3A_130 = arith.extui %eq3A_129 : i1 to i32
    %cond3A_131 = arith.constant 0 : i32
    %cond3A_132 = arith.cmpi ne, %convert_element_type3A_130, %cond3A_131 : i32
    scf.if %cond3A_132 {
      "tpu.region"() ({
        %run_scoped3A_238 = tpu.sem_alloc : memref<!tpu.dma_semaphore, #tpu.memory_space<semaphore_mem>>
        %dma_start3A = arith.constant 0 : i32
        %dma_start3A_239 = tpu.memref_slice %arg3[%add3A_122, %dma_start3A] : memref<32768x128xf32, #tpu.memory_space<hbm>> -> memref<128x128xf32, #tpu.memory_space<hbm>>
        %dma_start3A_240 = arith.constant 0 : i32
        %dma_start3A_241 = tpu.memref_slice %arg3[%add3A_122, %dma_start3A_240] : memref<32768x128xf32, #tpu.memory_space<hbm>> -> memref<128x128xf32, #tpu.memory_space<hbm>>
        tpu.enqueue_dma source(%dma_start3A_241 : memref<128x128xf32, #tpu.memory_space<hbm>>) target(%arg8 : memref<128x128xf32, #tpu.memory_space<vmem>>) target_semaphore(%run_scoped3A_238 : memref<!tpu.dma_semaphore, #tpu.memory_space<semaphore_mem>>)
        %dma_wait3A = arith.constant 0 : i32
        %dma_wait3A_242 = tpu.memref_slice %arg3[%add3A_122, %dma_wait3A] : memref<32768x128xf32, #tpu.memory_space<hbm>> -> memref<128x128xf32, #tpu.memory_space<hbm>>
        %dma_wait3A_243 = arith.constant 0 : i32
        %dma_wait3A_244 = tpu.memref_slice %arg3[%add3A_122, %dma_wait3A_243] : memref<32768x128xf32, #tpu.memory_space<hbm>> -> memref<128x128xf32, #tpu.memory_space<hbm>>
        tpu.wait_dma2 semaphore(%run_scoped3A_238 : memref<!tpu.dma_semaphore, #tpu.memory_space<semaphore_mem>>) src(%dma_wait3A_244 : memref<128x128xf32, #tpu.memory_space<hbm>>) dst(%arg8 : memref<128x128xf32, #tpu.memory_space<vmem>>)
        tpu.yield
      }) : () -> ()
    } else {
    }
    %run_scoped3A_133 = arith.constant 8 : i32
    "tpu.region"() ({
      %run_scoped3A_238 = tpu.sem_alloc : memref<!tpu.dma_semaphore, #tpu.memory_space<semaphore_mem>>
      %dma_start3A = arith.constant 0 : i32
      %dma_start3A_239 = tpu.memref_slice %arg7[%run_scoped3A_133, %dma_start3A] : memref<16x128xi32, #tpu.memory_space<vmem>> -> memref<1x128xi32, #tpu.memory_space<vmem>>
      %dma_start3A_240 = tpu.memref_squeeze %dma_start3A_239 : memref<1x128xi32, #tpu.memory_space<vmem>> -> memref<128xi32, #tpu.memory_space<vmem>>
      %dma_start3A_241 = arith.constant 0 : i32
      %dma_start3A_242 = arith.constant 0 : i32
      %dma_start3A_243 = tpu.memref_slice %arg10[%dma_start3A_241, %dma_start3A_242] : memref<8192x128xf32, #tpu.memory_space<vmem_shared>> -> memref<8192x128xf32, #tpu.memory_space<vmem_shared>>
      tpu.enqueue_indirect_dma source(%arg8 : memref<128x128xf32, #tpu.memory_space<vmem>>) target(%dma_start3A_243 : memref<8192x128xf32, #tpu.memory_space<vmem_shared>>) offsets(%dma_start3A_240 : memref<128xi32, #tpu.memory_space<vmem>>) semaphore(%run_scoped3A_238 : memref<!tpu.dma_semaphore, #tpu.memory_space<semaphore_mem>>) {add = true}
      %dma_wait3A = arith.constant 0 : i32
      %dma_wait3A_244 = tpu.memref_slice %arg7[%run_scoped3A_133, %dma_wait3A] : memref<16x128xi32, #tpu.memory_space<vmem>> -> memref<1x128xi32, #tpu.memory_space<vmem>>
      %dma_wait3A_245 = tpu.memref_squeeze %dma_wait3A_244 : memref<1x128xi32, #tpu.memory_space<vmem>> -> memref<128xi32, #tpu.memory_space<vmem>>
      %dma_wait3A_246 = arith.constant 0 : i32
      %dma_wait3A_247 = arith.constant 0 : i32
      %dma_wait3A_248 = tpu.memref_slice %arg10[%dma_wait3A_246, %dma_wait3A_247] : memref<8192x128xf32, #tpu.memory_space<vmem_shared>> -> memref<8192x128xf32, #tpu.memory_space<vmem_shared>>
      tpu.wait_indirect_dma semaphore(%run_scoped3A_238 : memref<!tpu.dma_semaphore, #tpu.memory_space<semaphore_mem>>) src(%arg8 : memref<128x128xf32, #tpu.memory_space<vmem>>) dst(%dma_wait3A_248 : memref<8192x128xf32, #tpu.memory_space<vmem_shared>>)
      tpu.yield
    }) : () -> ()
    %add3A_134 = arith.constant 1152 : i32
    %add3A_135 = arith.addi %mul3A_20, %add3A_134 : i32
    %eq3A_136 = arith.constant 0 : i32
    %eq3A_137 = arith.cmpi eq, %arg0, %eq3A_136 : i32
    %convert_element_type3A_138 = arith.extui %eq3A_137 : i1 to i32
    %cond3A_139 = arith.constant 0 : i32
    %cond3A_140 = arith.cmpi ne, %convert_element_type3A_138, %cond3A_139 : i32
    scf.if %cond3A_140 {
      "tpu.region"() ({
        %run_scoped3A_238 = tpu.sem_alloc : memref<!tpu.dma_semaphore, #tpu.memory_space<semaphore_mem>>
        %dma_start3A = arith.constant 0 : i32
        %dma_start3A_239 = tpu.memref_slice %arg2[%add3A_135, %dma_start3A] : memref<32768x128xf32, #tpu.memory_space<hbm>> -> memref<128x128xf32, #tpu.memory_space<hbm>>
        %dma_start3A_240 = arith.constant 0 : i32
        %dma_start3A_241 = tpu.memref_slice %arg2[%add3A_135, %dma_start3A_240] : memref<32768x128xf32, #tpu.memory_space<hbm>> -> memref<128x128xf32, #tpu.memory_space<hbm>>
        tpu.enqueue_dma source(%dma_start3A_241 : memref<128x128xf32, #tpu.memory_space<hbm>>) target(%arg8 : memref<128x128xf32, #tpu.memory_space<vmem>>) target_semaphore(%run_scoped3A_238 : memref<!tpu.dma_semaphore, #tpu.memory_space<semaphore_mem>>)
        %dma_wait3A = arith.constant 0 : i32
        %dma_wait3A_242 = tpu.memref_slice %arg2[%add3A_135, %dma_wait3A] : memref<32768x128xf32, #tpu.memory_space<hbm>> -> memref<128x128xf32, #tpu.memory_space<hbm>>
        %dma_wait3A_243 = arith.constant 0 : i32
        %dma_wait3A_244 = tpu.memref_slice %arg2[%add3A_135, %dma_wait3A_243] : memref<32768x128xf32, #tpu.memory_space<hbm>> -> memref<128x128xf32, #tpu.memory_space<hbm>>
        tpu.wait_dma2 semaphore(%run_scoped3A_238 : memref<!tpu.dma_semaphore, #tpu.memory_space<semaphore_mem>>) src(%dma_wait3A_244 : memref<128x128xf32, #tpu.memory_space<hbm>>) dst(%arg8 : memref<128x128xf32, #tpu.memory_space<vmem>>)
        tpu.yield
      }) : () -> ()
    } else {
    }
    %eq3A_141 = arith.constant 1 : i32
    %eq3A_142 = arith.cmpi eq, %arg0, %eq3A_141 : i32
    %convert_element_type3A_143 = arith.extui %eq3A_142 : i1 to i32
    %cond3A_144 = arith.constant 0 : i32
    %cond3A_145 = arith.cmpi ne, %convert_element_type3A_143, %cond3A_144 : i32
    scf.if %cond3A_145 {
      "tpu.region"() ({
        %run_scoped3A_238 = tpu.sem_alloc : memref<!tpu.dma_semaphore, #tpu.memory_space<semaphore_mem>>
        %dma_start3A = arith.constant 0 : i32
        %dma_start3A_239 = tpu.memref_slice %arg3[%add3A_135, %dma_start3A] : memref<32768x128xf32, #tpu.memory_space<hbm>> -> memref<128x128xf32, #tpu.memory_space<hbm>>
        %dma_start3A_240 = arith.constant 0 : i32
        %dma_start3A_241 = tpu.memref_slice %arg3[%add3A_135, %dma_start3A_240] : memref<32768x128xf32, #tpu.memory_space<hbm>> -> memref<128x128xf32, #tpu.memory_space<hbm>>
        tpu.enqueue_dma source(%dma_start3A_241 : memref<128x128xf32, #tpu.memory_space<hbm>>) target(%arg8 : memref<128x128xf32, #tpu.memory_space<vmem>>) target_semaphore(%run_scoped3A_238 : memref<!tpu.dma_semaphore, #tpu.memory_space<semaphore_mem>>)
        %dma_wait3A = arith.constant 0 : i32
        %dma_wait3A_242 = tpu.memref_slice %arg3[%add3A_135, %dma_wait3A] : memref<32768x128xf32, #tpu.memory_space<hbm>> -> memref<128x128xf32, #tpu.memory_space<hbm>>
        %dma_wait3A_243 = arith.constant 0 : i32
        %dma_wait3A_244 = tpu.memref_slice %arg3[%add3A_135, %dma_wait3A_243] : memref<32768x128xf32, #tpu.memory_space<hbm>> -> memref<128x128xf32, #tpu.memory_space<hbm>>
        tpu.wait_dma2 semaphore(%run_scoped3A_238 : memref<!tpu.dma_semaphore, #tpu.memory_space<semaphore_mem>>) src(%dma_wait3A_244 : memref<128x128xf32, #tpu.memory_space<hbm>>) dst(%arg8 : memref<128x128xf32, #tpu.memory_space<vmem>>)
        tpu.yield
      }) : () -> ()
    } else {
    }
    %run_scoped3A_146 = arith.constant 9 : i32
    "tpu.region"() ({
      %run_scoped3A_238 = tpu.sem_alloc : memref<!tpu.dma_semaphore, #tpu.memory_space<semaphore_mem>>
      %dma_start3A = arith.constant 0 : i32
      %dma_start3A_239 = tpu.memref_slice %arg7[%run_scoped3A_146, %dma_start3A] : memref<16x128xi32, #tpu.memory_space<vmem>> -> memref<1x128xi32, #tpu.memory_space<vmem>>
      %dma_start3A_240 = tpu.memref_squeeze %dma_start3A_239 : memref<1x128xi32, #tpu.memory_space<vmem>> -> memref<128xi32, #tpu.memory_space<vmem>>
      %dma_start3A_241 = arith.constant 0 : i32
      %dma_start3A_242 = arith.constant 0 : i32
      %dma_start3A_243 = tpu.memref_slice %arg10[%dma_start3A_241, %dma_start3A_242] : memref<8192x128xf32, #tpu.memory_space<vmem_shared>> -> memref<8192x128xf32, #tpu.memory_space<vmem_shared>>
      tpu.enqueue_indirect_dma source(%arg8 : memref<128x128xf32, #tpu.memory_space<vmem>>) target(%dma_start3A_243 : memref<8192x128xf32, #tpu.memory_space<vmem_shared>>) offsets(%dma_start3A_240 : memref<128xi32, #tpu.memory_space<vmem>>) semaphore(%run_scoped3A_238 : memref<!tpu.dma_semaphore, #tpu.memory_space<semaphore_mem>>) {add = true}
      %dma_wait3A = arith.constant 0 : i32
      %dma_wait3A_244 = tpu.memref_slice %arg7[%run_scoped3A_146, %dma_wait3A] : memref<16x128xi32, #tpu.memory_space<vmem>> -> memref<1x128xi32, #tpu.memory_space<vmem>>
      %dma_wait3A_245 = tpu.memref_squeeze %dma_wait3A_244 : memref<1x128xi32, #tpu.memory_space<vmem>> -> memref<128xi32, #tpu.memory_space<vmem>>
      %dma_wait3A_246 = arith.constant 0 : i32
      %dma_wait3A_247 = arith.constant 0 : i32
      %dma_wait3A_248 = tpu.memref_slice %arg10[%dma_wait3A_246, %dma_wait3A_247] : memref<8192x128xf32, #tpu.memory_space<vmem_shared>> -> memref<8192x128xf32, #tpu.memory_space<vmem_shared>>
      tpu.wait_indirect_dma semaphore(%run_scoped3A_238 : memref<!tpu.dma_semaphore, #tpu.memory_space<semaphore_mem>>) src(%arg8 : memref<128x128xf32, #tpu.memory_space<vmem>>) dst(%dma_wait3A_248 : memref<8192x128xf32, #tpu.memory_space<vmem_shared>>)
      tpu.yield
    }) : () -> ()
    %add3A_147 = arith.constant 1280 : i32
    %add3A_148 = arith.addi %mul3A_20, %add3A_147 : i32
    %eq3A_149 = arith.constant 0 : i32
    %eq3A_150 = arith.cmpi eq, %arg0, %eq3A_149 : i32
    %convert_element_type3A_151 = arith.extui %eq3A_150 : i1 to i32
    %cond3A_152 = arith.constant 0 : i32
    %cond3A_153 = arith.cmpi ne, %convert_element_type3A_151, %cond3A_152 : i32
    scf.if %cond3A_153 {
      "tpu.region"() ({
        %run_scoped3A_238 = tpu.sem_alloc : memref<!tpu.dma_semaphore, #tpu.memory_space<semaphore_mem>>
        %dma_start3A = arith.constant 0 : i32
        %dma_start3A_239 = tpu.memref_slice %arg2[%add3A_148, %dma_start3A] : memref<32768x128xf32, #tpu.memory_space<hbm>> -> memref<128x128xf32, #tpu.memory_space<hbm>>
        %dma_start3A_240 = arith.constant 0 : i32
        %dma_start3A_241 = tpu.memref_slice %arg2[%add3A_148, %dma_start3A_240] : memref<32768x128xf32, #tpu.memory_space<hbm>> -> memref<128x128xf32, #tpu.memory_space<hbm>>
        tpu.enqueue_dma source(%dma_start3A_241 : memref<128x128xf32, #tpu.memory_space<hbm>>) target(%arg8 : memref<128x128xf32, #tpu.memory_space<vmem>>) target_semaphore(%run_scoped3A_238 : memref<!tpu.dma_semaphore, #tpu.memory_space<semaphore_mem>>)
        %dma_wait3A = arith.constant 0 : i32
        %dma_wait3A_242 = tpu.memref_slice %arg2[%add3A_148, %dma_wait3A] : memref<32768x128xf32, #tpu.memory_space<hbm>> -> memref<128x128xf32, #tpu.memory_space<hbm>>
        %dma_wait3A_243 = arith.constant 0 : i32
        %dma_wait3A_244 = tpu.memref_slice %arg2[%add3A_148, %dma_wait3A_243] : memref<32768x128xf32, #tpu.memory_space<hbm>> -> memref<128x128xf32, #tpu.memory_space<hbm>>
        tpu.wait_dma2 semaphore(%run_scoped3A_238 : memref<!tpu.dma_semaphore, #tpu.memory_space<semaphore_mem>>) src(%dma_wait3A_244 : memref<128x128xf32, #tpu.memory_space<hbm>>) dst(%arg8 : memref<128x128xf32, #tpu.memory_space<vmem>>)
        tpu.yield
      }) : () -> ()
    } else {
    }
    %eq3A_154 = arith.constant 1 : i32
    %eq3A_155 = arith.cmpi eq, %arg0, %eq3A_154 : i32
    %convert_element_type3A_156 = arith.extui %eq3A_155 : i1 to i32
    %cond3A_157 = arith.constant 0 : i32
    %cond3A_158 = arith.cmpi ne, %convert_element_type3A_156, %cond3A_157 : i32
    scf.if %cond3A_158 {
      "tpu.region"() ({
        %run_scoped3A_238 = tpu.sem_alloc : memref<!tpu.dma_semaphore, #tpu.memory_space<semaphore_mem>>
        %dma_start3A = arith.constant 0 : i32
        %dma_start3A_239 = tpu.memref_slice %arg3[%add3A_148, %dma_start3A] : memref<32768x128xf32, #tpu.memory_space<hbm>> -> memref<128x128xf32, #tpu.memory_space<hbm>>
        %dma_start3A_240 = arith.constant 0 : i32
        %dma_start3A_241 = tpu.memref_slice %arg3[%add3A_148, %dma_start3A_240] : memref<32768x128xf32, #tpu.memory_space<hbm>> -> memref<128x128xf32, #tpu.memory_space<hbm>>
        tpu.enqueue_dma source(%dma_start3A_241 : memref<128x128xf32, #tpu.memory_space<hbm>>) target(%arg8 : memref<128x128xf32, #tpu.memory_space<vmem>>) target_semaphore(%run_scoped3A_238 : memref<!tpu.dma_semaphore, #tpu.memory_space<semaphore_mem>>)
        %dma_wait3A = arith.constant 0 : i32
        %dma_wait3A_242 = tpu.memref_slice %arg3[%add3A_148, %dma_wait3A] : memref<32768x128xf32, #tpu.memory_space<hbm>> -> memref<128x128xf32, #tpu.memory_space<hbm>>
        %dma_wait3A_243 = arith.constant 0 : i32
        %dma_wait3A_244 = tpu.memref_slice %arg3[%add3A_148, %dma_wait3A_243] : memref<32768x128xf32, #tpu.memory_space<hbm>> -> memref<128x128xf32, #tpu.memory_space<hbm>>
        tpu.wait_dma2 semaphore(%run_scoped3A_238 : memref<!tpu.dma_semaphore, #tpu.memory_space<semaphore_mem>>) src(%dma_wait3A_244 : memref<128x128xf32, #tpu.memory_space<hbm>>) dst(%arg8 : memref<128x128xf32, #tpu.memory_space<vmem>>)
        tpu.yield
      }) : () -> ()
    } else {
    }
    %run_scoped3A_159 = arith.constant 10 : i32
    "tpu.region"() ({
      %run_scoped3A_238 = tpu.sem_alloc : memref<!tpu.dma_semaphore, #tpu.memory_space<semaphore_mem>>
      %dma_start3A = arith.constant 0 : i32
      %dma_start3A_239 = tpu.memref_slice %arg7[%run_scoped3A_159, %dma_start3A] : memref<16x128xi32, #tpu.memory_space<vmem>> -> memref<1x128xi32, #tpu.memory_space<vmem>>
      %dma_start3A_240 = tpu.memref_squeeze %dma_start3A_239 : memref<1x128xi32, #tpu.memory_space<vmem>> -> memref<128xi32, #tpu.memory_space<vmem>>
      %dma_start3A_241 = arith.constant 0 : i32
      %dma_start3A_242 = arith.constant 0 : i32
      %dma_start3A_243 = tpu.memref_slice %arg10[%dma_start3A_241, %dma_start3A_242] : memref<8192x128xf32, #tpu.memory_space<vmem_shared>> -> memref<8192x128xf32, #tpu.memory_space<vmem_shared>>
      tpu.enqueue_indirect_dma source(%arg8 : memref<128x128xf32, #tpu.memory_space<vmem>>) target(%dma_start3A_243 : memref<8192x128xf32, #tpu.memory_space<vmem_shared>>) offsets(%dma_start3A_240 : memref<128xi32, #tpu.memory_space<vmem>>) semaphore(%run_scoped3A_238 : memref<!tpu.dma_semaphore, #tpu.memory_space<semaphore_mem>>) {add = true}
      %dma_wait3A = arith.constant 0 : i32
      %dma_wait3A_244 = tpu.memref_slice %arg7[%run_scoped3A_159, %dma_wait3A] : memref<16x128xi32, #tpu.memory_space<vmem>> -> memref<1x128xi32, #tpu.memory_space<vmem>>
      %dma_wait3A_245 = tpu.memref_squeeze %dma_wait3A_244 : memref<1x128xi32, #tpu.memory_space<vmem>> -> memref<128xi32, #tpu.memory_space<vmem>>
      %dma_wait3A_246 = arith.constant 0 : i32
      %dma_wait3A_247 = arith.constant 0 : i32
      %dma_wait3A_248 = tpu.memref_slice %arg10[%dma_wait3A_246, %dma_wait3A_247] : memref<8192x128xf32, #tpu.memory_space<vmem_shared>> -> memref<8192x128xf32, #tpu.memory_space<vmem_shared>>
      tpu.wait_indirect_dma semaphore(%run_scoped3A_238 : memref<!tpu.dma_semaphore, #tpu.memory_space<semaphore_mem>>) src(%arg8 : memref<128x128xf32, #tpu.memory_space<vmem>>) dst(%dma_wait3A_248 : memref<8192x128xf32, #tpu.memory_space<vmem_shared>>)
      tpu.yield
    }) : () -> ()
    %add3A_160 = arith.constant 1408 : i32
    %add3A_161 = arith.addi %mul3A_20, %add3A_160 : i32
    %eq3A_162 = arith.constant 0 : i32
    %eq3A_163 = arith.cmpi eq, %arg0, %eq3A_162 : i32
    %convert_element_type3A_164 = arith.extui %eq3A_163 : i1 to i32
    %cond3A_165 = arith.constant 0 : i32
    %cond3A_166 = arith.cmpi ne, %convert_element_type3A_164, %cond3A_165 : i32
    scf.if %cond3A_166 {
      "tpu.region"() ({
        %run_scoped3A_238 = tpu.sem_alloc : memref<!tpu.dma_semaphore, #tpu.memory_space<semaphore_mem>>
        %dma_start3A = arith.constant 0 : i32
        %dma_start3A_239 = tpu.memref_slice %arg2[%add3A_161, %dma_start3A] : memref<32768x128xf32, #tpu.memory_space<hbm>> -> memref<128x128xf32, #tpu.memory_space<hbm>>
        %dma_start3A_240 = arith.constant 0 : i32
        %dma_start3A_241 = tpu.memref_slice %arg2[%add3A_161, %dma_start3A_240] : memref<32768x128xf32, #tpu.memory_space<hbm>> -> memref<128x128xf32, #tpu.memory_space<hbm>>
        tpu.enqueue_dma source(%dma_start3A_241 : memref<128x128xf32, #tpu.memory_space<hbm>>) target(%arg8 : memref<128x128xf32, #tpu.memory_space<vmem>>) target_semaphore(%run_scoped3A_238 : memref<!tpu.dma_semaphore, #tpu.memory_space<semaphore_mem>>)
        %dma_wait3A = arith.constant 0 : i32
        %dma_wait3A_242 = tpu.memref_slice %arg2[%add3A_161, %dma_wait3A] : memref<32768x128xf32, #tpu.memory_space<hbm>> -> memref<128x128xf32, #tpu.memory_space<hbm>>
        %dma_wait3A_243 = arith.constant 0 : i32
        %dma_wait3A_244 = tpu.memref_slice %arg2[%add3A_161, %dma_wait3A_243] : memref<32768x128xf32, #tpu.memory_space<hbm>> -> memref<128x128xf32, #tpu.memory_space<hbm>>
        tpu.wait_dma2 semaphore(%run_scoped3A_238 : memref<!tpu.dma_semaphore, #tpu.memory_space<semaphore_mem>>) src(%dma_wait3A_244 : memref<128x128xf32, #tpu.memory_space<hbm>>) dst(%arg8 : memref<128x128xf32, #tpu.memory_space<vmem>>)
        tpu.yield
      }) : () -> ()
    } else {
    }
    %eq3A_167 = arith.constant 1 : i32
    %eq3A_168 = arith.cmpi eq, %arg0, %eq3A_167 : i32
    %convert_element_type3A_169 = arith.extui %eq3A_168 : i1 to i32
    %cond3A_170 = arith.constant 0 : i32
    %cond3A_171 = arith.cmpi ne, %convert_element_type3A_169, %cond3A_170 : i32
    scf.if %cond3A_171 {
      "tpu.region"() ({
        %run_scoped3A_238 = tpu.sem_alloc : memref<!tpu.dma_semaphore, #tpu.memory_space<semaphore_mem>>
        %dma_start3A = arith.constant 0 : i32
        %dma_start3A_239 = tpu.memref_slice %arg3[%add3A_161, %dma_start3A] : memref<32768x128xf32, #tpu.memory_space<hbm>> -> memref<128x128xf32, #tpu.memory_space<hbm>>
        %dma_start3A_240 = arith.constant 0 : i32
        %dma_start3A_241 = tpu.memref_slice %arg3[%add3A_161, %dma_start3A_240] : memref<32768x128xf32, #tpu.memory_space<hbm>> -> memref<128x128xf32, #tpu.memory_space<hbm>>
        tpu.enqueue_dma source(%dma_start3A_241 : memref<128x128xf32, #tpu.memory_space<hbm>>) target(%arg8 : memref<128x128xf32, #tpu.memory_space<vmem>>) target_semaphore(%run_scoped3A_238 : memref<!tpu.dma_semaphore, #tpu.memory_space<semaphore_mem>>)
        %dma_wait3A = arith.constant 0 : i32
        %dma_wait3A_242 = tpu.memref_slice %arg3[%add3A_161, %dma_wait3A] : memref<32768x128xf32, #tpu.memory_space<hbm>> -> memref<128x128xf32, #tpu.memory_space<hbm>>
        %dma_wait3A_243 = arith.constant 0 : i32
        %dma_wait3A_244 = tpu.memref_slice %arg3[%add3A_161, %dma_wait3A_243] : memref<32768x128xf32, #tpu.memory_space<hbm>> -> memref<128x128xf32, #tpu.memory_space<hbm>>
        tpu.wait_dma2 semaphore(%run_scoped3A_238 : memref<!tpu.dma_semaphore, #tpu.memory_space<semaphore_mem>>) src(%dma_wait3A_244 : memref<128x128xf32, #tpu.memory_space<hbm>>) dst(%arg8 : memref<128x128xf32, #tpu.memory_space<vmem>>)
        tpu.yield
      }) : () -> ()
    } else {
    }
    %run_scoped3A_172 = arith.constant 11 : i32
    "tpu.region"() ({
      %run_scoped3A_238 = tpu.sem_alloc : memref<!tpu.dma_semaphore, #tpu.memory_space<semaphore_mem>>
      %dma_start3A = arith.constant 0 : i32
      %dma_start3A_239 = tpu.memref_slice %arg7[%run_scoped3A_172, %dma_start3A] : memref<16x128xi32, #tpu.memory_space<vmem>> -> memref<1x128xi32, #tpu.memory_space<vmem>>
      %dma_start3A_240 = tpu.memref_squeeze %dma_start3A_239 : memref<1x128xi32, #tpu.memory_space<vmem>> -> memref<128xi32, #tpu.memory_space<vmem>>
      %dma_start3A_241 = arith.constant 0 : i32
      %dma_start3A_242 = arith.constant 0 : i32
      %dma_start3A_243 = tpu.memref_slice %arg10[%dma_start3A_241, %dma_start3A_242] : memref<8192x128xf32, #tpu.memory_space<vmem_shared>> -> memref<8192x128xf32, #tpu.memory_space<vmem_shared>>
      tpu.enqueue_indirect_dma source(%arg8 : memref<128x128xf32, #tpu.memory_space<vmem>>) target(%dma_start3A_243 : memref<8192x128xf32, #tpu.memory_space<vmem_shared>>) offsets(%dma_start3A_240 : memref<128xi32, #tpu.memory_space<vmem>>) semaphore(%run_scoped3A_238 : memref<!tpu.dma_semaphore, #tpu.memory_space<semaphore_mem>>) {add = true}
      %dma_wait3A = arith.constant 0 : i32
      %dma_wait3A_244 = tpu.memref_slice %arg7[%run_scoped3A_172, %dma_wait3A] : memref<16x128xi32, #tpu.memory_space<vmem>> -> memref<1x128xi32, #tpu.memory_space<vmem>>
      %dma_wait3A_245 = tpu.memref_squeeze %dma_wait3A_244 : memref<1x128xi32, #tpu.memory_space<vmem>> -> memref<128xi32, #tpu.memory_space<vmem>>
      %dma_wait3A_246 = arith.constant 0 : i32
      %dma_wait3A_247 = arith.constant 0 : i32
      %dma_wait3A_248 = tpu.memref_slice %arg10[%dma_wait3A_246, %dma_wait3A_247] : memref<8192x128xf32, #tpu.memory_space<vmem_shared>> -> memref<8192x128xf32, #tpu.memory_space<vmem_shared>>
      tpu.wait_indirect_dma semaphore(%run_scoped3A_238 : memref<!tpu.dma_semaphore, #tpu.memory_space<semaphore_mem>>) src(%arg8 : memref<128x128xf32, #tpu.memory_space<vmem>>) dst(%dma_wait3A_248 : memref<8192x128xf32, #tpu.memory_space<vmem_shared>>)
      tpu.yield
    }) : () -> ()
    %add3A_173 = arith.constant 1536 : i32
    %add3A_174 = arith.addi %mul3A_20, %add3A_173 : i32
    %eq3A_175 = arith.constant 0 : i32
    %eq3A_176 = arith.cmpi eq, %arg0, %eq3A_175 : i32
    %convert_element_type3A_177 = arith.extui %eq3A_176 : i1 to i32
    %cond3A_178 = arith.constant 0 : i32
    %cond3A_179 = arith.cmpi ne, %convert_element_type3A_177, %cond3A_178 : i32
    scf.if %cond3A_179 {
      "tpu.region"() ({
        %run_scoped3A_238 = tpu.sem_alloc : memref<!tpu.dma_semaphore, #tpu.memory_space<semaphore_mem>>
        %dma_start3A = arith.constant 0 : i32
        %dma_start3A_239 = tpu.memref_slice %arg2[%add3A_174, %dma_start3A] : memref<32768x128xf32, #tpu.memory_space<hbm>> -> memref<128x128xf32, #tpu.memory_space<hbm>>
        %dma_start3A_240 = arith.constant 0 : i32
        %dma_start3A_241 = tpu.memref_slice %arg2[%add3A_174, %dma_start3A_240] : memref<32768x128xf32, #tpu.memory_space<hbm>> -> memref<128x128xf32, #tpu.memory_space<hbm>>
        tpu.enqueue_dma source(%dma_start3A_241 : memref<128x128xf32, #tpu.memory_space<hbm>>) target(%arg8 : memref<128x128xf32, #tpu.memory_space<vmem>>) target_semaphore(%run_scoped3A_238 : memref<!tpu.dma_semaphore, #tpu.memory_space<semaphore_mem>>)
        %dma_wait3A = arith.constant 0 : i32
        %dma_wait3A_242 = tpu.memref_slice %arg2[%add3A_174, %dma_wait3A] : memref<32768x128xf32, #tpu.memory_space<hbm>> -> memref<128x128xf32, #tpu.memory_space<hbm>>
        %dma_wait3A_243 = arith.constant 0 : i32
        %dma_wait3A_244 = tpu.memref_slice %arg2[%add3A_174, %dma_wait3A_243] : memref<32768x128xf32, #tpu.memory_space<hbm>> -> memref<128x128xf32, #tpu.memory_space<hbm>>
        tpu.wait_dma2 semaphore(%run_scoped3A_238 : memref<!tpu.dma_semaphore, #tpu.memory_space<semaphore_mem>>) src(%dma_wait3A_244 : memref<128x128xf32, #tpu.memory_space<hbm>>) dst(%arg8 : memref<128x128xf32, #tpu.memory_space<vmem>>)
        tpu.yield
      }) : () -> ()
    } else {
    }
    %eq3A_180 = arith.constant 1 : i32
    %eq3A_181 = arith.cmpi eq, %arg0, %eq3A_180 : i32
    %convert_element_type3A_182 = arith.extui %eq3A_181 : i1 to i32
    %cond3A_183 = arith.constant 0 : i32
    %cond3A_184 = arith.cmpi ne, %convert_element_type3A_182, %cond3A_183 : i32
    scf.if %cond3A_184 {
      "tpu.region"() ({
        %run_scoped3A_238 = tpu.sem_alloc : memref<!tpu.dma_semaphore, #tpu.memory_space<semaphore_mem>>
        %dma_start3A = arith.constant 0 : i32
        %dma_start3A_239 = tpu.memref_slice %arg3[%add3A_174, %dma_start3A] : memref<32768x128xf32, #tpu.memory_space<hbm>> -> memref<128x128xf32, #tpu.memory_space<hbm>>
        %dma_start3A_240 = arith.constant 0 : i32
        %dma_start3A_241 = tpu.memref_slice %arg3[%add3A_174, %dma_start3A_240] : memref<32768x128xf32, #tpu.memory_space<hbm>> -> memref<128x128xf32, #tpu.memory_space<hbm>>
        tpu.enqueue_dma source(%dma_start3A_241 : memref<128x128xf32, #tpu.memory_space<hbm>>) target(%arg8 : memref<128x128xf32, #tpu.memory_space<vmem>>) target_semaphore(%run_scoped3A_238 : memref<!tpu.dma_semaphore, #tpu.memory_space<semaphore_mem>>)
        %dma_wait3A = arith.constant 0 : i32
        %dma_wait3A_242 = tpu.memref_slice %arg3[%add3A_174, %dma_wait3A] : memref<32768x128xf32, #tpu.memory_space<hbm>> -> memref<128x128xf32, #tpu.memory_space<hbm>>
        %dma_wait3A_243 = arith.constant 0 : i32
        %dma_wait3A_244 = tpu.memref_slice %arg3[%add3A_174, %dma_wait3A_243] : memref<32768x128xf32, #tpu.memory_space<hbm>> -> memref<128x128xf32, #tpu.memory_space<hbm>>
        tpu.wait_dma2 semaphore(%run_scoped3A_238 : memref<!tpu.dma_semaphore, #tpu.memory_space<semaphore_mem>>) src(%dma_wait3A_244 : memref<128x128xf32, #tpu.memory_space<hbm>>) dst(%arg8 : memref<128x128xf32, #tpu.memory_space<vmem>>)
        tpu.yield
      }) : () -> ()
    } else {
    }
    %run_scoped3A_185 = arith.constant 12 : i32
    "tpu.region"() ({
      %run_scoped3A_238 = tpu.sem_alloc : memref<!tpu.dma_semaphore, #tpu.memory_space<semaphore_mem>>
      %dma_start3A = arith.constant 0 : i32
      %dma_start3A_239 = tpu.memref_slice %arg7[%run_scoped3A_185, %dma_start3A] : memref<16x128xi32, #tpu.memory_space<vmem>> -> memref<1x128xi32, #tpu.memory_space<vmem>>
      %dma_start3A_240 = tpu.memref_squeeze %dma_start3A_239 : memref<1x128xi32, #tpu.memory_space<vmem>> -> memref<128xi32, #tpu.memory_space<vmem>>
      %dma_start3A_241 = arith.constant 0 : i32
      %dma_start3A_242 = arith.constant 0 : i32
      %dma_start3A_243 = tpu.memref_slice %arg10[%dma_start3A_241, %dma_start3A_242] : memref<8192x128xf32, #tpu.memory_space<vmem_shared>> -> memref<8192x128xf32, #tpu.memory_space<vmem_shared>>
      tpu.enqueue_indirect_dma source(%arg8 : memref<128x128xf32, #tpu.memory_space<vmem>>) target(%dma_start3A_243 : memref<8192x128xf32, #tpu.memory_space<vmem_shared>>) offsets(%dma_start3A_240 : memref<128xi32, #tpu.memory_space<vmem>>) semaphore(%run_scoped3A_238 : memref<!tpu.dma_semaphore, #tpu.memory_space<semaphore_mem>>) {add = true}
      %dma_wait3A = arith.constant 0 : i32
      %dma_wait3A_244 = tpu.memref_slice %arg7[%run_scoped3A_185, %dma_wait3A] : memref<16x128xi32, #tpu.memory_space<vmem>> -> memref<1x128xi32, #tpu.memory_space<vmem>>
      %dma_wait3A_245 = tpu.memref_squeeze %dma_wait3A_244 : memref<1x128xi32, #tpu.memory_space<vmem>> -> memref<128xi32, #tpu.memory_space<vmem>>
      %dma_wait3A_246 = arith.constant 0 : i32
      %dma_wait3A_247 = arith.constant 0 : i32
      %dma_wait3A_248 = tpu.memref_slice %arg10[%dma_wait3A_246, %dma_wait3A_247] : memref<8192x128xf32, #tpu.memory_space<vmem_shared>> -> memref<8192x128xf32, #tpu.memory_space<vmem_shared>>
      tpu.wait_indirect_dma semaphore(%run_scoped3A_238 : memref<!tpu.dma_semaphore, #tpu.memory_space<semaphore_mem>>) src(%arg8 : memref<128x128xf32, #tpu.memory_space<vmem>>) dst(%dma_wait3A_248 : memref<8192x128xf32, #tpu.memory_space<vmem_shared>>)
      tpu.yield
    }) : () -> ()
    %add3A_186 = arith.constant 1664 : i32
    %add3A_187 = arith.addi %mul3A_20, %add3A_186 : i32
    %eq3A_188 = arith.constant 0 : i32
    %eq3A_189 = arith.cmpi eq, %arg0, %eq3A_188 : i32
    %convert_element_type3A_190 = arith.extui %eq3A_189 : i1 to i32
    %cond3A_191 = arith.constant 0 : i32
    %cond3A_192 = arith.cmpi ne, %convert_element_type3A_190, %cond3A_191 : i32
    scf.if %cond3A_192 {
      "tpu.region"() ({
        %run_scoped3A_238 = tpu.sem_alloc : memref<!tpu.dma_semaphore, #tpu.memory_space<semaphore_mem>>
        %dma_start3A = arith.constant 0 : i32
        %dma_start3A_239 = tpu.memref_slice %arg2[%add3A_187, %dma_start3A] : memref<32768x128xf32, #tpu.memory_space<hbm>> -> memref<128x128xf32, #tpu.memory_space<hbm>>
        %dma_start3A_240 = arith.constant 0 : i32
        %dma_start3A_241 = tpu.memref_slice %arg2[%add3A_187, %dma_start3A_240] : memref<32768x128xf32, #tpu.memory_space<hbm>> -> memref<128x128xf32, #tpu.memory_space<hbm>>
        tpu.enqueue_dma source(%dma_start3A_241 : memref<128x128xf32, #tpu.memory_space<hbm>>) target(%arg8 : memref<128x128xf32, #tpu.memory_space<vmem>>) target_semaphore(%run_scoped3A_238 : memref<!tpu.dma_semaphore, #tpu.memory_space<semaphore_mem>>)
        %dma_wait3A = arith.constant 0 : i32
        %dma_wait3A_242 = tpu.memref_slice %arg2[%add3A_187, %dma_wait3A] : memref<32768x128xf32, #tpu.memory_space<hbm>> -> memref<128x128xf32, #tpu.memory_space<hbm>>
        %dma_wait3A_243 = arith.constant 0 : i32
        %dma_wait3A_244 = tpu.memref_slice %arg2[%add3A_187, %dma_wait3A_243] : memref<32768x128xf32, #tpu.memory_space<hbm>> -> memref<128x128xf32, #tpu.memory_space<hbm>>
        tpu.wait_dma2 semaphore(%run_scoped3A_238 : memref<!tpu.dma_semaphore, #tpu.memory_space<semaphore_mem>>) src(%dma_wait3A_244 : memref<128x128xf32, #tpu.memory_space<hbm>>) dst(%arg8 : memref<128x128xf32, #tpu.memory_space<vmem>>)
        tpu.yield
      }) : () -> ()
    } else {
    }
    %eq3A_193 = arith.constant 1 : i32
    %eq3A_194 = arith.cmpi eq, %arg0, %eq3A_193 : i32
    %convert_element_type3A_195 = arith.extui %eq3A_194 : i1 to i32
    %cond3A_196 = arith.constant 0 : i32
    %cond3A_197 = arith.cmpi ne, %convert_element_type3A_195, %cond3A_196 : i32
    scf.if %cond3A_197 {
      "tpu.region"() ({
        %run_scoped3A_238 = tpu.sem_alloc : memref<!tpu.dma_semaphore, #tpu.memory_space<semaphore_mem>>
        %dma_start3A = arith.constant 0 : i32
        %dma_start3A_239 = tpu.memref_slice %arg3[%add3A_187, %dma_start3A] : memref<32768x128xf32, #tpu.memory_space<hbm>> -> memref<128x128xf32, #tpu.memory_space<hbm>>
        %dma_start3A_240 = arith.constant 0 : i32
        %dma_start3A_241 = tpu.memref_slice %arg3[%add3A_187, %dma_start3A_240] : memref<32768x128xf32, #tpu.memory_space<hbm>> -> memref<128x128xf32, #tpu.memory_space<hbm>>
        tpu.enqueue_dma source(%dma_start3A_241 : memref<128x128xf32, #tpu.memory_space<hbm>>) target(%arg8 : memref<128x128xf32, #tpu.memory_space<vmem>>) target_semaphore(%run_scoped3A_238 : memref<!tpu.dma_semaphore, #tpu.memory_space<semaphore_mem>>)
        %dma_wait3A = arith.constant 0 : i32
        %dma_wait3A_242 = tpu.memref_slice %arg3[%add3A_187, %dma_wait3A] : memref<32768x128xf32, #tpu.memory_space<hbm>> -> memref<128x128xf32, #tpu.memory_space<hbm>>
        %dma_wait3A_243 = arith.constant 0 : i32
        %dma_wait3A_244 = tpu.memref_slice %arg3[%add3A_187, %dma_wait3A_243] : memref<32768x128xf32, #tpu.memory_space<hbm>> -> memref<128x128xf32, #tpu.memory_space<hbm>>
        tpu.wait_dma2 semaphore(%run_scoped3A_238 : memref<!tpu.dma_semaphore, #tpu.memory_space<semaphore_mem>>) src(%dma_wait3A_244 : memref<128x128xf32, #tpu.memory_space<hbm>>) dst(%arg8 : memref<128x128xf32, #tpu.memory_space<vmem>>)
        tpu.yield
      }) : () -> ()
    } else {
    }
    %run_scoped3A_198 = arith.constant 13 : i32
    "tpu.region"() ({
      %run_scoped3A_238 = tpu.sem_alloc : memref<!tpu.dma_semaphore, #tpu.memory_space<semaphore_mem>>
      %dma_start3A = arith.constant 0 : i32
      %dma_start3A_239 = tpu.memref_slice %arg7[%run_scoped3A_198, %dma_start3A] : memref<16x128xi32, #tpu.memory_space<vmem>> -> memref<1x128xi32, #tpu.memory_space<vmem>>
      %dma_start3A_240 = tpu.memref_squeeze %dma_start3A_239 : memref<1x128xi32, #tpu.memory_space<vmem>> -> memref<128xi32, #tpu.memory_space<vmem>>
      %dma_start3A_241 = arith.constant 0 : i32
      %dma_start3A_242 = arith.constant 0 : i32
      %dma_start3A_243 = tpu.memref_slice %arg10[%dma_start3A_241, %dma_start3A_242] : memref<8192x128xf32, #tpu.memory_space<vmem_shared>> -> memref<8192x128xf32, #tpu.memory_space<vmem_shared>>
      tpu.enqueue_indirect_dma source(%arg8 : memref<128x128xf32, #tpu.memory_space<vmem>>) target(%dma_start3A_243 : memref<8192x128xf32, #tpu.memory_space<vmem_shared>>) offsets(%dma_start3A_240 : memref<128xi32, #tpu.memory_space<vmem>>) semaphore(%run_scoped3A_238 : memref<!tpu.dma_semaphore, #tpu.memory_space<semaphore_mem>>) {add = true}
      %dma_wait3A = arith.constant 0 : i32
      %dma_wait3A_244 = tpu.memref_slice %arg7[%run_scoped3A_198, %dma_wait3A] : memref<16x128xi32, #tpu.memory_space<vmem>> -> memref<1x128xi32, #tpu.memory_space<vmem>>
      %dma_wait3A_245 = tpu.memref_squeeze %dma_wait3A_244 : memref<1x128xi32, #tpu.memory_space<vmem>> -> memref<128xi32, #tpu.memory_space<vmem>>
      %dma_wait3A_246 = arith.constant 0 : i32
      %dma_wait3A_247 = arith.constant 0 : i32
      %dma_wait3A_248 = tpu.memref_slice %arg10[%dma_wait3A_246, %dma_wait3A_247] : memref<8192x128xf32, #tpu.memory_space<vmem_shared>> -> memref<8192x128xf32, #tpu.memory_space<vmem_shared>>
      tpu.wait_indirect_dma semaphore(%run_scoped3A_238 : memref<!tpu.dma_semaphore, #tpu.memory_space<semaphore_mem>>) src(%arg8 : memref<128x128xf32, #tpu.memory_space<vmem>>) dst(%dma_wait3A_248 : memref<8192x128xf32, #tpu.memory_space<vmem_shared>>)
      tpu.yield
    }) : () -> ()
    %add3A_199 = arith.constant 1792 : i32
    %add3A_200 = arith.addi %mul3A_20, %add3A_199 : i32
    %eq3A_201 = arith.constant 0 : i32
    %eq3A_202 = arith.cmpi eq, %arg0, %eq3A_201 : i32
    %convert_element_type3A_203 = arith.extui %eq3A_202 : i1 to i32
    %cond3A_204 = arith.constant 0 : i32
    %cond3A_205 = arith.cmpi ne, %convert_element_type3A_203, %cond3A_204 : i32
    scf.if %cond3A_205 {
      "tpu.region"() ({
        %run_scoped3A_238 = tpu.sem_alloc : memref<!tpu.dma_semaphore, #tpu.memory_space<semaphore_mem>>
        %dma_start3A = arith.constant 0 : i32
        %dma_start3A_239 = tpu.memref_slice %arg2[%add3A_200, %dma_start3A] : memref<32768x128xf32, #tpu.memory_space<hbm>> -> memref<128x128xf32, #tpu.memory_space<hbm>>
        %dma_start3A_240 = arith.constant 0 : i32
        %dma_start3A_241 = tpu.memref_slice %arg2[%add3A_200, %dma_start3A_240] : memref<32768x128xf32, #tpu.memory_space<hbm>> -> memref<128x128xf32, #tpu.memory_space<hbm>>
        tpu.enqueue_dma source(%dma_start3A_241 : memref<128x128xf32, #tpu.memory_space<hbm>>) target(%arg8 : memref<128x128xf32, #tpu.memory_space<vmem>>) target_semaphore(%run_scoped3A_238 : memref<!tpu.dma_semaphore, #tpu.memory_space<semaphore_mem>>)
        %dma_wait3A = arith.constant 0 : i32
        %dma_wait3A_242 = tpu.memref_slice %arg2[%add3A_200, %dma_wait3A] : memref<32768x128xf32, #tpu.memory_space<hbm>> -> memref<128x128xf32, #tpu.memory_space<hbm>>
        %dma_wait3A_243 = arith.constant 0 : i32
        %dma_wait3A_244 = tpu.memref_slice %arg2[%add3A_200, %dma_wait3A_243] : memref<32768x128xf32, #tpu.memory_space<hbm>> -> memref<128x128xf32, #tpu.memory_space<hbm>>
        tpu.wait_dma2 semaphore(%run_scoped3A_238 : memref<!tpu.dma_semaphore, #tpu.memory_space<semaphore_mem>>) src(%dma_wait3A_244 : memref<128x128xf32, #tpu.memory_space<hbm>>) dst(%arg8 : memref<128x128xf32, #tpu.memory_space<vmem>>)
        tpu.yield
      }) : () -> ()
    } else {
    }
    %eq3A_206 = arith.constant 1 : i32
    %eq3A_207 = arith.cmpi eq, %arg0, %eq3A_206 : i32
    %convert_element_type3A_208 = arith.extui %eq3A_207 : i1 to i32
    %cond3A_209 = arith.constant 0 : i32
    %cond3A_210 = arith.cmpi ne, %convert_element_type3A_208, %cond3A_209 : i32
    scf.if %cond3A_210 {
      "tpu.region"() ({
        %run_scoped3A_238 = tpu.sem_alloc : memref<!tpu.dma_semaphore, #tpu.memory_space<semaphore_mem>>
        %dma_start3A = arith.constant 0 : i32
        %dma_start3A_239 = tpu.memref_slice %arg3[%add3A_200, %dma_start3A] : memref<32768x128xf32, #tpu.memory_space<hbm>> -> memref<128x128xf32, #tpu.memory_space<hbm>>
        %dma_start3A_240 = arith.constant 0 : i32
        %dma_start3A_241 = tpu.memref_slice %arg3[%add3A_200, %dma_start3A_240] : memref<32768x128xf32, #tpu.memory_space<hbm>> -> memref<128x128xf32, #tpu.memory_space<hbm>>
        tpu.enqueue_dma source(%dma_start3A_241 : memref<128x128xf32, #tpu.memory_space<hbm>>) target(%arg8 : memref<128x128xf32, #tpu.memory_space<vmem>>) target_semaphore(%run_scoped3A_238 : memref<!tpu.dma_semaphore, #tpu.memory_space<semaphore_mem>>)
        %dma_wait3A = arith.constant 0 : i32
        %dma_wait3A_242 = tpu.memref_slice %arg3[%add3A_200, %dma_wait3A] : memref<32768x128xf32, #tpu.memory_space<hbm>> -> memref<128x128xf32, #tpu.memory_space<hbm>>
        %dma_wait3A_243 = arith.constant 0 : i32
        %dma_wait3A_244 = tpu.memref_slice %arg3[%add3A_200, %dma_wait3A_243] : memref<32768x128xf32, #tpu.memory_space<hbm>> -> memref<128x128xf32, #tpu.memory_space<hbm>>
        tpu.wait_dma2 semaphore(%run_scoped3A_238 : memref<!tpu.dma_semaphore, #tpu.memory_space<semaphore_mem>>) src(%dma_wait3A_244 : memref<128x128xf32, #tpu.memory_space<hbm>>) dst(%arg8 : memref<128x128xf32, #tpu.memory_space<vmem>>)
        tpu.yield
      }) : () -> ()
    } else {
    }
    %run_scoped3A_211 = arith.constant 14 : i32
    "tpu.region"() ({
      %run_scoped3A_238 = tpu.sem_alloc : memref<!tpu.dma_semaphore, #tpu.memory_space<semaphore_mem>>
      %dma_start3A = arith.constant 0 : i32
      %dma_start3A_239 = tpu.memref_slice %arg7[%run_scoped3A_211, %dma_start3A] : memref<16x128xi32, #tpu.memory_space<vmem>> -> memref<1x128xi32, #tpu.memory_space<vmem>>
      %dma_start3A_240 = tpu.memref_squeeze %dma_start3A_239 : memref<1x128xi32, #tpu.memory_space<vmem>> -> memref<128xi32, #tpu.memory_space<vmem>>
      %dma_start3A_241 = arith.constant 0 : i32
      %dma_start3A_242 = arith.constant 0 : i32
      %dma_start3A_243 = tpu.memref_slice %arg10[%dma_start3A_241, %dma_start3A_242] : memref<8192x128xf32, #tpu.memory_space<vmem_shared>> -> memref<8192x128xf32, #tpu.memory_space<vmem_shared>>
      tpu.enqueue_indirect_dma source(%arg8 : memref<128x128xf32, #tpu.memory_space<vmem>>) target(%dma_start3A_243 : memref<8192x128xf32, #tpu.memory_space<vmem_shared>>) offsets(%dma_start3A_240 : memref<128xi32, #tpu.memory_space<vmem>>) semaphore(%run_scoped3A_238 : memref<!tpu.dma_semaphore, #tpu.memory_space<semaphore_mem>>) {add = true}
      %dma_wait3A = arith.constant 0 : i32
      %dma_wait3A_244 = tpu.memref_slice %arg7[%run_scoped3A_211, %dma_wait3A] : memref<16x128xi32, #tpu.memory_space<vmem>> -> memref<1x128xi32, #tpu.memory_space<vmem>>
      %dma_wait3A_245 = tpu.memref_squeeze %dma_wait3A_244 : memref<1x128xi32, #tpu.memory_space<vmem>> -> memref<128xi32, #tpu.memory_space<vmem>>
      %dma_wait3A_246 = arith.constant 0 : i32
      %dma_wait3A_247 = arith.constant 0 : i32
      %dma_wait3A_248 = tpu.memref_slice %arg10[%dma_wait3A_246, %dma_wait3A_247] : memref<8192x128xf32, #tpu.memory_space<vmem_shared>> -> memref<8192x128xf32, #tpu.memory_space<vmem_shared>>
      tpu.wait_indirect_dma semaphore(%run_scoped3A_238 : memref<!tpu.dma_semaphore, #tpu.memory_space<semaphore_mem>>) src(%arg8 : memref<128x128xf32, #tpu.memory_space<vmem>>) dst(%dma_wait3A_248 : memref<8192x128xf32, #tpu.memory_space<vmem_shared>>)
      tpu.yield
    }) : () -> ()
    %add3A_212 = arith.constant 1920 : i32
    %add3A_213 = arith.addi %mul3A_20, %add3A_212 : i32
    %eq3A_214 = arith.constant 0 : i32
    %eq3A_215 = arith.cmpi eq, %arg0, %eq3A_214 : i32
    %convert_element_type3A_216 = arith.extui %eq3A_215 : i1 to i32
    %cond3A_217 = arith.constant 0 : i32
    %cond3A_218 = arith.cmpi ne, %convert_element_type3A_216, %cond3A_217 : i32
    scf.if %cond3A_218 {
      "tpu.region"() ({
        %run_scoped3A_238 = tpu.sem_alloc : memref<!tpu.dma_semaphore, #tpu.memory_space<semaphore_mem>>
        %dma_start3A = arith.constant 0 : i32
        %dma_start3A_239 = tpu.memref_slice %arg2[%add3A_213, %dma_start3A] : memref<32768x128xf32, #tpu.memory_space<hbm>> -> memref<128x128xf32, #tpu.memory_space<hbm>>
        %dma_start3A_240 = arith.constant 0 : i32
        %dma_start3A_241 = tpu.memref_slice %arg2[%add3A_213, %dma_start3A_240] : memref<32768x128xf32, #tpu.memory_space<hbm>> -> memref<128x128xf32, #tpu.memory_space<hbm>>
        tpu.enqueue_dma source(%dma_start3A_241 : memref<128x128xf32, #tpu.memory_space<hbm>>) target(%arg8 : memref<128x128xf32, #tpu.memory_space<vmem>>) target_semaphore(%run_scoped3A_238 : memref<!tpu.dma_semaphore, #tpu.memory_space<semaphore_mem>>)
        %dma_wait3A = arith.constant 0 : i32
        %dma_wait3A_242 = tpu.memref_slice %arg2[%add3A_213, %dma_wait3A] : memref<32768x128xf32, #tpu.memory_space<hbm>> -> memref<128x128xf32, #tpu.memory_space<hbm>>
        %dma_wait3A_243 = arith.constant 0 : i32
        %dma_wait3A_244 = tpu.memref_slice %arg2[%add3A_213, %dma_wait3A_243] : memref<32768x128xf32, #tpu.memory_space<hbm>> -> memref<128x128xf32, #tpu.memory_space<hbm>>
        tpu.wait_dma2 semaphore(%run_scoped3A_238 : memref<!tpu.dma_semaphore, #tpu.memory_space<semaphore_mem>>) src(%dma_wait3A_244 : memref<128x128xf32, #tpu.memory_space<hbm>>) dst(%arg8 : memref<128x128xf32, #tpu.memory_space<vmem>>)
        tpu.yield
      }) : () -> ()
    } else {
    }
    %eq3A_219 = arith.constant 1 : i32
    %eq3A_220 = arith.cmpi eq, %arg0, %eq3A_219 : i32
    %convert_element_type3A_221 = arith.extui %eq3A_220 : i1 to i32
    %cond3A_222 = arith.constant 0 : i32
    %cond3A_223 = arith.cmpi ne, %convert_element_type3A_221, %cond3A_222 : i32
    scf.if %cond3A_223 {
      "tpu.region"() ({
        %run_scoped3A_238 = tpu.sem_alloc : memref<!tpu.dma_semaphore, #tpu.memory_space<semaphore_mem>>
        %dma_start3A = arith.constant 0 : i32
        %dma_start3A_239 = tpu.memref_slice %arg3[%add3A_213, %dma_start3A] : memref<32768x128xf32, #tpu.memory_space<hbm>> -> memref<128x128xf32, #tpu.memory_space<hbm>>
        %dma_start3A_240 = arith.constant 0 : i32
        %dma_start3A_241 = tpu.memref_slice %arg3[%add3A_213, %dma_start3A_240] : memref<32768x128xf32, #tpu.memory_space<hbm>> -> memref<128x128xf32, #tpu.memory_space<hbm>>
        tpu.enqueue_dma source(%dma_start3A_241 : memref<128x128xf32, #tpu.memory_space<hbm>>) target(%arg8 : memref<128x128xf32, #tpu.memory_space<vmem>>) target_semaphore(%run_scoped3A_238 : memref<!tpu.dma_semaphore, #tpu.memory_space<semaphore_mem>>)
        %dma_wait3A = arith.constant 0 : i32
        %dma_wait3A_242 = tpu.memref_slice %arg3[%add3A_213, %dma_wait3A] : memref<32768x128xf32, #tpu.memory_space<hbm>> -> memref<128x128xf32, #tpu.memory_space<hbm>>
        %dma_wait3A_243 = arith.constant 0 : i32
        %dma_wait3A_244 = tpu.memref_slice %arg3[%add3A_213, %dma_wait3A_243] : memref<32768x128xf32, #tpu.memory_space<hbm>> -> memref<128x128xf32, #tpu.memory_space<hbm>>
        tpu.wait_dma2 semaphore(%run_scoped3A_238 : memref<!tpu.dma_semaphore, #tpu.memory_space<semaphore_mem>>) src(%dma_wait3A_244 : memref<128x128xf32, #tpu.memory_space<hbm>>) dst(%arg8 : memref<128x128xf32, #tpu.memory_space<vmem>>)
        tpu.yield
      }) : () -> ()
    } else {
    }
    %run_scoped3A_224 = arith.constant 15 : i32
    "tpu.region"() ({
      %run_scoped3A_238 = tpu.sem_alloc : memref<!tpu.dma_semaphore, #tpu.memory_space<semaphore_mem>>
      %dma_start3A = arith.constant 0 : i32
      %dma_start3A_239 = tpu.memref_slice %arg7[%run_scoped3A_224, %dma_start3A] : memref<16x128xi32, #tpu.memory_space<vmem>> -> memref<1x128xi32, #tpu.memory_space<vmem>>
      %dma_start3A_240 = tpu.memref_squeeze %dma_start3A_239 : memref<1x128xi32, #tpu.memory_space<vmem>> -> memref<128xi32, #tpu.memory_space<vmem>>
      %dma_start3A_241 = arith.constant 0 : i32
      %dma_start3A_242 = arith.constant 0 : i32
      %dma_start3A_243 = tpu.memref_slice %arg10[%dma_start3A_241, %dma_start3A_242] : memref<8192x128xf32, #tpu.memory_space<vmem_shared>> -> memref<8192x128xf32, #tpu.memory_space<vmem_shared>>
      tpu.enqueue_indirect_dma source(%arg8 : memref<128x128xf32, #tpu.memory_space<vmem>>) target(%dma_start3A_243 : memref<8192x128xf32, #tpu.memory_space<vmem_shared>>) offsets(%dma_start3A_240 : memref<128xi32, #tpu.memory_space<vmem>>) semaphore(%run_scoped3A_238 : memref<!tpu.dma_semaphore, #tpu.memory_space<semaphore_mem>>) {add = true}
      %dma_wait3A = arith.constant 0 : i32
      %dma_wait3A_244 = tpu.memref_slice %arg7[%run_scoped3A_224, %dma_wait3A] : memref<16x128xi32, #tpu.memory_space<vmem>> -> memref<1x128xi32, #tpu.memory_space<vmem>>
      %dma_wait3A_245 = tpu.memref_squeeze %dma_wait3A_244 : memref<1x128xi32, #tpu.memory_space<vmem>> -> memref<128xi32, #tpu.memory_space<vmem>>
      %dma_wait3A_246 = arith.constant 0 : i32
      %dma_wait3A_247 = arith.constant 0 : i32
      %dma_wait3A_248 = tpu.memref_slice %arg10[%dma_wait3A_246, %dma_wait3A_247] : memref<8192x128xf32, #tpu.memory_space<vmem_shared>> -> memref<8192x128xf32, #tpu.memory_space<vmem_shared>>
      tpu.wait_indirect_dma semaphore(%run_scoped3A_238 : memref<!tpu.dma_semaphore, #tpu.memory_space<semaphore_mem>>) src(%arg8 : memref<128x128xf32, #tpu.memory_space<vmem>>) dst(%dma_wait3A_248 : memref<8192x128xf32, #tpu.memory_space<vmem_shared>>)
      tpu.yield
    }) : () -> ()
    %barrier3A_225 = arith.constant 0 : index
    tpu.barrier barrier_id(%barrier3A_225)
    %mul3A_226 = arith.constant 512 : i32
    %mul3A_227 = arith.muli %arg1, %mul3A_226 : i32
    %eq3A_228 = arith.constant 0 : i32
    %eq3A_229 = arith.cmpi eq, %arg0, %eq3A_228 : i32
    %convert_element_type3A_230 = arith.extui %eq3A_229 : i1 to i32
    %cond3A_231 = arith.constant 0 : i32
    %cond3A_232 = arith.cmpi ne, %convert_element_type3A_230, %cond3A_231 : i32
    scf.if %cond3A_232 {
      "tpu.region"() ({
        %run_scoped3A_238 = tpu.sem_alloc : memref<!tpu.dma_semaphore, #tpu.memory_space<semaphore_mem>>
        %dma_start3A = arith.constant 0 : i32
        %dma_start3A_239 = tpu.memref_slice %arg5[%mul3A_227, %dma_start3A] : memref<8192x128xf32, #tpu.memory_space<hbm>> -> memref<512x128xf32, #tpu.memory_space<hbm>>
        %dma_start3A_240 = arith.constant 0 : i32
        %dma_start3A_241 = tpu.memref_slice %arg10[%mul3A_227, %dma_start3A_240] : memref<8192x128xf32, #tpu.memory_space<vmem_shared>> -> memref<512x128xf32, #tpu.memory_space<vmem_shared>>
        tpu.enqueue_dma source(%dma_start3A_241 : memref<512x128xf32, #tpu.memory_space<vmem_shared>>) target(%dma_start3A_239 : memref<512x128xf32, #tpu.memory_space<hbm>>) target_semaphore(%run_scoped3A_238 : memref<!tpu.dma_semaphore, #tpu.memory_space<semaphore_mem>>)
        %dma_wait3A = arith.constant 0 : i32
        %dma_wait3A_242 = tpu.memref_slice %arg5[%mul3A_227, %dma_wait3A] : memref<8192x128xf32, #tpu.memory_space<hbm>> -> memref<512x128xf32, #tpu.memory_space<hbm>>
        %dma_wait3A_243 = arith.constant 0 : i32
        %dma_wait3A_244 = tpu.memref_slice %arg10[%mul3A_227, %dma_wait3A_243] : memref<8192x128xf32, #tpu.memory_space<vmem_shared>> -> memref<512x128xf32, #tpu.memory_space<vmem_shared>>
        tpu.wait_dma2 semaphore(%run_scoped3A_238 : memref<!tpu.dma_semaphore, #tpu.memory_space<semaphore_mem>>) src(%dma_wait3A_244 : memref<512x128xf32, #tpu.memory_space<vmem_shared>>) dst(%dma_wait3A_242 : memref<512x128xf32, #tpu.memory_space<hbm>>)
        tpu.yield
      }) : () -> ()
    } else {
    }
    %eq3A_233 = arith.constant 1 : i32
    %eq3A_234 = arith.cmpi eq, %arg0, %eq3A_233 : i32
    %convert_element_type3A_235 = arith.extui %eq3A_234 : i1 to i32
    %cond3A_236 = arith.constant 0 : i32
    %cond3A_237 = arith.cmpi ne, %convert_element_type3A_235, %cond3A_236 : i32
    scf.if %cond3A_237 {
      "tpu.region"() ({
        %run_scoped3A_238 = tpu.sem_alloc : memref<!tpu.dma_semaphore, #tpu.memory_space<semaphore_mem>>
        %dma_start3A = arith.constant 0 : i32
        %dma_start3A_239 = tpu.memref_slice %arg6[%mul3A_227, %dma_start3A] : memref<8192x128xf32, #tpu.memory_space<hbm>> -> memref<512x128xf32, #tpu.memory_space<hbm>>
        %dma_start3A_240 = arith.constant 0 : i32
        %dma_start3A_241 = tpu.memref_slice %arg10[%mul3A_227, %dma_start3A_240] : memref<8192x128xf32, #tpu.memory_space<vmem_shared>> -> memref<512x128xf32, #tpu.memory_space<vmem_shared>>
        tpu.enqueue_dma source(%dma_start3A_241 : memref<512x128xf32, #tpu.memory_space<vmem_shared>>) target(%dma_start3A_239 : memref<512x128xf32, #tpu.memory_space<hbm>>) target_semaphore(%run_scoped3A_238 : memref<!tpu.dma_semaphore, #tpu.memory_space<semaphore_mem>>)
        %dma_wait3A = arith.constant 0 : i32
        %dma_wait3A_242 = tpu.memref_slice %arg6[%mul3A_227, %dma_wait3A] : memref<8192x128xf32, #tpu.memory_space<hbm>> -> memref<512x128xf32, #tpu.memory_space<hbm>>
        %dma_wait3A_243 = arith.constant 0 : i32
        %dma_wait3A_244 = tpu.memref_slice %arg10[%mul3A_227, %dma_wait3A_243] : memref<8192x128xf32, #tpu.memory_space<vmem_shared>> -> memref<512x128xf32, #tpu.memory_space<vmem_shared>>
        tpu.wait_dma2 semaphore(%run_scoped3A_238 : memref<!tpu.dma_semaphore, #tpu.memory_space<semaphore_mem>>) src(%dma_wait3A_244 : memref<512x128xf32, #tpu.memory_space<vmem_shared>>) dst(%dma_wait3A_242 : memref<512x128xf32, #tpu.memory_space<hbm>>)
        tpu.yield
      }) : () -> ()
    } else {
    }
    return
  }
}

module attributes {stable_mosaic.version = 14 : i64} {
  func.func @_prep_body(%arg0: memref<8192x256xf32, #tpu.memory_space<vmem>>, %arg1: memref<8192x256xf32, #tpu.memory_space<vmem>>, %arg2: memref<1x8192xf32, #tpu.memory_space<vmem>>) attributes {dimension_semantics = [], scalar_prefetch = 0 : i64, scratch_operands = 0 : i64, tpu.core_type = #tpu.core_type<tc>} {
    %get3A = arith.constant 0 : index
    %get3A_0 = arith.constant 0 : index
    %get3A_1 = vector.load %arg0[%get3A, %get3A_0] : memref<8192x256xf32, #tpu.memory_space<vmem>>, vector<512x256xf32>
    %mul3A = arith.constant -2.000000e+00 : f32
    %mul3A_2 = vector.broadcast %mul3A : f32 to vector<512x256xf32>
    %mul3A_3 = arith.mulf %mul3A_2, %get3A_1 : vector<512x256xf32>
    %swap3A = arith.constant 0 : index
    %swap3A_4 = arith.constant 0 : index
    %swap3A_5 = vector.load %arg1[%swap3A, %swap3A_4] : memref<8192x256xf32, #tpu.memory_space<vmem>>, vector<512x256xf32>
    tpu.vector_store %arg1[%swap3A, %swap3A_4], %mul3A_3 {strides = array<i32>} : memref<8192x256xf32, #tpu.memory_space<vmem>>, vector<512x256xf32>,
    %mul3A_6 = arith.mulf %get3A_1, %get3A_1 : vector<512x256xf32>
    %reduce_sum3A = arith.constant dense<0.000000e+00> : vector<512xf32>
    %reduce_sum3A_7 = vector.multi_reduction <add>, %mul3A_6, %reduce_sum3A [1] : vector<512x256xf32> to vector<512xf32>
    %swap3A_8 = arith.constant 0 : index
    %swap3A_9 = arith.constant 0 : index
    %swap3A_10 = vector.load %arg2[%swap3A_8, %swap3A_9] : memref<1x8192xf32, #tpu.memory_space<vmem>>, vector<1x512xf32>
    %swap3A_11 = vector.shape_cast %swap3A_10 : vector<1x512xf32> to vector<512xf32>
    %swap3A_12 = vector.shape_cast %reduce_sum3A_7 : vector<512xf32> to vector<1x512xf32>
    tpu.vector_store %arg2[%swap3A_8, %swap3A_9], %swap3A_12 {strides = array<i32>} : memref<1x8192xf32, #tpu.memory_space<vmem>>, vector<1x512xf32>,
    %get3A_13 = arith.constant 512 : index
    %get3A_14 = arith.constant 0 : index
    %get3A_15 = vector.load %arg0[%get3A_13, %get3A_14] : memref<8192x256xf32, #tpu.memory_space<vmem>>, vector<512x256xf32>
    %mul3A_16 = arith.constant -2.000000e+00 : f32
    %mul3A_17 = vector.broadcast %mul3A_16 : f32 to vector<512x256xf32>
    %mul3A_18 = arith.mulf %mul3A_17, %get3A_15 : vector<512x256xf32>
    %swap3A_19 = arith.constant 512 : index
    %swap3A_20 = arith.constant 0 : index
    %swap3A_21 = vector.load %arg1[%swap3A_19, %swap3A_20] : memref<8192x256xf32, #tpu.memory_space<vmem>>, vector<512x256xf32>
    tpu.vector_store %arg1[%swap3A_19, %swap3A_20], %mul3A_18 {strides = array<i32>} : memref<8192x256xf32, #tpu.memory_space<vmem>>, vector<512x256xf32>,
    %mul3A_22 = arith.mulf %get3A_15, %get3A_15 : vector<512x256xf32>
    %reduce_sum3A_23 = arith.constant dense<0.000000e+00> : vector<512xf32>
    %reduce_sum3A_24 = vector.multi_reduction <add>, %mul3A_22, %reduce_sum3A_23 [1] : vector<512x256xf32> to vector<512xf32>
    %swap3A_25 = arith.constant 0 : index
    %swap3A_26 = arith.constant 512 : index
    %swap3A_27 = vector.load %arg2[%swap3A_25, %swap3A_26] : memref<1x8192xf32, #tpu.memory_space<vmem>>, vector<1x512xf32>
    %swap3A_28 = vector.shape_cast %swap3A_27 : vector<1x512xf32> to vector<512xf32>
    %swap3A_29 = vector.shape_cast %reduce_sum3A_24 : vector<512xf32> to vector<1x512xf32>
    tpu.vector_store %arg2[%swap3A_25, %swap3A_26], %swap3A_29 {strides = array<i32>} : memref<1x8192xf32, #tpu.memory_space<vmem>>, vector<1x512xf32>,
    %get3A_30 = arith.constant 1024 : index
    %get3A_31 = arith.constant 0 : index
    %get3A_32 = vector.load %arg0[%get3A_30, %get3A_31] : memref<8192x256xf32, #tpu.memory_space<vmem>>, vector<512x256xf32>
    %mul3A_33 = arith.constant -2.000000e+00 : f32
    %mul3A_34 = vector.broadcast %mul3A_33 : f32 to vector<512x256xf32>
    %mul3A_35 = arith.mulf %mul3A_34, %get3A_32 : vector<512x256xf32>
    %swap3A_36 = arith.constant 1024 : index
    %swap3A_37 = arith.constant 0 : index
    %swap3A_38 = vector.load %arg1[%swap3A_36, %swap3A_37] : memref<8192x256xf32, #tpu.memory_space<vmem>>, vector<512x256xf32>
    tpu.vector_store %arg1[%swap3A_36, %swap3A_37], %mul3A_35 {strides = array<i32>} : memref<8192x256xf32, #tpu.memory_space<vmem>>, vector<512x256xf32>,
    %mul3A_39 = arith.mulf %get3A_32, %get3A_32 : vector<512x256xf32>
    %reduce_sum3A_40 = arith.constant dense<0.000000e+00> : vector<512xf32>
    %reduce_sum3A_41 = vector.multi_reduction <add>, %mul3A_39, %reduce_sum3A_40 [1] : vector<512x256xf32> to vector<512xf32>
    %swap3A_42 = arith.constant 0 : index
    %swap3A_43 = arith.constant 1024 : index
    %swap3A_44 = vector.load %arg2[%swap3A_42, %swap3A_43] : memref<1x8192xf32, #tpu.memory_space<vmem>>, vector<1x512xf32>
    %swap3A_45 = vector.shape_cast %swap3A_44 : vector<1x512xf32> to vector<512xf32>
    %swap3A_46 = vector.shape_cast %reduce_sum3A_41 : vector<512xf32> to vector<1x512xf32>
    tpu.vector_store %arg2[%swap3A_42, %swap3A_43], %swap3A_46 {strides = array<i32>} : memref<1x8192xf32, #tpu.memory_space<vmem>>, vector<1x512xf32>,
    %get3A_47 = arith.constant 1536 : index
    %get3A_48 = arith.constant 0 : index
    %get3A_49 = vector.load %arg0[%get3A_47, %get3A_48] : memref<8192x256xf32, #tpu.memory_space<vmem>>, vector<512x256xf32>
    %mul3A_50 = arith.constant -2.000000e+00 : f32
    %mul3A_51 = vector.broadcast %mul3A_50 : f32 to vector<512x256xf32>
    %mul3A_52 = arith.mulf %mul3A_51, %get3A_49 : vector<512x256xf32>
    %swap3A_53 = arith.constant 1536 : index
    %swap3A_54 = arith.constant 0 : index
    %swap3A_55 = vector.load %arg1[%swap3A_53, %swap3A_54] : memref<8192x256xf32, #tpu.memory_space<vmem>>, vector<512x256xf32>
    tpu.vector_store %arg1[%swap3A_53, %swap3A_54], %mul3A_52 {strides = array<i32>} : memref<8192x256xf32, #tpu.memory_space<vmem>>, vector<512x256xf32>,
    %mul3A_56 = arith.mulf %get3A_49, %get3A_49 : vector<512x256xf32>
    %reduce_sum3A_57 = arith.constant dense<0.000000e+00> : vector<512xf32>
    %reduce_sum3A_58 = vector.multi_reduction <add>, %mul3A_56, %reduce_sum3A_57 [1] : vector<512x256xf32> to vector<512xf32>
    %swap3A_59 = arith.constant 0 : index
    %swap3A_60 = arith.constant 1536 : index
    %swap3A_61 = vector.load %arg2[%swap3A_59, %swap3A_60] : memref<1x8192xf32, #tpu.memory_space<vmem>>, vector<1x512xf32>
    %swap3A_62 = vector.shape_cast %swap3A_61 : vector<1x512xf32> to vector<512xf32>
    %swap3A_63 = vector.shape_cast %reduce_sum3A_58 : vector<512xf32> to vector<1x512xf32>
    tpu.vector_store %arg2[%swap3A_59, %swap3A_60], %swap3A_63 {strides = array<i32>} : memref<1x8192xf32, #tpu.memory_space<vmem>>, vector<1x512xf32>,
    %get3A_64 = arith.constant 2048 : index
    %get3A_65 = arith.constant 0 : index
    %get3A_66 = vector.load %arg0[%get3A_64, %get3A_65] : memref<8192x256xf32, #tpu.memory_space<vmem>>, vector<512x256xf32>
    %mul3A_67 = arith.constant -2.000000e+00 : f32
    %mul3A_68 = vector.broadcast %mul3A_67 : f32 to vector<512x256xf32>
    %mul3A_69 = arith.mulf %mul3A_68, %get3A_66 : vector<512x256xf32>
    %swap3A_70 = arith.constant 2048 : index
    %swap3A_71 = arith.constant 0 : index
    %swap3A_72 = vector.load %arg1[%swap3A_70, %swap3A_71] : memref<8192x256xf32, #tpu.memory_space<vmem>>, vector<512x256xf32>
    tpu.vector_store %arg1[%swap3A_70, %swap3A_71], %mul3A_69 {strides = array<i32>} : memref<8192x256xf32, #tpu.memory_space<vmem>>, vector<512x256xf32>,
    %mul3A_73 = arith.mulf %get3A_66, %get3A_66 : vector<512x256xf32>
    %reduce_sum3A_74 = arith.constant dense<0.000000e+00> : vector<512xf32>
    %reduce_sum3A_75 = vector.multi_reduction <add>, %mul3A_73, %reduce_sum3A_74 [1] : vector<512x256xf32> to vector<512xf32>
    %swap3A_76 = arith.constant 0 : index
    %swap3A_77 = arith.constant 2048 : index
    %swap3A_78 = vector.load %arg2[%swap3A_76, %swap3A_77] : memref<1x8192xf32, #tpu.memory_space<vmem>>, vector<1x512xf32>
    %swap3A_79 = vector.shape_cast %swap3A_78 : vector<1x512xf32> to vector<512xf32>
    %swap3A_80 = vector.shape_cast %reduce_sum3A_75 : vector<512xf32> to vector<1x512xf32>
    tpu.vector_store %arg2[%swap3A_76, %swap3A_77], %swap3A_80 {strides = array<i32>} : memref<1x8192xf32, #tpu.memory_space<vmem>>, vector<1x512xf32>,
    %get3A_81 = arith.constant 2560 : index
    %get3A_82 = arith.constant 0 : index
    %get3A_83 = vector.load %arg0[%get3A_81, %get3A_82] : memref<8192x256xf32, #tpu.memory_space<vmem>>, vector<512x256xf32>
    %mul3A_84 = arith.constant -2.000000e+00 : f32
    %mul3A_85 = vector.broadcast %mul3A_84 : f32 to vector<512x256xf32>
    %mul3A_86 = arith.mulf %mul3A_85, %get3A_83 : vector<512x256xf32>
    %swap3A_87 = arith.constant 2560 : index
    %swap3A_88 = arith.constant 0 : index
    %swap3A_89 = vector.load %arg1[%swap3A_87, %swap3A_88] : memref<8192x256xf32, #tpu.memory_space<vmem>>, vector<512x256xf32>
    tpu.vector_store %arg1[%swap3A_87, %swap3A_88], %mul3A_86 {strides = array<i32>} : memref<8192x256xf32, #tpu.memory_space<vmem>>, vector<512x256xf32>,
    %mul3A_90 = arith.mulf %get3A_83, %get3A_83 : vector<512x256xf32>
    %reduce_sum3A_91 = arith.constant dense<0.000000e+00> : vector<512xf32>
    %reduce_sum3A_92 = vector.multi_reduction <add>, %mul3A_90, %reduce_sum3A_91 [1] : vector<512x256xf32> to vector<512xf32>
    %swap3A_93 = arith.constant 0 : index
    %swap3A_94 = arith.constant 2560 : index
    %swap3A_95 = vector.load %arg2[%swap3A_93, %swap3A_94] : memref<1x8192xf32, #tpu.memory_space<vmem>>, vector<1x512xf32>
    %swap3A_96 = vector.shape_cast %swap3A_95 : vector<1x512xf32> to vector<512xf32>
    %swap3A_97 = vector.shape_cast %reduce_sum3A_92 : vector<512xf32> to vector<1x512xf32>
    tpu.vector_store %arg2[%swap3A_93, %swap3A_94], %swap3A_97 {strides = array<i32>} : memref<1x8192xf32, #tpu.memory_space<vmem>>, vector<1x512xf32>,
    %get3A_98 = arith.constant 3072 : index
    %get3A_99 = arith.constant 0 : index
    %get3A_100 = vector.load %arg0[%get3A_98, %get3A_99] : memref<8192x256xf32, #tpu.memory_space<vmem>>, vector<512x256xf32>
    %mul3A_101 = arith.constant -2.000000e+00 : f32
    %mul3A_102 = vector.broadcast %mul3A_101 : f32 to vector<512x256xf32>
    %mul3A_103 = arith.mulf %mul3A_102, %get3A_100 : vector<512x256xf32>
    %swap3A_104 = arith.constant 3072 : index
    %swap3A_105 = arith.constant 0 : index
    %swap3A_106 = vector.load %arg1[%swap3A_104, %swap3A_105] : memref<8192x256xf32, #tpu.memory_space<vmem>>, vector<512x256xf32>
    tpu.vector_store %arg1[%swap3A_104, %swap3A_105], %mul3A_103 {strides = array<i32>} : memref<8192x256xf32, #tpu.memory_space<vmem>>, vector<512x256xf32>,
    %mul3A_107 = arith.mulf %get3A_100, %get3A_100 : vector<512x256xf32>
    %reduce_sum3A_108 = arith.constant dense<0.000000e+00> : vector<512xf32>
    %reduce_sum3A_109 = vector.multi_reduction <add>, %mul3A_107, %reduce_sum3A_108 [1] : vector<512x256xf32> to vector<512xf32>
    %swap3A_110 = arith.constant 0 : index
    %swap3A_111 = arith.constant 3072 : index
    %swap3A_112 = vector.load %arg2[%swap3A_110, %swap3A_111] : memref<1x8192xf32, #tpu.memory_space<vmem>>, vector<1x512xf32>
    %swap3A_113 = vector.shape_cast %swap3A_112 : vector<1x512xf32> to vector<512xf32>
    %swap3A_114 = vector.shape_cast %reduce_sum3A_109 : vector<512xf32> to vector<1x512xf32>
    tpu.vector_store %arg2[%swap3A_110, %swap3A_111], %swap3A_114 {strides = array<i32>} : memref<1x8192xf32, #tpu.memory_space<vmem>>, vector<1x512xf32>,
    %get3A_115 = arith.constant 3584 : index
    %get3A_116 = arith.constant 0 : index
    %get3A_117 = vector.load %arg0[%get3A_115, %get3A_116] : memref<8192x256xf32, #tpu.memory_space<vmem>>, vector<512x256xf32>
    %mul3A_118 = arith.constant -2.000000e+00 : f32
    %mul3A_119 = vector.broadcast %mul3A_118 : f32 to vector<512x256xf32>
    %mul3A_120 = arith.mulf %mul3A_119, %get3A_117 : vector<512x256xf32>
    %swap3A_121 = arith.constant 3584 : index
    %swap3A_122 = arith.constant 0 : index
    %swap3A_123 = vector.load %arg1[%swap3A_121, %swap3A_122] : memref<8192x256xf32, #tpu.memory_space<vmem>>, vector<512x256xf32>
    tpu.vector_store %arg1[%swap3A_121, %swap3A_122], %mul3A_120 {strides = array<i32>} : memref<8192x256xf32, #tpu.memory_space<vmem>>, vector<512x256xf32>,
    %mul3A_124 = arith.mulf %get3A_117, %get3A_117 : vector<512x256xf32>
    %reduce_sum3A_125 = arith.constant dense<0.000000e+00> : vector<512xf32>
    %reduce_sum3A_126 = vector.multi_reduction <add>, %mul3A_124, %reduce_sum3A_125 [1] : vector<512x256xf32> to vector<512xf32>
    %swap3A_127 = arith.constant 0 : index
    %swap3A_128 = arith.constant 3584 : index
    %swap3A_129 = vector.load %arg2[%swap3A_127, %swap3A_128] : memref<1x8192xf32, #tpu.memory_space<vmem>>, vector<1x512xf32>
    %swap3A_130 = vector.shape_cast %swap3A_129 : vector<1x512xf32> to vector<512xf32>
    %swap3A_131 = vector.shape_cast %reduce_sum3A_126 : vector<512xf32> to vector<1x512xf32>
    tpu.vector_store %arg2[%swap3A_127, %swap3A_128], %swap3A_131 {strides = array<i32>} : memref<1x8192xf32, #tpu.memory_space<vmem>>, vector<1x512xf32>,
    %get3A_132 = arith.constant 4096 : index
    %get3A_133 = arith.constant 0 : index
    %get3A_134 = vector.load %arg0[%get3A_132, %get3A_133] : memref<8192x256xf32, #tpu.memory_space<vmem>>, vector<512x256xf32>
    %mul3A_135 = arith.constant -2.000000e+00 : f32
    %mul3A_136 = vector.broadcast %mul3A_135 : f32 to vector<512x256xf32>
    %mul3A_137 = arith.mulf %mul3A_136, %get3A_134 : vector<512x256xf32>
    %swap3A_138 = arith.constant 4096 : index
    %swap3A_139 = arith.constant 0 : index
    %swap3A_140 = vector.load %arg1[%swap3A_138, %swap3A_139] : memref<8192x256xf32, #tpu.memory_space<vmem>>, vector<512x256xf32>
    tpu.vector_store %arg1[%swap3A_138, %swap3A_139], %mul3A_137 {strides = array<i32>} : memref<8192x256xf32, #tpu.memory_space<vmem>>, vector<512x256xf32>,
    %mul3A_141 = arith.mulf %get3A_134, %get3A_134 : vector<512x256xf32>
    %reduce_sum3A_142 = arith.constant dense<0.000000e+00> : vector<512xf32>
    %reduce_sum3A_143 = vector.multi_reduction <add>, %mul3A_141, %reduce_sum3A_142 [1] : vector<512x256xf32> to vector<512xf32>
    %swap3A_144 = arith.constant 0 : index
    %swap3A_145 = arith.constant 4096 : index
    %swap3A_146 = vector.load %arg2[%swap3A_144, %swap3A_145] : memref<1x8192xf32, #tpu.memory_space<vmem>>, vector<1x512xf32>
    %swap3A_147 = vector.shape_cast %swap3A_146 : vector<1x512xf32> to vector<512xf32>
    %swap3A_148 = vector.shape_cast %reduce_sum3A_143 : vector<512xf32> to vector<1x512xf32>
    tpu.vector_store %arg2[%swap3A_144, %swap3A_145], %swap3A_148 {strides = array<i32>} : memref<1x8192xf32, #tpu.memory_space<vmem>>, vector<1x512xf32>,
    %get3A_149 = arith.constant 4608 : index
    %get3A_150 = arith.constant 0 : index
    %get3A_151 = vector.load %arg0[%get3A_149, %get3A_150] : memref<8192x256xf32, #tpu.memory_space<vmem>>, vector<512x256xf32>
    %mul3A_152 = arith.constant -2.000000e+00 : f32
    %mul3A_153 = vector.broadcast %mul3A_152 : f32 to vector<512x256xf32>
    %mul3A_154 = arith.mulf %mul3A_153, %get3A_151 : vector<512x256xf32>
    %swap3A_155 = arith.constant 4608 : index
    %swap3A_156 = arith.constant 0 : index
    %swap3A_157 = vector.load %arg1[%swap3A_155, %swap3A_156] : memref<8192x256xf32, #tpu.memory_space<vmem>>, vector<512x256xf32>
    tpu.vector_store %arg1[%swap3A_155, %swap3A_156], %mul3A_154 {strides = array<i32>} : memref<8192x256xf32, #tpu.memory_space<vmem>>, vector<512x256xf32>,
    %mul3A_158 = arith.mulf %get3A_151, %get3A_151 : vector<512x256xf32>
    %reduce_sum3A_159 = arith.constant dense<0.000000e+00> : vector<512xf32>
    %reduce_sum3A_160 = vector.multi_reduction <add>, %mul3A_158, %reduce_sum3A_159 [1] : vector<512x256xf32> to vector<512xf32>
    %swap3A_161 = arith.constant 0 : index
    %swap3A_162 = arith.constant 4608 : index
    %swap3A_163 = vector.load %arg2[%swap3A_161, %swap3A_162] : memref<1x8192xf32, #tpu.memory_space<vmem>>, vector<1x512xf32>
    %swap3A_164 = vector.shape_cast %swap3A_163 : vector<1x512xf32> to vector<512xf32>
    %swap3A_165 = vector.shape_cast %reduce_sum3A_160 : vector<512xf32> to vector<1x512xf32>
    tpu.vector_store %arg2[%swap3A_161, %swap3A_162], %swap3A_165 {strides = array<i32>} : memref<1x8192xf32, #tpu.memory_space<vmem>>, vector<1x512xf32>,
    %get3A_166 = arith.constant 5120 : index
    %get3A_167 = arith.constant 0 : index
    %get3A_168 = vector.load %arg0[%get3A_166, %get3A_167] : memref<8192x256xf32, #tpu.memory_space<vmem>>, vector<512x256xf32>
    %mul3A_169 = arith.constant -2.000000e+00 : f32
    %mul3A_170 = vector.broadcast %mul3A_169 : f32 to vector<512x256xf32>
    %mul3A_171 = arith.mulf %mul3A_170, %get3A_168 : vector<512x256xf32>
    %swap3A_172 = arith.constant 5120 : index
    %swap3A_173 = arith.constant 0 : index
    %swap3A_174 = vector.load %arg1[%swap3A_172, %swap3A_173] : memref<8192x256xf32, #tpu.memory_space<vmem>>, vector<512x256xf32>
    tpu.vector_store %arg1[%swap3A_172, %swap3A_173], %mul3A_171 {strides = array<i32>} : memref<8192x256xf32, #tpu.memory_space<vmem>>, vector<512x256xf32>,
    %mul3A_175 = arith.mulf %get3A_168, %get3A_168 : vector<512x256xf32>
    %reduce_sum3A_176 = arith.constant dense<0.000000e+00> : vector<512xf32>
    %reduce_sum3A_177 = vector.multi_reduction <add>, %mul3A_175, %reduce_sum3A_176 [1] : vector<512x256xf32> to vector<512xf32>
    %swap3A_178 = arith.constant 0 : index
    %swap3A_179 = arith.constant 5120 : index
    %swap3A_180 = vector.load %arg2[%swap3A_178, %swap3A_179] : memref<1x8192xf32, #tpu.memory_space<vmem>>, vector<1x512xf32>
    %swap3A_181 = vector.shape_cast %swap3A_180 : vector<1x512xf32> to vector<512xf32>
    %swap3A_182 = vector.shape_cast %reduce_sum3A_177 : vector<512xf32> to vector<1x512xf32>
    tpu.vector_store %arg2[%swap3A_178, %swap3A_179], %swap3A_182 {strides = array<i32>} : memref<1x8192xf32, #tpu.memory_space<vmem>>, vector<1x512xf32>,
    %get3A_183 = arith.constant 5632 : index
    %get3A_184 = arith.constant 0 : index
    %get3A_185 = vector.load %arg0[%get3A_183, %get3A_184] : memref<8192x256xf32, #tpu.memory_space<vmem>>, vector<512x256xf32>
    %mul3A_186 = arith.constant -2.000000e+00 : f32
    %mul3A_187 = vector.broadcast %mul3A_186 : f32 to vector<512x256xf32>
    %mul3A_188 = arith.mulf %mul3A_187, %get3A_185 : vector<512x256xf32>
    %swap3A_189 = arith.constant 5632 : index
    %swap3A_190 = arith.constant 0 : index
    %swap3A_191 = vector.load %arg1[%swap3A_189, %swap3A_190] : memref<8192x256xf32, #tpu.memory_space<vmem>>, vector<512x256xf32>
    tpu.vector_store %arg1[%swap3A_189, %swap3A_190], %mul3A_188 {strides = array<i32>} : memref<8192x256xf32, #tpu.memory_space<vmem>>, vector<512x256xf32>,
    %mul3A_192 = arith.mulf %get3A_185, %get3A_185 : vector<512x256xf32>
    %reduce_sum3A_193 = arith.constant dense<0.000000e+00> : vector<512xf32>
    %reduce_sum3A_194 = vector.multi_reduction <add>, %mul3A_192, %reduce_sum3A_193 [1] : vector<512x256xf32> to vector<512xf32>
    %swap3A_195 = arith.constant 0 : index
    %swap3A_196 = arith.constant 5632 : index
    %swap3A_197 = vector.load %arg2[%swap3A_195, %swap3A_196] : memref<1x8192xf32, #tpu.memory_space<vmem>>, vector<1x512xf32>
    %swap3A_198 = vector.shape_cast %swap3A_197 : vector<1x512xf32> to vector<512xf32>
    %swap3A_199 = vector.shape_cast %reduce_sum3A_194 : vector<512xf32> to vector<1x512xf32>
    tpu.vector_store %arg2[%swap3A_195, %swap3A_196], %swap3A_199 {strides = array<i32>} : memref<1x8192xf32, #tpu.memory_space<vmem>>, vector<1x512xf32>,
    %get3A_200 = arith.constant 6144 : index
    %get3A_201 = arith.constant 0 : index
    %get3A_202 = vector.load %arg0[%get3A_200, %get3A_201] : memref<8192x256xf32, #tpu.memory_space<vmem>>, vector<512x256xf32>
    %mul3A_203 = arith.constant -2.000000e+00 : f32
    %mul3A_204 = vector.broadcast %mul3A_203 : f32 to vector<512x256xf32>
    %mul3A_205 = arith.mulf %mul3A_204, %get3A_202 : vector<512x256xf32>
    %swap3A_206 = arith.constant 6144 : index
    %swap3A_207 = arith.constant 0 : index
    %swap3A_208 = vector.load %arg1[%swap3A_206, %swap3A_207] : memref<8192x256xf32, #tpu.memory_space<vmem>>, vector<512x256xf32>
    tpu.vector_store %arg1[%swap3A_206, %swap3A_207], %mul3A_205 {strides = array<i32>} : memref<8192x256xf32, #tpu.memory_space<vmem>>, vector<512x256xf32>,
    %mul3A_209 = arith.mulf %get3A_202, %get3A_202 : vector<512x256xf32>
    %reduce_sum3A_210 = arith.constant dense<0.000000e+00> : vector<512xf32>
    %reduce_sum3A_211 = vector.multi_reduction <add>, %mul3A_209, %reduce_sum3A_210 [1] : vector<512x256xf32> to vector<512xf32>
    %swap3A_212 = arith.constant 0 : index
    %swap3A_213 = arith.constant 6144 : index
    %swap3A_214 = vector.load %arg2[%swap3A_212, %swap3A_213] : memref<1x8192xf32, #tpu.memory_space<vmem>>, vector<1x512xf32>
    %swap3A_215 = vector.shape_cast %swap3A_214 : vector<1x512xf32> to vector<512xf32>
    %swap3A_216 = vector.shape_cast %reduce_sum3A_211 : vector<512xf32> to vector<1x512xf32>
    tpu.vector_store %arg2[%swap3A_212, %swap3A_213], %swap3A_216 {strides = array<i32>} : memref<1x8192xf32, #tpu.memory_space<vmem>>, vector<1x512xf32>,
    %get3A_217 = arith.constant 6656 : index
    %get3A_218 = arith.constant 0 : index
    %get3A_219 = vector.load %arg0[%get3A_217, %get3A_218] : memref<8192x256xf32, #tpu.memory_space<vmem>>, vector<512x256xf32>
    %mul3A_220 = arith.constant -2.000000e+00 : f32
    %mul3A_221 = vector.broadcast %mul3A_220 : f32 to vector<512x256xf32>
    %mul3A_222 = arith.mulf %mul3A_221, %get3A_219 : vector<512x256xf32>
    %swap3A_223 = arith.constant 6656 : index
    %swap3A_224 = arith.constant 0 : index
    %swap3A_225 = vector.load %arg1[%swap3A_223, %swap3A_224] : memref<8192x256xf32, #tpu.memory_space<vmem>>, vector<512x256xf32>
    tpu.vector_store %arg1[%swap3A_223, %swap3A_224], %mul3A_222 {strides = array<i32>} : memref<8192x256xf32, #tpu.memory_space<vmem>>, vector<512x256xf32>,
    %mul3A_226 = arith.mulf %get3A_219, %get3A_219 : vector<512x256xf32>
    %reduce_sum3A_227 = arith.constant dense<0.000000e+00> : vector<512xf32>
    %reduce_sum3A_228 = vector.multi_reduction <add>, %mul3A_226, %reduce_sum3A_227 [1] : vector<512x256xf32> to vector<512xf32>
    %swap3A_229 = arith.constant 0 : index
    %swap3A_230 = arith.constant 6656 : index
    %swap3A_231 = vector.load %arg2[%swap3A_229, %swap3A_230] : memref<1x8192xf32, #tpu.memory_space<vmem>>, vector<1x512xf32>
    %swap3A_232 = vector.shape_cast %swap3A_231 : vector<1x512xf32> to vector<512xf32>
    %swap3A_233 = vector.shape_cast %reduce_sum3A_228 : vector<512xf32> to vector<1x512xf32>
    tpu.vector_store %arg2[%swap3A_229, %swap3A_230], %swap3A_233 {strides = array<i32>} : memref<1x8192xf32, #tpu.memory_space<vmem>>, vector<1x512xf32>,
    %get3A_234 = arith.constant 7168 : index
    %get3A_235 = arith.constant 0 : index
    %get3A_236 = vector.load %arg0[%get3A_234, %get3A_235] : memref<8192x256xf32, #tpu.memory_space<vmem>>, vector<512x256xf32>
    %mul3A_237 = arith.constant -2.000000e+00 : f32
    %mul3A_238 = vector.broadcast %mul3A_237 : f32 to vector<512x256xf32>
    %mul3A_239 = arith.mulf %mul3A_238, %get3A_236 : vector<512x256xf32>
    %swap3A_240 = arith.constant 7168 : index
    %swap3A_241 = arith.constant 0 : index
    %swap3A_242 = vector.load %arg1[%swap3A_240, %swap3A_241] : memref<8192x256xf32, #tpu.memory_space<vmem>>, vector<512x256xf32>
    tpu.vector_store %arg1[%swap3A_240, %swap3A_241], %mul3A_239 {strides = array<i32>} : memref<8192x256xf32, #tpu.memory_space<vmem>>, vector<512x256xf32>,
    %mul3A_243 = arith.mulf %get3A_236, %get3A_236 : vector<512x256xf32>
    %reduce_sum3A_244 = arith.constant dense<0.000000e+00> : vector<512xf32>
    %reduce_sum3A_245 = vector.multi_reduction <add>, %mul3A_243, %reduce_sum3A_244 [1] : vector<512x256xf32> to vector<512xf32>
    %swap3A_246 = arith.constant 0 : index
    %swap3A_247 = arith.constant 7168 : index
    %swap3A_248 = vector.load %arg2[%swap3A_246, %swap3A_247] : memref<1x8192xf32, #tpu.memory_space<vmem>>, vector<1x512xf32>
    %swap3A_249 = vector.shape_cast %swap3A_248 : vector<1x512xf32> to vector<512xf32>
    %swap3A_250 = vector.shape_cast %reduce_sum3A_245 : vector<512xf32> to vector<1x512xf32>
    tpu.vector_store %arg2[%swap3A_246, %swap3A_247], %swap3A_250 {strides = array<i32>} : memref<1x8192xf32, #tpu.memory_space<vmem>>, vector<1x512xf32>,
    %get3A_251 = arith.constant 7680 : index
    %get3A_252 = arith.constant 0 : index
    %get3A_253 = vector.load %arg0[%get3A_251, %get3A_252] : memref<8192x256xf32, #tpu.memory_space<vmem>>, vector<512x256xf32>
    %mul3A_254 = arith.constant -2.000000e+00 : f32
    %mul3A_255 = vector.broadcast %mul3A_254 : f32 to vector<512x256xf32>
    %mul3A_256 = arith.mulf %mul3A_255, %get3A_253 : vector<512x256xf32>
    %swap3A_257 = arith.constant 7680 : index
    %swap3A_258 = arith.constant 0 : index
    %swap3A_259 = vector.load %arg1[%swap3A_257, %swap3A_258] : memref<8192x256xf32, #tpu.memory_space<vmem>>, vector<512x256xf32>
    tpu.vector_store %arg1[%swap3A_257, %swap3A_258], %mul3A_256 {strides = array<i32>} : memref<8192x256xf32, #tpu.memory_space<vmem>>, vector<512x256xf32>,
    %mul3A_260 = arith.mulf %get3A_253, %get3A_253 : vector<512x256xf32>
    %reduce_sum3A_261 = arith.constant dense<0.000000e+00> : vector<512xf32>
    %reduce_sum3A_262 = vector.multi_reduction <add>, %mul3A_260, %reduce_sum3A_261 [1] : vector<512x256xf32> to vector<512xf32>
    %swap3A_263 = arith.constant 0 : index
    %swap3A_264 = arith.constant 7680 : index
    %swap3A_265 = vector.load %arg2[%swap3A_263, %swap3A_264] : memref<1x8192xf32, #tpu.memory_space<vmem>>, vector<1x512xf32>
    %swap3A_266 = vector.shape_cast %swap3A_265 : vector<1x512xf32> to vector<512xf32>
    %swap3A_267 = vector.shape_cast %reduce_sum3A_262 : vector<512xf32> to vector<1x512xf32>
    tpu.vector_store %arg2[%swap3A_263, %swap3A_264], %swap3A_267 {strides = array<i32>} : memref<1x8192xf32, #tpu.memory_space<vmem>>, vector<1x512xf32>,
    return
  }
}

module attributes {stable_mosaic.version = 14 : i64} {
  func.func @_argmin_body(%arg0: i32, %arg1: memref<1024x256xf32, #tpu.memory_space<vmem>>, %arg2: memref<8192x256xf32, #tpu.memory_space<vmem>>, %arg3: memref<1x8192xf32, #tpu.memory_space<vmem>>, %arg4: memref<1x1x1024xi32, #tpu.memory_space<vmem>>) attributes {dimension_semantics = [#tpu.dimension_semantics<arbitrary>], iteration_bounds = array<i64: 32>, scalar_prefetch = 0 : i64, scratch_operands = 0 : i64, tpu.core_type = #tpu.core_type<tc>, window_params = [{transform_indices = @transform_0, window_bounds = array<i64: 1024, 256>}, {pipeline_mode = #tpu.pipeline_mode<synchronous>, transform_indices = @transform_1, window_bounds = array<i64: 8192, 256>}, {pipeline_mode = #tpu.pipeline_mode<synchronous>, transform_indices = @transform_2, window_bounds = array<i64: 1, 8192>}, {transform_indices = @transform_3, window_bounds = array<i64: 1, 1, 1024>}]} {
    %get3A = arith.constant 0 : index
    %get3A_0 = arith.constant 0 : index
    %get3A_1 = vector.load %arg1[%get3A, %get3A_0] : memref<1024x256xf32, #tpu.memory_space<vmem>>, vector<1024x256xf32>
    %mul3A = arith.mulf %get3A_1, %get3A_1 : vector<1024x256xf32>
    %reduce_sum3A = arith.constant dense<0.000000e+00> : vector<1024xf32>
    %reduce_sum3A_2 = vector.multi_reduction <add>, %mul3A, %reduce_sum3A [1] : vector<1024x256xf32> to vector<1024xf32>
    %broadcast_in_dim3A = vector.shape_cast %reduce_sum3A_2 : vector<1024xf32> to vector<1024x1xf32>
    %broadcast_in_dim3A_3 = arith.constant 0x7F800000 : f32
    %broadcast_in_dim3A_4 = vector.broadcast %broadcast_in_dim3A_3 : f32 to vector<1024xf32>
    %broadcast_in_dim3A_5 = arith.constant 0.000000e+00 : f32
    %broadcast_in_dim3A_6 = vector.broadcast %broadcast_in_dim3A_5 : f32 to vector<1024xf32>
    %get3A_7 = arith.constant 0 : index
    %get3A_8 = arith.constant 0 : index
    %get3A_9 = vector.load %arg2[%get3A_7, %get3A_8] : memref<8192x256xf32, #tpu.memory_space<vmem>>, vector<512x256xf32>
    %get3A_10 = arith.constant 0 : index
    %get3A_11 = arith.constant 0 : index
    %get3A_12 = vector.load %arg3[%get3A_10, %get3A_11] : memref<1x8192xf32, #tpu.memory_space<vmem>>, vector<1x512xf32>
    %get3A_13 = vector.shape_cast %get3A_12 : vector<1x512xf32> to vector<512xf32>
    %dot_general3A = arith.constant dense<0.000000e+00> : vector<1024x512xf32>
    %dot_general3A_14 = tpu.matmul %get3A_1, %get3A_9, %dot_general3A {dimension_numbers = #tpu.dot_dimension_numbers<[1], [1], [0], [0], [0, 0, 1, 0], [], []>, transpose_lhs_hint = false} : vector<1024x256xf32>, vector<512x256xf32>, vector<1024x512xf32> -> vector<1024x512xf32>
    %broadcast_in_dim3A_15 = vector.shape_cast %get3A_13 : vector<512xf32> to vector<1x512xf32>
    %add3A = vector.broadcast %broadcast_in_dim3A : vector<1024x1xf32> to vector<1024x512xf32>
    %add3A_16 = vector.broadcast %broadcast_in_dim3A_15 : vector<1x512xf32> to vector<1024x512xf32>
    %add3A_17 = arith.addf %add3A, %add3A_16 : vector<1024x512xf32>
    %add3A_18 = arith.addf %add3A_17, %dot_general3A_14 : vector<1024x512xf32>
    %reduce_min3A = arith.constant dense<0x7F800000> : vector<1024xf32>
    %reduce_min3A_19 = vector.multi_reduction <minimumf>, %add3A_18, %reduce_min3A [1] : vector<1024x512xf32> to vector<1024xf32>
    %broadcast_in_dim3A_20 = vector.shape_cast %reduce_min3A_19 : vector<1024xf32> to vector<1024x1xf32>
    %max3A = arith.constant 0.000000e+00 : f32
    %max3A_21 = vector.broadcast %max3A : f32 to vector<1024x1xf32>
    %max3A_22 = arith.maximumf %broadcast_in_dim3A_20, %max3A_21 : vector<1024x1xf32>
    %iota3A = tpu.iota {dimensions = array<i32: 1>} : vector<1024x512xi32>
    %convert_element_type3A = arith.sitofp %iota3A : vector<1024x512xi32> to vector<1024x512xf32>
    %le3A = vector.broadcast %max3A_22 : vector<1024x1xf32> to vector<1024x512xf32>
    %le3A_23 = arith.cmpf ole, %add3A_18, %le3A : vector<1024x512xf32>
    %jit3A = arith.constant 3.000000e+09 : f32
    %broadcast_in_dim3A_24 = vector.broadcast %jit3A : f32 to vector<1024x512xf32>
    %select_n3A = arith.select %le3A_23, %convert_element_type3A, %broadcast_in_dim3A_24 : vector<1024x512xi1>, vector<1024x512xf32>
    %reduce_min3A_25 = arith.constant dense<0x7F800000> : vector<1024xf32>
    %reduce_min3A_26 = vector.multi_reduction <minimumf>, %select_n3A, %reduce_min3A_25 [1] : vector<1024x512xf32> to vector<1024xf32>
    %squeeze3A = vector.shape_cast %max3A_22 : vector<1024x1xf32> to vector<1024xf32>
    %lt3A = arith.cmpf olt, %squeeze3A, %broadcast_in_dim3A_4 : vector<1024xf32>
    %select_n3A_27 = arith.select %lt3A, %squeeze3A, %broadcast_in_dim3A_4 : vector<1024xi1>, vector<1024xf32>
    %add3A_28 = arith.constant 0.000000e+00 : f32
    %add3A_29 = vector.broadcast %add3A_28 : f32 to vector<1024xf32>
    %add3A_30 = arith.addf %reduce_min3A_26, %add3A_29 : vector<1024xf32>
    %select_n3A_31 = arith.select %lt3A, %add3A_30, %broadcast_in_dim3A_6 : vector<1024xi1>, vector<1024xf32>
    %get3A_32 = arith.constant 512 : index
    %get3A_33 = arith.constant 0 : index
    %get3A_34 = vector.load %arg2[%get3A_32, %get3A_33] : memref<8192x256xf32, #tpu.memory_space<vmem>>, vector<512x256xf32>
    %get3A_35 = arith.constant 0 : index
    %get3A_36 = arith.constant 512 : index
    %get3A_37 = vector.load %arg3[%get3A_35, %get3A_36] : memref<1x8192xf32, #tpu.memory_space<vmem>>, vector<1x512xf32>
    %get3A_38 = vector.shape_cast %get3A_37 : vector<1x512xf32> to vector<512xf32>
    %dot_general3A_39 = arith.constant dense<0.000000e+00> : vector<1024x512xf32>
    %dot_general3A_40 = tpu.matmul %get3A_1, %get3A_34, %dot_general3A_39 {dimension_numbers = #tpu.dot_dimension_numbers<[1], [1], [0], [0], [0, 0, 1, 0], [], []>, transpose_lhs_hint = false} : vector<1024x256xf32>, vector<512x256xf32>, vector<1024x512xf32> -> vector<1024x512xf32>
    %broadcast_in_dim3A_41 = vector.shape_cast %get3A_38 : vector<512xf32> to vector<1x512xf32>
    %add3A_42 = vector.broadcast %broadcast_in_dim3A : vector<1024x1xf32> to vector<1024x512xf32>
    %add3A_43 = vector.broadcast %broadcast_in_dim3A_41 : vector<1x512xf32> to vector<1024x512xf32>
    %add3A_44 = arith.addf %add3A_42, %add3A_43 : vector<1024x512xf32>
    %add3A_45 = arith.addf %add3A_44, %dot_general3A_40 : vector<1024x512xf32>
    %reduce_min3A_46 = arith.constant dense<0x7F800000> : vector<1024xf32>
    %reduce_min3A_47 = vector.multi_reduction <minimumf>, %add3A_45, %reduce_min3A_46 [1] : vector<1024x512xf32> to vector<1024xf32>
    %broadcast_in_dim3A_48 = vector.shape_cast %reduce_min3A_47 : vector<1024xf32> to vector<1024x1xf32>
    %max3A_49 = arith.constant 0.000000e+00 : f32
    %max3A_50 = vector.broadcast %max3A_49 : f32 to vector<1024x1xf32>
    %max3A_51 = arith.maximumf %broadcast_in_dim3A_48, %max3A_50 : vector<1024x1xf32>
    %iota3A_52 = tpu.iota {dimensions = array<i32: 1>} : vector<1024x512xi32>
    %convert_element_type3A_53 = arith.sitofp %iota3A_52 : vector<1024x512xi32> to vector<1024x512xf32>
    %le3A_54 = vector.broadcast %max3A_51 : vector<1024x1xf32> to vector<1024x512xf32>
    %le3A_55 = arith.cmpf ole, %add3A_45, %le3A_54 : vector<1024x512xf32>
    %jit3A_56 = arith.constant 3.000000e+09 : f32
    %broadcast_in_dim3A_57 = vector.broadcast %jit3A_56 : f32 to vector<1024x512xf32>
    %select_n3A_58 = arith.select %le3A_55, %convert_element_type3A_53, %broadcast_in_dim3A_57 : vector<1024x512xi1>, vector<1024x512xf32>
    %reduce_min3A_59 = arith.constant dense<0x7F800000> : vector<1024xf32>
    %reduce_min3A_60 = vector.multi_reduction <minimumf>, %select_n3A_58, %reduce_min3A_59 [1] : vector<1024x512xf32> to vector<1024xf32>
    %squeeze3A_61 = vector.shape_cast %max3A_51 : vector<1024x1xf32> to vector<1024xf32>
    %lt3A_62 = arith.cmpf olt, %squeeze3A_61, %select_n3A_27 : vector<1024xf32>
    %select_n3A_63 = arith.select %lt3A_62, %squeeze3A_61, %select_n3A_27 : vector<1024xi1>, vector<1024xf32>
    %add3A_64 = arith.constant 5.120000e+02 : f32
    %add3A_65 = vector.broadcast %add3A_64 : f32 to vector<1024xf32>
    %add3A_66 = arith.addf %reduce_min3A_60, %add3A_65 : vector<1024xf32>
    %select_n3A_67 = arith.select %lt3A_62, %add3A_66, %select_n3A_31 : vector<1024xi1>, vector<1024xf32>
    %get3A_68 = arith.constant 1024 : index
    %get3A_69 = arith.constant 0 : index
    %get3A_70 = vector.load %arg2[%get3A_68, %get3A_69] : memref<8192x256xf32, #tpu.memory_space<vmem>>, vector<512x256xf32>
    %get3A_71 = arith.constant 0 : index
    %get3A_72 = arith.constant 1024 : index
    %get3A_73 = vector.load %arg3[%get3A_71, %get3A_72] : memref<1x8192xf32, #tpu.memory_space<vmem>>, vector<1x512xf32>
    %get3A_74 = vector.shape_cast %get3A_73 : vector<1x512xf32> to vector<512xf32>
    %dot_general3A_75 = arith.constant dense<0.000000e+00> : vector<1024x512xf32>
    %dot_general3A_76 = tpu.matmul %get3A_1, %get3A_70, %dot_general3A_75 {dimension_numbers = #tpu.dot_dimension_numbers<[1], [1], [0], [0], [0, 0, 1, 0], [], []>, transpose_lhs_hint = false} : vector<1024x256xf32>, vector<512x256xf32>, vector<1024x512xf32> -> vector<1024x512xf32>
    %broadcast_in_dim3A_77 = vector.shape_cast %get3A_74 : vector<512xf32> to vector<1x512xf32>
    %add3A_78 = vector.broadcast %broadcast_in_dim3A : vector<1024x1xf32> to vector<1024x512xf32>
    %add3A_79 = vector.broadcast %broadcast_in_dim3A_77 : vector<1x512xf32> to vector<1024x512xf32>
    %add3A_80 = arith.addf %add3A_78, %add3A_79 : vector<1024x512xf32>
    %add3A_81 = arith.addf %add3A_80, %dot_general3A_76 : vector<1024x512xf32>
    %reduce_min3A_82 = arith.constant dense<0x7F800000> : vector<1024xf32>
    %reduce_min3A_83 = vector.multi_reduction <minimumf>, %add3A_81, %reduce_min3A_82 [1] : vector<1024x512xf32> to vector<1024xf32>
    %broadcast_in_dim3A_84 = vector.shape_cast %reduce_min3A_83 : vector<1024xf32> to vector<1024x1xf32>
    %max3A_85 = arith.constant 0.000000e+00 : f32
    %max3A_86 = vector.broadcast %max3A_85 : f32 to vector<1024x1xf32>
    %max3A_87 = arith.maximumf %broadcast_in_dim3A_84, %max3A_86 : vector<1024x1xf32>
    %iota3A_88 = tpu.iota {dimensions = array<i32: 1>} : vector<1024x512xi32>
    %convert_element_type3A_89 = arith.sitofp %iota3A_88 : vector<1024x512xi32> to vector<1024x512xf32>
    %le3A_90 = vector.broadcast %max3A_87 : vector<1024x1xf32> to vector<1024x512xf32>
    %le3A_91 = arith.cmpf ole, %add3A_81, %le3A_90 : vector<1024x512xf32>
    %jit3A_92 = arith.constant 3.000000e+09 : f32
    %broadcast_in_dim3A_93 = vector.broadcast %jit3A_92 : f32 to vector<1024x512xf32>
    %select_n3A_94 = arith.select %le3A_91, %convert_element_type3A_89, %broadcast_in_dim3A_93 : vector<1024x512xi1>, vector<1024x512xf32>
    %reduce_min3A_95 = arith.constant dense<0x7F800000> : vector<1024xf32>
    %reduce_min3A_96 = vector.multi_reduction <minimumf>, %select_n3A_94, %reduce_min3A_95 [1] : vector<1024x512xf32> to vector<1024xf32>
    %squeeze3A_97 = vector.shape_cast %max3A_87 : vector<1024x1xf32> to vector<1024xf32>
    %lt3A_98 = arith.cmpf olt, %squeeze3A_97, %select_n3A_63 : vector<1024xf32>
    %select_n3A_99 = arith.select %lt3A_98, %squeeze3A_97, %select_n3A_63 : vector<1024xi1>, vector<1024xf32>
    %add3A_100 = arith.constant 1.024000e+03 : f32
    %add3A_101 = vector.broadcast %add3A_100 : f32 to vector<1024xf32>
    %add3A_102 = arith.addf %reduce_min3A_96, %add3A_101 : vector<1024xf32>
    %select_n3A_103 = arith.select %lt3A_98, %add3A_102, %select_n3A_67 : vector<1024xi1>, vector<1024xf32>
    %get3A_104 = arith.constant 1536 : index
    %get3A_105 = arith.constant 0 : index
    %get3A_106 = vector.load %arg2[%get3A_104, %get3A_105] : memref<8192x256xf32, #tpu.memory_space<vmem>>, vector<512x256xf32>
    %get3A_107 = arith.constant 0 : index
    %get3A_108 = arith.constant 1536 : index
    %get3A_109 = vector.load %arg3[%get3A_107, %get3A_108] : memref<1x8192xf32, #tpu.memory_space<vmem>>, vector<1x512xf32>
    %get3A_110 = vector.shape_cast %get3A_109 : vector<1x512xf32> to vector<512xf32>
    %dot_general3A_111 = arith.constant dense<0.000000e+00> : vector<1024x512xf32>
    %dot_general3A_112 = tpu.matmul %get3A_1, %get3A_106, %dot_general3A_111 {dimension_numbers = #tpu.dot_dimension_numbers<[1], [1], [0], [0], [0, 0, 1, 0], [], []>, transpose_lhs_hint = false} : vector<1024x256xf32>, vector<512x256xf32>, vector<1024x512xf32> -> vector<1024x512xf32>
    %broadcast_in_dim3A_113 = vector.shape_cast %get3A_110 : vector<512xf32> to vector<1x512xf32>
    %add3A_114 = vector.broadcast %broadcast_in_dim3A : vector<1024x1xf32> to vector<1024x512xf32>
    %add3A_115 = vector.broadcast %broadcast_in_dim3A_113 : vector<1x512xf32> to vector<1024x512xf32>
    %add3A_116 = arith.addf %add3A_114, %add3A_115 : vector<1024x512xf32>
    %add3A_117 = arith.addf %add3A_116, %dot_general3A_112 : vector<1024x512xf32>
    %reduce_min3A_118 = arith.constant dense<0x7F800000> : vector<1024xf32>
    %reduce_min3A_119 = vector.multi_reduction <minimumf>, %add3A_117, %reduce_min3A_118 [1] : vector<1024x512xf32> to vector<1024xf32>
    %broadcast_in_dim3A_120 = vector.shape_cast %reduce_min3A_119 : vector<1024xf32> to vector<1024x1xf32>
    %max3A_121 = arith.constant 0.000000e+00 : f32
    %max3A_122 = vector.broadcast %max3A_121 : f32 to vector<1024x1xf32>
    %max3A_123 = arith.maximumf %broadcast_in_dim3A_120, %max3A_122 : vector<1024x1xf32>
    %iota3A_124 = tpu.iota {dimensions = array<i32: 1>} : vector<1024x512xi32>
    %convert_element_type3A_125 = arith.sitofp %iota3A_124 : vector<1024x512xi32> to vector<1024x512xf32>
    %le3A_126 = vector.broadcast %max3A_123 : vector<1024x1xf32> to vector<1024x512xf32>
    %le3A_127 = arith.cmpf ole, %add3A_117, %le3A_126 : vector<1024x512xf32>
    %jit3A_128 = arith.constant 3.000000e+09 : f32
    %broadcast_in_dim3A_129 = vector.broadcast %jit3A_128 : f32 to vector<1024x512xf32>
    %select_n3A_130 = arith.select %le3A_127, %convert_element_type3A_125, %broadcast_in_dim3A_129 : vector<1024x512xi1>, vector<1024x512xf32>
    %reduce_min3A_131 = arith.constant dense<0x7F800000> : vector<1024xf32>
    %reduce_min3A_132 = vector.multi_reduction <minimumf>, %select_n3A_130, %reduce_min3A_131 [1] : vector<1024x512xf32> to vector<1024xf32>
    %squeeze3A_133 = vector.shape_cast %max3A_123 : vector<1024x1xf32> to vector<1024xf32>
    %lt3A_134 = arith.cmpf olt, %squeeze3A_133, %select_n3A_99 : vector<1024xf32>
    %select_n3A_135 = arith.select %lt3A_134, %squeeze3A_133, %select_n3A_99 : vector<1024xi1>, vector<1024xf32>
    %add3A_136 = arith.constant 1.536000e+03 : f32
    %add3A_137 = vector.broadcast %add3A_136 : f32 to vector<1024xf32>
    %add3A_138 = arith.addf %reduce_min3A_132, %add3A_137 : vector<1024xf32>
    %select_n3A_139 = arith.select %lt3A_134, %add3A_138, %select_n3A_103 : vector<1024xi1>, vector<1024xf32>
    %get3A_140 = arith.constant 2048 : index
    %get3A_141 = arith.constant 0 : index
    %get3A_142 = vector.load %arg2[%get3A_140, %get3A_141] : memref<8192x256xf32, #tpu.memory_space<vmem>>, vector<512x256xf32>
    %get3A_143 = arith.constant 0 : index
    %get3A_144 = arith.constant 2048 : index
    %get3A_145 = vector.load %arg3[%get3A_143, %get3A_144] : memref<1x8192xf32, #tpu.memory_space<vmem>>, vector<1x512xf32>
    %get3A_146 = vector.shape_cast %get3A_145 : vector<1x512xf32> to vector<512xf32>
    %dot_general3A_147 = arith.constant dense<0.000000e+00> : vector<1024x512xf32>
    %dot_general3A_148 = tpu.matmul %get3A_1, %get3A_142, %dot_general3A_147 {dimension_numbers = #tpu.dot_dimension_numbers<[1], [1], [0], [0], [0, 0, 1, 0], [], []>, transpose_lhs_hint = false} : vector<1024x256xf32>, vector<512x256xf32>, vector<1024x512xf32> -> vector<1024x512xf32>
    %broadcast_in_dim3A_149 = vector.shape_cast %get3A_146 : vector<512xf32> to vector<1x512xf32>
    %add3A_150 = vector.broadcast %broadcast_in_dim3A : vector<1024x1xf32> to vector<1024x512xf32>
    %add3A_151 = vector.broadcast %broadcast_in_dim3A_149 : vector<1x512xf32> to vector<1024x512xf32>
    %add3A_152 = arith.addf %add3A_150, %add3A_151 : vector<1024x512xf32>
    %add3A_153 = arith.addf %add3A_152, %dot_general3A_148 : vector<1024x512xf32>
    %reduce_min3A_154 = arith.constant dense<0x7F800000> : vector<1024xf32>
    %reduce_min3A_155 = vector.multi_reduction <minimumf>, %add3A_153, %reduce_min3A_154 [1] : vector<1024x512xf32> to vector<1024xf32>
    %broadcast_in_dim3A_156 = vector.shape_cast %reduce_min3A_155 : vector<1024xf32> to vector<1024x1xf32>
    %max3A_157 = arith.constant 0.000000e+00 : f32
    %max3A_158 = vector.broadcast %max3A_157 : f32 to vector<1024x1xf32>
    %max3A_159 = arith.maximumf %broadcast_in_dim3A_156, %max3A_158 : vector<1024x1xf32>
    %iota3A_160 = tpu.iota {dimensions = array<i32: 1>} : vector<1024x512xi32>
    %convert_element_type3A_161 = arith.sitofp %iota3A_160 : vector<1024x512xi32> to vector<1024x512xf32>
    %le3A_162 = vector.broadcast %max3A_159 : vector<1024x1xf32> to vector<1024x512xf32>
    %le3A_163 = arith.cmpf ole, %add3A_153, %le3A_162 : vector<1024x512xf32>
    %jit3A_164 = arith.constant 3.000000e+09 : f32
    %broadcast_in_dim3A_165 = vector.broadcast %jit3A_164 : f32 to vector<1024x512xf32>
    %select_n3A_166 = arith.select %le3A_163, %convert_element_type3A_161, %broadcast_in_dim3A_165 : vector<1024x512xi1>, vector<1024x512xf32>
    %reduce_min3A_167 = arith.constant dense<0x7F800000> : vector<1024xf32>
    %reduce_min3A_168 = vector.multi_reduction <minimumf>, %select_n3A_166, %reduce_min3A_167 [1] : vector<1024x512xf32> to vector<1024xf32>
    %squeeze3A_169 = vector.shape_cast %max3A_159 : vector<1024x1xf32> to vector<1024xf32>
    %lt3A_170 = arith.cmpf olt, %squeeze3A_169, %select_n3A_135 : vector<1024xf32>
    %select_n3A_171 = arith.select %lt3A_170, %squeeze3A_169, %select_n3A_135 : vector<1024xi1>, vector<1024xf32>
    %add3A_172 = arith.constant 2.048000e+03 : f32
    %add3A_173 = vector.broadcast %add3A_172 : f32 to vector<1024xf32>
    %add3A_174 = arith.addf %reduce_min3A_168, %add3A_173 : vector<1024xf32>
    %select_n3A_175 = arith.select %lt3A_170, %add3A_174, %select_n3A_139 : vector<1024xi1>, vector<1024xf32>
    %get3A_176 = arith.constant 2560 : index
    %get3A_177 = arith.constant 0 : index
    %get3A_178 = vector.load %arg2[%get3A_176, %get3A_177] : memref<8192x256xf32, #tpu.memory_space<vmem>>, vector<512x256xf32>
    %get3A_179 = arith.constant 0 : index
    %get3A_180 = arith.constant 2560 : index
    %get3A_181 = vector.load %arg3[%get3A_179, %get3A_180] : memref<1x8192xf32, #tpu.memory_space<vmem>>, vector<1x512xf32>
    %get3A_182 = vector.shape_cast %get3A_181 : vector<1x512xf32> to vector<512xf32>
    %dot_general3A_183 = arith.constant dense<0.000000e+00> : vector<1024x512xf32>
    %dot_general3A_184 = tpu.matmul %get3A_1, %get3A_178, %dot_general3A_183 {dimension_numbers = #tpu.dot_dimension_numbers<[1], [1], [0], [0], [0, 0, 1, 0], [], []>, transpose_lhs_hint = false} : vector<1024x256xf32>, vector<512x256xf32>, vector<1024x512xf32> -> vector<1024x512xf32>
    %broadcast_in_dim3A_185 = vector.shape_cast %get3A_182 : vector<512xf32> to vector<1x512xf32>
    %add3A_186 = vector.broadcast %broadcast_in_dim3A : vector<1024x1xf32> to vector<1024x512xf32>
    %add3A_187 = vector.broadcast %broadcast_in_dim3A_185 : vector<1x512xf32> to vector<1024x512xf32>
    %add3A_188 = arith.addf %add3A_186, %add3A_187 : vector<1024x512xf32>
    %add3A_189 = arith.addf %add3A_188, %dot_general3A_184 : vector<1024x512xf32>
    %reduce_min3A_190 = arith.constant dense<0x7F800000> : vector<1024xf32>
    %reduce_min3A_191 = vector.multi_reduction <minimumf>, %add3A_189, %reduce_min3A_190 [1] : vector<1024x512xf32> to vector<1024xf32>
    %broadcast_in_dim3A_192 = vector.shape_cast %reduce_min3A_191 : vector<1024xf32> to vector<1024x1xf32>
    %max3A_193 = arith.constant 0.000000e+00 : f32
    %max3A_194 = vector.broadcast %max3A_193 : f32 to vector<1024x1xf32>
    %max3A_195 = arith.maximumf %broadcast_in_dim3A_192, %max3A_194 : vector<1024x1xf32>
    %iota3A_196 = tpu.iota {dimensions = array<i32: 1>} : vector<1024x512xi32>
    %convert_element_type3A_197 = arith.sitofp %iota3A_196 : vector<1024x512xi32> to vector<1024x512xf32>
    %le3A_198 = vector.broadcast %max3A_195 : vector<1024x1xf32> to vector<1024x512xf32>
    %le3A_199 = arith.cmpf ole, %add3A_189, %le3A_198 : vector<1024x512xf32>
    %jit3A_200 = arith.constant 3.000000e+09 : f32
    %broadcast_in_dim3A_201 = vector.broadcast %jit3A_200 : f32 to vector<1024x512xf32>
    %select_n3A_202 = arith.select %le3A_199, %convert_element_type3A_197, %broadcast_in_dim3A_201 : vector<1024x512xi1>, vector<1024x512xf32>
    %reduce_min3A_203 = arith.constant dense<0x7F800000> : vector<1024xf32>
    %reduce_min3A_204 = vector.multi_reduction <minimumf>, %select_n3A_202, %reduce_min3A_203 [1] : vector<1024x512xf32> to vector<1024xf32>
    %squeeze3A_205 = vector.shape_cast %max3A_195 : vector<1024x1xf32> to vector<1024xf32>
    %lt3A_206 = arith.cmpf olt, %squeeze3A_205, %select_n3A_171 : vector<1024xf32>
    %select_n3A_207 = arith.select %lt3A_206, %squeeze3A_205, %select_n3A_171 : vector<1024xi1>, vector<1024xf32>
    %add3A_208 = arith.constant 2.560000e+03 : f32
    %add3A_209 = vector.broadcast %add3A_208 : f32 to vector<1024xf32>
    %add3A_210 = arith.addf %reduce_min3A_204, %add3A_209 : vector<1024xf32>
    %select_n3A_211 = arith.select %lt3A_206, %add3A_210, %select_n3A_175 : vector<1024xi1>, vector<1024xf32>
    %get3A_212 = arith.constant 3072 : index
    %get3A_213 = arith.constant 0 : index
    %get3A_214 = vector.load %arg2[%get3A_212, %get3A_213] : memref<8192x256xf32, #tpu.memory_space<vmem>>, vector<512x256xf32>
    %get3A_215 = arith.constant 0 : index
    %get3A_216 = arith.constant 3072 : index
    %get3A_217 = vector.load %arg3[%get3A_215, %get3A_216] : memref<1x8192xf32, #tpu.memory_space<vmem>>, vector<1x512xf32>
    %get3A_218 = vector.shape_cast %get3A_217 : vector<1x512xf32> to vector<512xf32>
    %dot_general3A_219 = arith.constant dense<0.000000e+00> : vector<1024x512xf32>
    %dot_general3A_220 = tpu.matmul %get3A_1, %get3A_214, %dot_general3A_219 {dimension_numbers = #tpu.dot_dimension_numbers<[1], [1], [0], [0], [0, 0, 1, 0], [], []>, transpose_lhs_hint = false} : vector<1024x256xf32>, vector<512x256xf32>, vector<1024x512xf32> -> vector<1024x512xf32>
    %broadcast_in_dim3A_221 = vector.shape_cast %get3A_218 : vector<512xf32> to vector<1x512xf32>
    %add3A_222 = vector.broadcast %broadcast_in_dim3A : vector<1024x1xf32> to vector<1024x512xf32>
    %add3A_223 = vector.broadcast %broadcast_in_dim3A_221 : vector<1x512xf32> to vector<1024x512xf32>
    %add3A_224 = arith.addf %add3A_222, %add3A_223 : vector<1024x512xf32>
    %add3A_225 = arith.addf %add3A_224, %dot_general3A_220 : vector<1024x512xf32>
    %reduce_min3A_226 = arith.constant dense<0x7F800000> : vector<1024xf32>
    %reduce_min3A_227 = vector.multi_reduction <minimumf>, %add3A_225, %reduce_min3A_226 [1] : vector<1024x512xf32> to vector<1024xf32>
    %broadcast_in_dim3A_228 = vector.shape_cast %reduce_min3A_227 : vector<1024xf32> to vector<1024x1xf32>
    %max3A_229 = arith.constant 0.000000e+00 : f32
    %max3A_230 = vector.broadcast %max3A_229 : f32 to vector<1024x1xf32>
    %max3A_231 = arith.maximumf %broadcast_in_dim3A_228, %max3A_230 : vector<1024x1xf32>
    %iota3A_232 = tpu.iota {dimensions = array<i32: 1>} : vector<1024x512xi32>
    %convert_element_type3A_233 = arith.sitofp %iota3A_232 : vector<1024x512xi32> to vector<1024x512xf32>
    %le3A_234 = vector.broadcast %max3A_231 : vector<1024x1xf32> to vector<1024x512xf32>
    %le3A_235 = arith.cmpf ole, %add3A_225, %le3A_234 : vector<1024x512xf32>
    %jit3A_236 = arith.constant 3.000000e+09 : f32
    %broadcast_in_dim3A_237 = vector.broadcast %jit3A_236 : f32 to vector<1024x512xf32>
    %select_n3A_238 = arith.select %le3A_235, %convert_element_type3A_233, %broadcast_in_dim3A_237 : vector<1024x512xi1>, vector<1024x512xf32>
    %reduce_min3A_239 = arith.constant dense<0x7F800000> : vector<1024xf32>
    %reduce_min3A_240 = vector.multi_reduction <minimumf>, %select_n3A_238, %reduce_min3A_239 [1] : vector<1024x512xf32> to vector<1024xf32>
    %squeeze3A_241 = vector.shape_cast %max3A_231 : vector<1024x1xf32> to vector<1024xf32>
    %lt3A_242 = arith.cmpf olt, %squeeze3A_241, %select_n3A_207 : vector<1024xf32>
    %select_n3A_243 = arith.select %lt3A_242, %squeeze3A_241, %select_n3A_207 : vector<1024xi1>, vector<1024xf32>
    %add3A_244 = arith.constant 3.072000e+03 : f32
    %add3A_245 = vector.broadcast %add3A_244 : f32 to vector<1024xf32>
    %add3A_246 = arith.addf %reduce_min3A_240, %add3A_245 : vector<1024xf32>
    %select_n3A_247 = arith.select %lt3A_242, %add3A_246, %select_n3A_211 : vector<1024xi1>, vector<1024xf32>
    %get3A_248 = arith.constant 3584 : index
    %get3A_249 = arith.constant 0 : index
    %get3A_250 = vector.load %arg2[%get3A_248, %get3A_249] : memref<8192x256xf32, #tpu.memory_space<vmem>>, vector<512x256xf32>
    %get3A_251 = arith.constant 0 : index
    %get3A_252 = arith.constant 3584 : index
    %get3A_253 = vector.load %arg3[%get3A_251, %get3A_252] : memref<1x8192xf32, #tpu.memory_space<vmem>>, vector<1x512xf32>
    %get3A_254 = vector.shape_cast %get3A_253 : vector<1x512xf32> to vector<512xf32>
    %dot_general3A_255 = arith.constant dense<0.000000e+00> : vector<1024x512xf32>
    %dot_general3A_256 = tpu.matmul %get3A_1, %get3A_250, %dot_general3A_255 {dimension_numbers = #tpu.dot_dimension_numbers<[1], [1], [0], [0], [0, 0, 1, 0], [], []>, transpose_lhs_hint = false} : vector<1024x256xf32>, vector<512x256xf32>, vector<1024x512xf32> -> vector<1024x512xf32>
    %broadcast_in_dim3A_257 = vector.shape_cast %get3A_254 : vector<512xf32> to vector<1x512xf32>
    %add3A_258 = vector.broadcast %broadcast_in_dim3A : vector<1024x1xf32> to vector<1024x512xf32>
    %add3A_259 = vector.broadcast %broadcast_in_dim3A_257 : vector<1x512xf32> to vector<1024x512xf32>
    %add3A_260 = arith.addf %add3A_258, %add3A_259 : vector<1024x512xf32>
    %add3A_261 = arith.addf %add3A_260, %dot_general3A_256 : vector<1024x512xf32>
    %reduce_min3A_262 = arith.constant dense<0x7F800000> : vector<1024xf32>
    %reduce_min3A_263 = vector.multi_reduction <minimumf>, %add3A_261, %reduce_min3A_262 [1] : vector<1024x512xf32> to vector<1024xf32>
    %broadcast_in_dim3A_264 = vector.shape_cast %reduce_min3A_263 : vector<1024xf32> to vector<1024x1xf32>
    %max3A_265 = arith.constant 0.000000e+00 : f32
    %max3A_266 = vector.broadcast %max3A_265 : f32 to vector<1024x1xf32>
    %max3A_267 = arith.maximumf %broadcast_in_dim3A_264, %max3A_266 : vector<1024x1xf32>
    %iota3A_268 = tpu.iota {dimensions = array<i32: 1>} : vector<1024x512xi32>
    %convert_element_type3A_269 = arith.sitofp %iota3A_268 : vector<1024x512xi32> to vector<1024x512xf32>
    %le3A_270 = vector.broadcast %max3A_267 : vector<1024x1xf32> to vector<1024x512xf32>
    %le3A_271 = arith.cmpf ole, %add3A_261, %le3A_270 : vector<1024x512xf32>
    %jit3A_272 = arith.constant 3.000000e+09 : f32
    %broadcast_in_dim3A_273 = vector.broadcast %jit3A_272 : f32 to vector<1024x512xf32>
    %select_n3A_274 = arith.select %le3A_271, %convert_element_type3A_269, %broadcast_in_dim3A_273 : vector<1024x512xi1>, vector<1024x512xf32>
    %reduce_min3A_275 = arith.constant dense<0x7F800000> : vector<1024xf32>
    %reduce_min3A_276 = vector.multi_reduction <minimumf>, %select_n3A_274, %reduce_min3A_275 [1] : vector<1024x512xf32> to vector<1024xf32>
    %squeeze3A_277 = vector.shape_cast %max3A_267 : vector<1024x1xf32> to vector<1024xf32>
    %lt3A_278 = arith.cmpf olt, %squeeze3A_277, %select_n3A_243 : vector<1024xf32>
    %select_n3A_279 = arith.select %lt3A_278, %squeeze3A_277, %select_n3A_243 : vector<1024xi1>, vector<1024xf32>
    %add3A_280 = arith.constant 3.584000e+03 : f32
    %add3A_281 = vector.broadcast %add3A_280 : f32 to vector<1024xf32>
    %add3A_282 = arith.addf %reduce_min3A_276, %add3A_281 : vector<1024xf32>
    %select_n3A_283 = arith.select %lt3A_278, %add3A_282, %select_n3A_247 : vector<1024xi1>, vector<1024xf32>
    %get3A_284 = arith.constant 4096 : index
    %get3A_285 = arith.constant 0 : index
    %get3A_286 = vector.load %arg2[%get3A_284, %get3A_285] : memref<8192x256xf32, #tpu.memory_space<vmem>>, vector<512x256xf32>
    %get3A_287 = arith.constant 0 : index
    %get3A_288 = arith.constant 4096 : index
    %get3A_289 = vector.load %arg3[%get3A_287, %get3A_288] : memref<1x8192xf32, #tpu.memory_space<vmem>>, vector<1x512xf32>
    %get3A_290 = vector.shape_cast %get3A_289 : vector<1x512xf32> to vector<512xf32>
    %dot_general3A_291 = arith.constant dense<0.000000e+00> : vector<1024x512xf32>
    %dot_general3A_292 = tpu.matmul %get3A_1, %get3A_286, %dot_general3A_291 {dimension_numbers = #tpu.dot_dimension_numbers<[1], [1], [0], [0], [0, 0, 1, 0], [], []>, transpose_lhs_hint = false} : vector<1024x256xf32>, vector<512x256xf32>, vector<1024x512xf32> -> vector<1024x512xf32>
    %broadcast_in_dim3A_293 = vector.shape_cast %get3A_290 : vector<512xf32> to vector<1x512xf32>
    %add3A_294 = vector.broadcast %broadcast_in_dim3A : vector<1024x1xf32> to vector<1024x512xf32>
    %add3A_295 = vector.broadcast %broadcast_in_dim3A_293 : vector<1x512xf32> to vector<1024x512xf32>
    %add3A_296 = arith.addf %add3A_294, %add3A_295 : vector<1024x512xf32>
    %add3A_297 = arith.addf %add3A_296, %dot_general3A_292 : vector<1024x512xf32>
    %reduce_min3A_298 = arith.constant dense<0x7F800000> : vector<1024xf32>
    %reduce_min3A_299 = vector.multi_reduction <minimumf>, %add3A_297, %reduce_min3A_298 [1] : vector<1024x512xf32> to vector<1024xf32>
    %broadcast_in_dim3A_300 = vector.shape_cast %reduce_min3A_299 : vector<1024xf32> to vector<1024x1xf32>
    %max3A_301 = arith.constant 0.000000e+00 : f32
    %max3A_302 = vector.broadcast %max3A_301 : f32 to vector<1024x1xf32>
    %max3A_303 = arith.maximumf %broadcast_in_dim3A_300, %max3A_302 : vector<1024x1xf32>
    %iota3A_304 = tpu.iota {dimensions = array<i32: 1>} : vector<1024x512xi32>
    %convert_element_type3A_305 = arith.sitofp %iota3A_304 : vector<1024x512xi32> to vector<1024x512xf32>
    %le3A_306 = vector.broadcast %max3A_303 : vector<1024x1xf32> to vector<1024x512xf32>
    %le3A_307 = arith.cmpf ole, %add3A_297, %le3A_306 : vector<1024x512xf32>
    %jit3A_308 = arith.constant 3.000000e+09 : f32
    %broadcast_in_dim3A_309 = vector.broadcast %jit3A_308 : f32 to vector<1024x512xf32>
    %select_n3A_310 = arith.select %le3A_307, %convert_element_type3A_305, %broadcast_in_dim3A_309 : vector<1024x512xi1>, vector<1024x512xf32>
    %reduce_min3A_311 = arith.constant dense<0x7F800000> : vector<1024xf32>
    %reduce_min3A_312 = vector.multi_reduction <minimumf>, %select_n3A_310, %reduce_min3A_311 [1] : vector<1024x512xf32> to vector<1024xf32>
    %squeeze3A_313 = vector.shape_cast %max3A_303 : vector<1024x1xf32> to vector<1024xf32>
    %lt3A_314 = arith.cmpf olt, %squeeze3A_313, %select_n3A_279 : vector<1024xf32>
    %select_n3A_315 = arith.select %lt3A_314, %squeeze3A_313, %select_n3A_279 : vector<1024xi1>, vector<1024xf32>
    %add3A_316 = arith.constant 4.096000e+03 : f32
    %add3A_317 = vector.broadcast %add3A_316 : f32 to vector<1024xf32>
    %add3A_318 = arith.addf %reduce_min3A_312, %add3A_317 : vector<1024xf32>
    %select_n3A_319 = arith.select %lt3A_314, %add3A_318, %select_n3A_283 : vector<1024xi1>, vector<1024xf32>
    %get3A_320 = arith.constant 4608 : index
    %get3A_321 = arith.constant 0 : index
    %get3A_322 = vector.load %arg2[%get3A_320, %get3A_321] : memref<8192x256xf32, #tpu.memory_space<vmem>>, vector<512x256xf32>
    %get3A_323 = arith.constant 0 : index
    %get3A_324 = arith.constant 4608 : index
    %get3A_325 = vector.load %arg3[%get3A_323, %get3A_324] : memref<1x8192xf32, #tpu.memory_space<vmem>>, vector<1x512xf32>
    %get3A_326 = vector.shape_cast %get3A_325 : vector<1x512xf32> to vector<512xf32>
    %dot_general3A_327 = arith.constant dense<0.000000e+00> : vector<1024x512xf32>
    %dot_general3A_328 = tpu.matmul %get3A_1, %get3A_322, %dot_general3A_327 {dimension_numbers = #tpu.dot_dimension_numbers<[1], [1], [0], [0], [0, 0, 1, 0], [], []>, transpose_lhs_hint = false} : vector<1024x256xf32>, vector<512x256xf32>, vector<1024x512xf32> -> vector<1024x512xf32>
    %broadcast_in_dim3A_329 = vector.shape_cast %get3A_326 : vector<512xf32> to vector<1x512xf32>
    %add3A_330 = vector.broadcast %broadcast_in_dim3A : vector<1024x1xf32> to vector<1024x512xf32>
    %add3A_331 = vector.broadcast %broadcast_in_dim3A_329 : vector<1x512xf32> to vector<1024x512xf32>
    %add3A_332 = arith.addf %add3A_330, %add3A_331 : vector<1024x512xf32>
    %add3A_333 = arith.addf %add3A_332, %dot_general3A_328 : vector<1024x512xf32>
    %reduce_min3A_334 = arith.constant dense<0x7F800000> : vector<1024xf32>
    %reduce_min3A_335 = vector.multi_reduction <minimumf>, %add3A_333, %reduce_min3A_334 [1] : vector<1024x512xf32> to vector<1024xf32>
    %broadcast_in_dim3A_336 = vector.shape_cast %reduce_min3A_335 : vector<1024xf32> to vector<1024x1xf32>
    %max3A_337 = arith.constant 0.000000e+00 : f32
    %max3A_338 = vector.broadcast %max3A_337 : f32 to vector<1024x1xf32>
    %max3A_339 = arith.maximumf %broadcast_in_dim3A_336, %max3A_338 : vector<1024x1xf32>
    %iota3A_340 = tpu.iota {dimensions = array<i32: 1>} : vector<1024x512xi32>
    %convert_element_type3A_341 = arith.sitofp %iota3A_340 : vector<1024x512xi32> to vector<1024x512xf32>
    %le3A_342 = vector.broadcast %max3A_339 : vector<1024x1xf32> to vector<1024x512xf32>
    %le3A_343 = arith.cmpf ole, %add3A_333, %le3A_342 : vector<1024x512xf32>
    %jit3A_344 = arith.constant 3.000000e+09 : f32
    %broadcast_in_dim3A_345 = vector.broadcast %jit3A_344 : f32 to vector<1024x512xf32>
    %select_n3A_346 = arith.select %le3A_343, %convert_element_type3A_341, %broadcast_in_dim3A_345 : vector<1024x512xi1>, vector<1024x512xf32>
    %reduce_min3A_347 = arith.constant dense<0x7F800000> : vector<1024xf32>
    %reduce_min3A_348 = vector.multi_reduction <minimumf>, %select_n3A_346, %reduce_min3A_347 [1] : vector<1024x512xf32> to vector<1024xf32>
    %squeeze3A_349 = vector.shape_cast %max3A_339 : vector<1024x1xf32> to vector<1024xf32>
    %lt3A_350 = arith.cmpf olt, %squeeze3A_349, %select_n3A_315 : vector<1024xf32>
    %select_n3A_351 = arith.select %lt3A_350, %squeeze3A_349, %select_n3A_315 : vector<1024xi1>, vector<1024xf32>
    %add3A_352 = arith.constant 4.608000e+03 : f32
    %add3A_353 = vector.broadcast %add3A_352 : f32 to vector<1024xf32>
    %add3A_354 = arith.addf %reduce_min3A_348, %add3A_353 : vector<1024xf32>
    %select_n3A_355 = arith.select %lt3A_350, %add3A_354, %select_n3A_319 : vector<1024xi1>, vector<1024xf32>
    %get3A_356 = arith.constant 5120 : index
    %get3A_357 = arith.constant 0 : index
    %get3A_358 = vector.load %arg2[%get3A_356, %get3A_357] : memref<8192x256xf32, #tpu.memory_space<vmem>>, vector<512x256xf32>
    %get3A_359 = arith.constant 0 : index
    %get3A_360 = arith.constant 5120 : index
    %get3A_361 = vector.load %arg3[%get3A_359, %get3A_360] : memref<1x8192xf32, #tpu.memory_space<vmem>>, vector<1x512xf32>
    %get3A_362 = vector.shape_cast %get3A_361 : vector<1x512xf32> to vector<512xf32>
    %dot_general3A_363 = arith.constant dense<0.000000e+00> : vector<1024x512xf32>
    %dot_general3A_364 = tpu.matmul %get3A_1, %get3A_358, %dot_general3A_363 {dimension_numbers = #tpu.dot_dimension_numbers<[1], [1], [0], [0], [0, 0, 1, 0], [], []>, transpose_lhs_hint = false} : vector<1024x256xf32>, vector<512x256xf32>, vector<1024x512xf32> -> vector<1024x512xf32>
    %broadcast_in_dim3A_365 = vector.shape_cast %get3A_362 : vector<512xf32> to vector<1x512xf32>
    %add3A_366 = vector.broadcast %broadcast_in_dim3A : vector<1024x1xf32> to vector<1024x512xf32>
    %add3A_367 = vector.broadcast %broadcast_in_dim3A_365 : vector<1x512xf32> to vector<1024x512xf32>
    %add3A_368 = arith.addf %add3A_366, %add3A_367 : vector<1024x512xf32>
    %add3A_369 = arith.addf %add3A_368, %dot_general3A_364 : vector<1024x512xf32>
    %reduce_min3A_370 = arith.constant dense<0x7F800000> : vector<1024xf32>
    %reduce_min3A_371 = vector.multi_reduction <minimumf>, %add3A_369, %reduce_min3A_370 [1] : vector<1024x512xf32> to vector<1024xf32>
    %broadcast_in_dim3A_372 = vector.shape_cast %reduce_min3A_371 : vector<1024xf32> to vector<1024x1xf32>
    %max3A_373 = arith.constant 0.000000e+00 : f32
    %max3A_374 = vector.broadcast %max3A_373 : f32 to vector<1024x1xf32>
    %max3A_375 = arith.maximumf %broadcast_in_dim3A_372, %max3A_374 : vector<1024x1xf32>
    %iota3A_376 = tpu.iota {dimensions = array<i32: 1>} : vector<1024x512xi32>
    %convert_element_type3A_377 = arith.sitofp %iota3A_376 : vector<1024x512xi32> to vector<1024x512xf32>
    %le3A_378 = vector.broadcast %max3A_375 : vector<1024x1xf32> to vector<1024x512xf32>
    %le3A_379 = arith.cmpf ole, %add3A_369, %le3A_378 : vector<1024x512xf32>
    %jit3A_380 = arith.constant 3.000000e+09 : f32
    %broadcast_in_dim3A_381 = vector.broadcast %jit3A_380 : f32 to vector<1024x512xf32>
    %select_n3A_382 = arith.select %le3A_379, %convert_element_type3A_377, %broadcast_in_dim3A_381 : vector<1024x512xi1>, vector<1024x512xf32>
    %reduce_min3A_383 = arith.constant dense<0x7F800000> : vector<1024xf32>
    %reduce_min3A_384 = vector.multi_reduction <minimumf>, %select_n3A_382, %reduce_min3A_383 [1] : vector<1024x512xf32> to vector<1024xf32>
    %squeeze3A_385 = vector.shape_cast %max3A_375 : vector<1024x1xf32> to vector<1024xf32>
    %lt3A_386 = arith.cmpf olt, %squeeze3A_385, %select_n3A_351 : vector<1024xf32>
    %select_n3A_387 = arith.select %lt3A_386, %squeeze3A_385, %select_n3A_351 : vector<1024xi1>, vector<1024xf32>
    %add3A_388 = arith.constant 5.120000e+03 : f32
    %add3A_389 = vector.broadcast %add3A_388 : f32 to vector<1024xf32>
    %add3A_390 = arith.addf %reduce_min3A_384, %add3A_389 : vector<1024xf32>
    %select_n3A_391 = arith.select %lt3A_386, %add3A_390, %select_n3A_355 : vector<1024xi1>, vector<1024xf32>
    %get3A_392 = arith.constant 5632 : index
    %get3A_393 = arith.constant 0 : index
    %get3A_394 = vector.load %arg2[%get3A_392, %get3A_393] : memref<8192x256xf32, #tpu.memory_space<vmem>>, vector<512x256xf32>
    %get3A_395 = arith.constant 0 : index
    %get3A_396 = arith.constant 5632 : index
    %get3A_397 = vector.load %arg3[%get3A_395, %get3A_396] : memref<1x8192xf32, #tpu.memory_space<vmem>>, vector<1x512xf32>
    %get3A_398 = vector.shape_cast %get3A_397 : vector<1x512xf32> to vector<512xf32>
    %dot_general3A_399 = arith.constant dense<0.000000e+00> : vector<1024x512xf32>
    %dot_general3A_400 = tpu.matmul %get3A_1, %get3A_394, %dot_general3A_399 {dimension_numbers = #tpu.dot_dimension_numbers<[1], [1], [0], [0], [0, 0, 1, 0], [], []>, transpose_lhs_hint = false} : vector<1024x256xf32>, vector<512x256xf32>, vector<1024x512xf32> -> vector<1024x512xf32>
    %broadcast_in_dim3A_401 = vector.shape_cast %get3A_398 : vector<512xf32> to vector<1x512xf32>
    %add3A_402 = vector.broadcast %broadcast_in_dim3A : vector<1024x1xf32> to vector<1024x512xf32>
    %add3A_403 = vector.broadcast %broadcast_in_dim3A_401 : vector<1x512xf32> to vector<1024x512xf32>
    %add3A_404 = arith.addf %add3A_402, %add3A_403 : vector<1024x512xf32>
    %add3A_405 = arith.addf %add3A_404, %dot_general3A_400 : vector<1024x512xf32>
    %reduce_min3A_406 = arith.constant dense<0x7F800000> : vector<1024xf32>
    %reduce_min3A_407 = vector.multi_reduction <minimumf>, %add3A_405, %reduce_min3A_406 [1] : vector<1024x512xf32> to vector<1024xf32>
    %broadcast_in_dim3A_408 = vector.shape_cast %reduce_min3A_407 : vector<1024xf32> to vector<1024x1xf32>
    %max3A_409 = arith.constant 0.000000e+00 : f32
    %max3A_410 = vector.broadcast %max3A_409 : f32 to vector<1024x1xf32>
    %max3A_411 = arith.maximumf %broadcast_in_dim3A_408, %max3A_410 : vector<1024x1xf32>
    %iota3A_412 = tpu.iota {dimensions = array<i32: 1>} : vector<1024x512xi32>
    %convert_element_type3A_413 = arith.sitofp %iota3A_412 : vector<1024x512xi32> to vector<1024x512xf32>
    %le3A_414 = vector.broadcast %max3A_411 : vector<1024x1xf32> to vector<1024x512xf32>
    %le3A_415 = arith.cmpf ole, %add3A_405, %le3A_414 : vector<1024x512xf32>
    %jit3A_416 = arith.constant 3.000000e+09 : f32
    %broadcast_in_dim3A_417 = vector.broadcast %jit3A_416 : f32 to vector<1024x512xf32>
    %select_n3A_418 = arith.select %le3A_415, %convert_element_type3A_413, %broadcast_in_dim3A_417 : vector<1024x512xi1>, vector<1024x512xf32>
    %reduce_min3A_419 = arith.constant dense<0x7F800000> : vector<1024xf32>
    %reduce_min3A_420 = vector.multi_reduction <minimumf>, %select_n3A_418, %reduce_min3A_419 [1] : vector<1024x512xf32> to vector<1024xf32>
    %squeeze3A_421 = vector.shape_cast %max3A_411 : vector<1024x1xf32> to vector<1024xf32>
    %lt3A_422 = arith.cmpf olt, %squeeze3A_421, %select_n3A_387 : vector<1024xf32>
    %select_n3A_423 = arith.select %lt3A_422, %squeeze3A_421, %select_n3A_387 : vector<1024xi1>, vector<1024xf32>
    %add3A_424 = arith.constant 5.632000e+03 : f32
    %add3A_425 = vector.broadcast %add3A_424 : f32 to vector<1024xf32>
    %add3A_426 = arith.addf %reduce_min3A_420, %add3A_425 : vector<1024xf32>
    %select_n3A_427 = arith.select %lt3A_422, %add3A_426, %select_n3A_391 : vector<1024xi1>, vector<1024xf32>
    %get3A_428 = arith.constant 6144 : index
    %get3A_429 = arith.constant 0 : index
    %get3A_430 = vector.load %arg2[%get3A_428, %get3A_429] : memref<8192x256xf32, #tpu.memory_space<vmem>>, vector<512x256xf32>
    %get3A_431 = arith.constant 0 : index
    %get3A_432 = arith.constant 6144 : index
    %get3A_433 = vector.load %arg3[%get3A_431, %get3A_432] : memref<1x8192xf32, #tpu.memory_space<vmem>>, vector<1x512xf32>
    %get3A_434 = vector.shape_cast %get3A_433 : vector<1x512xf32> to vector<512xf32>
    %dot_general3A_435 = arith.constant dense<0.000000e+00> : vector<1024x512xf32>
    %dot_general3A_436 = tpu.matmul %get3A_1, %get3A_430, %dot_general3A_435 {dimension_numbers = #tpu.dot_dimension_numbers<[1], [1], [0], [0], [0, 0, 1, 0], [], []>, transpose_lhs_hint = false} : vector<1024x256xf32>, vector<512x256xf32>, vector<1024x512xf32> -> vector<1024x512xf32>
    %broadcast_in_dim3A_437 = vector.shape_cast %get3A_434 : vector<512xf32> to vector<1x512xf32>
    %add3A_438 = vector.broadcast %broadcast_in_dim3A : vector<1024x1xf32> to vector<1024x512xf32>
    %add3A_439 = vector.broadcast %broadcast_in_dim3A_437 : vector<1x512xf32> to vector<1024x512xf32>
    %add3A_440 = arith.addf %add3A_438, %add3A_439 : vector<1024x512xf32>
    %add3A_441 = arith.addf %add3A_440, %dot_general3A_436 : vector<1024x512xf32>
    %reduce_min3A_442 = arith.constant dense<0x7F800000> : vector<1024xf32>
    %reduce_min3A_443 = vector.multi_reduction <minimumf>, %add3A_441, %reduce_min3A_442 [1] : vector<1024x512xf32> to vector<1024xf32>
    %broadcast_in_dim3A_444 = vector.shape_cast %reduce_min3A_443 : vector<1024xf32> to vector<1024x1xf32>
    %max3A_445 = arith.constant 0.000000e+00 : f32
    %max3A_446 = vector.broadcast %max3A_445 : f32 to vector<1024x1xf32>
    %max3A_447 = arith.maximumf %broadcast_in_dim3A_444, %max3A_446 : vector<1024x1xf32>
    %iota3A_448 = tpu.iota {dimensions = array<i32: 1>} : vector<1024x512xi32>
    %convert_element_type3A_449 = arith.sitofp %iota3A_448 : vector<1024x512xi32> to vector<1024x512xf32>
    %le3A_450 = vector.broadcast %max3A_447 : vector<1024x1xf32> to vector<1024x512xf32>
    %le3A_451 = arith.cmpf ole, %add3A_441, %le3A_450 : vector<1024x512xf32>
    %jit3A_452 = arith.constant 3.000000e+09 : f32
    %broadcast_in_dim3A_453 = vector.broadcast %jit3A_452 : f32 to vector<1024x512xf32>
    %select_n3A_454 = arith.select %le3A_451, %convert_element_type3A_449, %broadcast_in_dim3A_453 : vector<1024x512xi1>, vector<1024x512xf32>
    %reduce_min3A_455 = arith.constant dense<0x7F800000> : vector<1024xf32>
    %reduce_min3A_456 = vector.multi_reduction <minimumf>, %select_n3A_454, %reduce_min3A_455 [1] : vector<1024x512xf32> to vector<1024xf32>
    %squeeze3A_457 = vector.shape_cast %max3A_447 : vector<1024x1xf32> to vector<1024xf32>
    %lt3A_458 = arith.cmpf olt, %squeeze3A_457, %select_n3A_423 : vector<1024xf32>
    %select_n3A_459 = arith.select %lt3A_458, %squeeze3A_457, %select_n3A_423 : vector<1024xi1>, vector<1024xf32>
    %add3A_460 = arith.constant 6.144000e+03 : f32
    %add3A_461 = vector.broadcast %add3A_460 : f32 to vector<1024xf32>
    %add3A_462 = arith.addf %reduce_min3A_456, %add3A_461 : vector<1024xf32>
    %select_n3A_463 = arith.select %lt3A_458, %add3A_462, %select_n3A_427 : vector<1024xi1>, vector<1024xf32>
    %get3A_464 = arith.constant 6656 : index
    %get3A_465 = arith.constant 0 : index
    %get3A_466 = vector.load %arg2[%get3A_464, %get3A_465] : memref<8192x256xf32, #tpu.memory_space<vmem>>, vector<512x256xf32>
    %get3A_467 = arith.constant 0 : index
    %get3A_468 = arith.constant 6656 : index
    %get3A_469 = vector.load %arg3[%get3A_467, %get3A_468] : memref<1x8192xf32, #tpu.memory_space<vmem>>, vector<1x512xf32>
    %get3A_470 = vector.shape_cast %get3A_469 : vector<1x512xf32> to vector<512xf32>
    %dot_general3A_471 = arith.constant dense<0.000000e+00> : vector<1024x512xf32>
    %dot_general3A_472 = tpu.matmul %get3A_1, %get3A_466, %dot_general3A_471 {dimension_numbers = #tpu.dot_dimension_numbers<[1], [1], [0], [0], [0, 0, 1, 0], [], []>, transpose_lhs_hint = false} : vector<1024x256xf32>, vector<512x256xf32>, vector<1024x512xf32> -> vector<1024x512xf32>
    %broadcast_in_dim3A_473 = vector.shape_cast %get3A_470 : vector<512xf32> to vector<1x512xf32>
    %add3A_474 = vector.broadcast %broadcast_in_dim3A : vector<1024x1xf32> to vector<1024x512xf32>
    %add3A_475 = vector.broadcast %broadcast_in_dim3A_473 : vector<1x512xf32> to vector<1024x512xf32>
    %add3A_476 = arith.addf %add3A_474, %add3A_475 : vector<1024x512xf32>
    %add3A_477 = arith.addf %add3A_476, %dot_general3A_472 : vector<1024x512xf32>
    %reduce_min3A_478 = arith.constant dense<0x7F800000> : vector<1024xf32>
    %reduce_min3A_479 = vector.multi_reduction <minimumf>, %add3A_477, %reduce_min3A_478 [1] : vector<1024x512xf32> to vector<1024xf32>
    %broadcast_in_dim3A_480 = vector.shape_cast %reduce_min3A_479 : vector<1024xf32> to vector<1024x1xf32>
    %max3A_481 = arith.constant 0.000000e+00 : f32
    %max3A_482 = vector.broadcast %max3A_481 : f32 to vector<1024x1xf32>
    %max3A_483 = arith.maximumf %broadcast_in_dim3A_480, %max3A_482 : vector<1024x1xf32>
    %iota3A_484 = tpu.iota {dimensions = array<i32: 1>} : vector<1024x512xi32>
    %convert_element_type3A_485 = arith.sitofp %iota3A_484 : vector<1024x512xi32> to vector<1024x512xf32>
    %le3A_486 = vector.broadcast %max3A_483 : vector<1024x1xf32> to vector<1024x512xf32>
    %le3A_487 = arith.cmpf ole, %add3A_477, %le3A_486 : vector<1024x512xf32>
    %jit3A_488 = arith.constant 3.000000e+09 : f32
    %broadcast_in_dim3A_489 = vector.broadcast %jit3A_488 : f32 to vector<1024x512xf32>
    %select_n3A_490 = arith.select %le3A_487, %convert_element_type3A_485, %broadcast_in_dim3A_489 : vector<1024x512xi1>, vector<1024x512xf32>
    %reduce_min3A_491 = arith.constant dense<0x7F800000> : vector<1024xf32>
    %reduce_min3A_492 = vector.multi_reduction <minimumf>, %select_n3A_490, %reduce_min3A_491 [1] : vector<1024x512xf32> to vector<1024xf32>
    %squeeze3A_493 = vector.shape_cast %max3A_483 : vector<1024x1xf32> to vector<1024xf32>
    %lt3A_494 = arith.cmpf olt, %squeeze3A_493, %select_n3A_459 : vector<1024xf32>
    %select_n3A_495 = arith.select %lt3A_494, %squeeze3A_493, %select_n3A_459 : vector<1024xi1>, vector<1024xf32>
    %add3A_496 = arith.constant 6.656000e+03 : f32
    %add3A_497 = vector.broadcast %add3A_496 : f32 to vector<1024xf32>
    %add3A_498 = arith.addf %reduce_min3A_492, %add3A_497 : vector<1024xf32>
    %select_n3A_499 = arith.select %lt3A_494, %add3A_498, %select_n3A_463 : vector<1024xi1>, vector<1024xf32>
    %get3A_500 = arith.constant 7168 : index
    %get3A_501 = arith.constant 0 : index
    %get3A_502 = vector.load %arg2[%get3A_500, %get3A_501] : memref<8192x256xf32, #tpu.memory_space<vmem>>, vector<512x256xf32>
    %get3A_503 = arith.constant 0 : index
    %get3A_504 = arith.constant 7168 : index
    %get3A_505 = vector.load %arg3[%get3A_503, %get3A_504] : memref<1x8192xf32, #tpu.memory_space<vmem>>, vector<1x512xf32>
    %get3A_506 = vector.shape_cast %get3A_505 : vector<1x512xf32> to vector<512xf32>
    %dot_general3A_507 = arith.constant dense<0.000000e+00> : vector<1024x512xf32>
    %dot_general3A_508 = tpu.matmul %get3A_1, %get3A_502, %dot_general3A_507 {dimension_numbers = #tpu.dot_dimension_numbers<[1], [1], [0], [0], [0, 0, 1, 0], [], []>, transpose_lhs_hint = false} : vector<1024x256xf32>, vector<512x256xf32>, vector<1024x512xf32> -> vector<1024x512xf32>
    %broadcast_in_dim3A_509 = vector.shape_cast %get3A_506 : vector<512xf32> to vector<1x512xf32>
    %add3A_510 = vector.broadcast %broadcast_in_dim3A : vector<1024x1xf32> to vector<1024x512xf32>
    %add3A_511 = vector.broadcast %broadcast_in_dim3A_509 : vector<1x512xf32> to vector<1024x512xf32>
    %add3A_512 = arith.addf %add3A_510, %add3A_511 : vector<1024x512xf32>
    %add3A_513 = arith.addf %add3A_512, %dot_general3A_508 : vector<1024x512xf32>
    %reduce_min3A_514 = arith.constant dense<0x7F800000> : vector<1024xf32>
    %reduce_min3A_515 = vector.multi_reduction <minimumf>, %add3A_513, %reduce_min3A_514 [1] : vector<1024x512xf32> to vector<1024xf32>
    %broadcast_in_dim3A_516 = vector.shape_cast %reduce_min3A_515 : vector<1024xf32> to vector<1024x1xf32>
    %max3A_517 = arith.constant 0.000000e+00 : f32
    %max3A_518 = vector.broadcast %max3A_517 : f32 to vector<1024x1xf32>
    %max3A_519 = arith.maximumf %broadcast_in_dim3A_516, %max3A_518 : vector<1024x1xf32>
    %iota3A_520 = tpu.iota {dimensions = array<i32: 1>} : vector<1024x512xi32>
    %convert_element_type3A_521 = arith.sitofp %iota3A_520 : vector<1024x512xi32> to vector<1024x512xf32>
    %le3A_522 = vector.broadcast %max3A_519 : vector<1024x1xf32> to vector<1024x512xf32>
    %le3A_523 = arith.cmpf ole, %add3A_513, %le3A_522 : vector<1024x512xf32>
    %jit3A_524 = arith.constant 3.000000e+09 : f32
    %broadcast_in_dim3A_525 = vector.broadcast %jit3A_524 : f32 to vector<1024x512xf32>
    %select_n3A_526 = arith.select %le3A_523, %convert_element_type3A_521, %broadcast_in_dim3A_525 : vector<1024x512xi1>, vector<1024x512xf32>
    %reduce_min3A_527 = arith.constant dense<0x7F800000> : vector<1024xf32>
    %reduce_min3A_528 = vector.multi_reduction <minimumf>, %select_n3A_526, %reduce_min3A_527 [1] : vector<1024x512xf32> to vector<1024xf32>
    %squeeze3A_529 = vector.shape_cast %max3A_519 : vector<1024x1xf32> to vector<1024xf32>
    %lt3A_530 = arith.cmpf olt, %squeeze3A_529, %select_n3A_495 : vector<1024xf32>
    %select_n3A_531 = arith.select %lt3A_530, %squeeze3A_529, %select_n3A_495 : vector<1024xi1>, vector<1024xf32>
    %add3A_532 = arith.constant 7.168000e+03 : f32
    %add3A_533 = vector.broadcast %add3A_532 : f32 to vector<1024xf32>
    %add3A_534 = arith.addf %reduce_min3A_528, %add3A_533 : vector<1024xf32>
    %select_n3A_535 = arith.select %lt3A_530, %add3A_534, %select_n3A_499 : vector<1024xi1>, vector<1024xf32>
    %get3A_536 = arith.constant 7680 : index
    %get3A_537 = arith.constant 0 : index
    %get3A_538 = vector.load %arg2[%get3A_536, %get3A_537] : memref<8192x256xf32, #tpu.memory_space<vmem>>, vector<512x256xf32>
    %get3A_539 = arith.constant 0 : index
    %get3A_540 = arith.constant 7680 : index
    %get3A_541 = vector.load %arg3[%get3A_539, %get3A_540] : memref<1x8192xf32, #tpu.memory_space<vmem>>, vector<1x512xf32>
    %get3A_542 = vector.shape_cast %get3A_541 : vector<1x512xf32> to vector<512xf32>
    %dot_general3A_543 = arith.constant dense<0.000000e+00> : vector<1024x512xf32>
    %dot_general3A_544 = tpu.matmul %get3A_1, %get3A_538, %dot_general3A_543 {dimension_numbers = #tpu.dot_dimension_numbers<[1], [1], [0], [0], [0, 0, 1, 0], [], []>, transpose_lhs_hint = false} : vector<1024x256xf32>, vector<512x256xf32>, vector<1024x512xf32> -> vector<1024x512xf32>
    %broadcast_in_dim3A_545 = vector.shape_cast %get3A_542 : vector<512xf32> to vector<1x512xf32>
    %add3A_546 = vector.broadcast %broadcast_in_dim3A : vector<1024x1xf32> to vector<1024x512xf32>
    %add3A_547 = vector.broadcast %broadcast_in_dim3A_545 : vector<1x512xf32> to vector<1024x512xf32>
    %add3A_548 = arith.addf %add3A_546, %add3A_547 : vector<1024x512xf32>
    %add3A_549 = arith.addf %add3A_548, %dot_general3A_544 : vector<1024x512xf32>
    %reduce_min3A_550 = arith.constant dense<0x7F800000> : vector<1024xf32>
    %reduce_min3A_551 = vector.multi_reduction <minimumf>, %add3A_549, %reduce_min3A_550 [1] : vector<1024x512xf32> to vector<1024xf32>
    %broadcast_in_dim3A_552 = vector.shape_cast %reduce_min3A_551 : vector<1024xf32> to vector<1024x1xf32>
    %max3A_553 = arith.constant 0.000000e+00 : f32
    %max3A_554 = vector.broadcast %max3A_553 : f32 to vector<1024x1xf32>
    %max3A_555 = arith.maximumf %broadcast_in_dim3A_552, %max3A_554 : vector<1024x1xf32>
    %iota3A_556 = tpu.iota {dimensions = array<i32: 1>} : vector<1024x512xi32>
    %convert_element_type3A_557 = arith.sitofp %iota3A_556 : vector<1024x512xi32> to vector<1024x512xf32>
    %le3A_558 = vector.broadcast %max3A_555 : vector<1024x1xf32> to vector<1024x512xf32>
    %le3A_559 = arith.cmpf ole, %add3A_549, %le3A_558 : vector<1024x512xf32>
    %jit3A_560 = arith.constant 3.000000e+09 : f32
    %broadcast_in_dim3A_561 = vector.broadcast %jit3A_560 : f32 to vector<1024x512xf32>
    %select_n3A_562 = arith.select %le3A_559, %convert_element_type3A_557, %broadcast_in_dim3A_561 : vector<1024x512xi1>, vector<1024x512xf32>
    %reduce_min3A_563 = arith.constant dense<0x7F800000> : vector<1024xf32>
    %reduce_min3A_564 = vector.multi_reduction <minimumf>, %select_n3A_562, %reduce_min3A_563 [1] : vector<1024x512xf32> to vector<1024xf32>
    %squeeze3A_565 = vector.shape_cast %max3A_555 : vector<1024x1xf32> to vector<1024xf32>
    %lt3A_566 = arith.cmpf olt, %squeeze3A_565, %select_n3A_531 : vector<1024xf32>
    %add3A_567 = arith.constant 7.680000e+03 : f32
    %add3A_568 = vector.broadcast %add3A_567 : f32 to vector<1024xf32>
    %add3A_569 = arith.addf %reduce_min3A_564, %add3A_568 : vector<1024xf32>
    %select_n3A_570 = arith.select %lt3A_566, %add3A_569, %select_n3A_535 : vector<1024xi1>, vector<1024xf32>
    %convert_element_type3A_571 = arith.fptosi %select_n3A_570 : vector<1024xf32> to vector<1024xi32>
    %swap3A = arith.constant 0 : index
    %swap3A_572 = arith.constant 0 : index
    %swap3A_573 = arith.constant 0 : index
    %swap3A_574 = vector.load %arg4[%swap3A, %swap3A_572, %swap3A_573] : memref<1x1x1024xi32, #tpu.memory_space<vmem>>, vector<1x1x1024xi32>
    %swap3A_575 = vector.shape_cast %swap3A_574 : vector<1x1x1024xi32> to vector<1024xi32>
    %swap3A_576 = vector.shape_cast %convert_element_type3A_571 : vector<1024xi32> to vector<1x1x1024xi32>
    tpu.vector_store %arg4[%swap3A, %swap3A_572, %swap3A_573], %swap3A_576 {strides = array<i32>} : memref<1x1x1024xi32, #tpu.memory_space<vmem>>, vector<1x1x1024xi32>,
    return
  }
  func.func @transform_0(%arg0: i32) -> (i32, i32) {
    %c0_i32 = arith.constant 0 : i32
    %c0_i32_0 = arith.constant 0 : i32
    return %arg0, %c0_i32 : i32, i32
  }
  func.func @transform_1(%arg0: i32) -> (i32, i32) {
    %c0_i32 = arith.constant 0 : i32
    %c0_i32_0 = arith.constant 0 : i32
    %c0_i32_1 = arith.constant 0 : i32
    return %c0_i32, %c0_i32_0 : i32, i32
  }
  func.func @transform_2(%arg0: i32) -> (i32, i32) {
    %c0_i32 = arith.constant 0 : i32
    %c0_i32_0 = arith.constant 0 : i32
    %c0_i32_1 = arith.constant 0 : i32
    return %c0_i32, %c0_i32_0 : i32, i32
  }
  func.func @transform_3(%arg0: i32) -> (i32, i32, i32) {
    %c0_i32 = arith.constant 0 : i32
    %c0_i32_0 = arith.constant 0 : i32
    %c0_i32_1 = arith.constant 0 : i32
    return %arg0, %c0_i32, %c0_i32_0 : i32, i32, i32
  }
}

module attributes {stable_mosaic.version = 14 : i64} {
  func.func @_counts_body(%arg0: i32, %arg1: memref<1x1x1024xi32, #tpu.memory_space<vmem>>, %arg2: memref<16x512xf32, #tpu.memory_space<vmem>>) attributes {dimension_semantics = [#tpu.dimension_semantics<arbitrary>], iteration_bounds = array<i64: 32>, scalar_prefetch = 0 : i64, scratch_operands = 0 : i64, tpu.core_type = #tpu.core_type<tc>, window_params = [{transform_indices = @transform_0, window_bounds = array<i64: 1, 1, 1024>}, {pipeline_mode = #tpu.pipeline_mode<synchronous>, transform_indices = @transform_1, window_bounds = array<i64: 16, 512>}]} {
    %eq3A = arith.constant 0 : i32
    %eq3A_0 = arith.cmpi eq, %arg0, %eq3A : i32
    %convert_element_type3A = arith.extui %eq3A_0 : i1 to i32
    %cond3A = arith.constant 0 : i32
    %cond3A_1 = arith.cmpi ne, %convert_element_type3A, %cond3A : i32
    scf.if %cond3A_1 {
      %broadcast_in_dim3A_337 = arith.constant 0.000000e+00 : f32
      %broadcast_in_dim3A_338 = vector.broadcast %broadcast_in_dim3A_337 : f32 to vector<16x512xf32>
      %swap3A_339 = arith.constant 0 : index
      %swap3A_340 = arith.constant 0 : index
      %swap3A_341 = vector.load %arg2[%swap3A_339, %swap3A_340] : memref<16x512xf32, #tpu.memory_space<vmem>>, vector<16x512xf32>
      tpu.vector_store %arg2[%swap3A_339, %swap3A_340], %broadcast_in_dim3A_338 {strides = array<i32>} : memref<16x512xf32, #tpu.memory_space<vmem>>, vector<16x512xf32>,
    } else {
    }
    %get3A = arith.constant 0 : index
    %get3A_2 = arith.constant 0 : index
    %get3A_3 = arith.constant 0 : index
    %get3A_4 = vector.load %arg1[%get3A, %get3A_2, %get3A_3] : memref<1x1x1024xi32, #tpu.memory_space<vmem>>, vector<1x1x1024xi32>
    %get3A_5 = vector.shape_cast %get3A_4 : vector<1x1x1024xi32> to vector<1024xi32>
    %iota3A = tpu.iota {dimensions = array<i32: 1>} : vector<1024x512xi32>
    %add3A = arith.constant 0 : i32
    %add3A_6 = vector.broadcast %add3A : i32 to vector<1024x512xi32>
    %add3A_7 = arith.addi %iota3A, %add3A_6 : vector<1024x512xi32>
    %broadcast_in_dim3A = vector.shape_cast %get3A_5 : vector<1024xi32> to vector<1024x1xi32>
    %eq3A_8 = vector.broadcast %broadcast_in_dim3A : vector<1024x1xi32> to vector<1024x512xi32>
    %eq3A_9 = arith.cmpi eq, %eq3A_8, %add3A_7 : vector<1024x512xi32>
    %convert_element_type3A_10 = arith.extui %eq3A_9 : vector<1024x512xi1> to vector<1024x512xi32>
    %convert_element_type3A_11 = arith.sitofp %convert_element_type3A_10 : vector<1024x512xi32> to vector<1024x512xf32>
    %get3A_12 = arith.constant 0 : index
    %get3A_13 = arith.constant 0 : index
    %get3A_14 = vector.load %arg2[%get3A_12, %get3A_13] : memref<16x512xf32, #tpu.memory_space<vmem>>, vector<1x512xf32>
    %get3A_15 = vector.shape_cast %get3A_14 : vector<1x512xf32> to vector<512xf32>
    %reduce_sum3A = arith.constant dense<0.000000e+00> : vector<512xf32>
    %reduce_sum3A_16 = vector.multi_reduction <add>, %convert_element_type3A_11, %reduce_sum3A [0] : vector<1024x512xf32> to vector<512xf32>
    %add3A_17 = arith.addf %get3A_15, %reduce_sum3A_16 : vector<512xf32>
    %swap3A = arith.constant 0 : index
    %swap3A_18 = arith.constant 0 : index
    %swap3A_19 = vector.load %arg2[%swap3A, %swap3A_18] : memref<16x512xf32, #tpu.memory_space<vmem>>, vector<1x512xf32>
    %swap3A_20 = vector.shape_cast %swap3A_19 : vector<1x512xf32> to vector<512xf32>
    %swap3A_21 = vector.shape_cast %add3A_17 : vector<512xf32> to vector<1x512xf32>
    tpu.vector_store %arg2[%swap3A, %swap3A_18], %swap3A_21 {strides = array<i32>} : memref<16x512xf32, #tpu.memory_space<vmem>>, vector<1x512xf32>,
    %iota3A_22 = tpu.iota {dimensions = array<i32: 1>} : vector<1024x512xi32>
    %add3A_23 = arith.constant 512 : i32
    %add3A_24 = vector.broadcast %add3A_23 : i32 to vector<1024x512xi32>
    %add3A_25 = arith.addi %iota3A_22, %add3A_24 : vector<1024x512xi32>
    %broadcast_in_dim3A_26 = vector.shape_cast %get3A_5 : vector<1024xi32> to vector<1024x1xi32>
    %eq3A_27 = vector.broadcast %broadcast_in_dim3A_26 : vector<1024x1xi32> to vector<1024x512xi32>
    %eq3A_28 = arith.cmpi eq, %eq3A_27, %add3A_25 : vector<1024x512xi32>
    %convert_element_type3A_29 = arith.extui %eq3A_28 : vector<1024x512xi1> to vector<1024x512xi32>
    %convert_element_type3A_30 = arith.sitofp %convert_element_type3A_29 : vector<1024x512xi32> to vector<1024x512xf32>
    %get3A_31 = arith.constant 1 : index
    %get3A_32 = arith.constant 0 : index
    %get3A_33 = vector.load %arg2[%get3A_31, %get3A_32] : memref<16x512xf32, #tpu.memory_space<vmem>>, vector<1x512xf32>
    %get3A_34 = vector.shape_cast %get3A_33 : vector<1x512xf32> to vector<512xf32>
    %reduce_sum3A_35 = arith.constant dense<0.000000e+00> : vector<512xf32>
    %reduce_sum3A_36 = vector.multi_reduction <add>, %convert_element_type3A_30, %reduce_sum3A_35 [0] : vector<1024x512xf32> to vector<512xf32>
    %add3A_37 = arith.addf %get3A_34, %reduce_sum3A_36 : vector<512xf32>
    %swap3A_38 = arith.constant 1 : index
    %swap3A_39 = arith.constant 0 : index
    %swap3A_40 = vector.load %arg2[%swap3A_38, %swap3A_39] : memref<16x512xf32, #tpu.memory_space<vmem>>, vector<1x512xf32>
    %swap3A_41 = vector.shape_cast %swap3A_40 : vector<1x512xf32> to vector<512xf32>
    %swap3A_42 = vector.shape_cast %add3A_37 : vector<512xf32> to vector<1x512xf32>
    tpu.vector_store %arg2[%swap3A_38, %swap3A_39], %swap3A_42 {strides = array<i32>} : memref<16x512xf32, #tpu.memory_space<vmem>>, vector<1x512xf32>,
    %iota3A_43 = tpu.iota {dimensions = array<i32: 1>} : vector<1024x512xi32>
    %add3A_44 = arith.constant 1024 : i32
    %add3A_45 = vector.broadcast %add3A_44 : i32 to vector<1024x512xi32>
    %add3A_46 = arith.addi %iota3A_43, %add3A_45 : vector<1024x512xi32>
    %broadcast_in_dim3A_47 = vector.shape_cast %get3A_5 : vector<1024xi32> to vector<1024x1xi32>
    %eq3A_48 = vector.broadcast %broadcast_in_dim3A_47 : vector<1024x1xi32> to vector<1024x512xi32>
    %eq3A_49 = arith.cmpi eq, %eq3A_48, %add3A_46 : vector<1024x512xi32>
    %convert_element_type3A_50 = arith.extui %eq3A_49 : vector<1024x512xi1> to vector<1024x512xi32>
    %convert_element_type3A_51 = arith.sitofp %convert_element_type3A_50 : vector<1024x512xi32> to vector<1024x512xf32>
    %get3A_52 = arith.constant 2 : index
    %get3A_53 = arith.constant 0 : index
    %get3A_54 = vector.load %arg2[%get3A_52, %get3A_53] : memref<16x512xf32, #tpu.memory_space<vmem>>, vector<1x512xf32>
    %get3A_55 = vector.shape_cast %get3A_54 : vector<1x512xf32> to vector<512xf32>
    %reduce_sum3A_56 = arith.constant dense<0.000000e+00> : vector<512xf32>
    %reduce_sum3A_57 = vector.multi_reduction <add>, %convert_element_type3A_51, %reduce_sum3A_56 [0] : vector<1024x512xf32> to vector<512xf32>
    %add3A_58 = arith.addf %get3A_55, %reduce_sum3A_57 : vector<512xf32>
    %swap3A_59 = arith.constant 2 : index
    %swap3A_60 = arith.constant 0 : index
    %swap3A_61 = vector.load %arg2[%swap3A_59, %swap3A_60] : memref<16x512xf32, #tpu.memory_space<vmem>>, vector<1x512xf32>
    %swap3A_62 = vector.shape_cast %swap3A_61 : vector<1x512xf32> to vector<512xf32>
    %swap3A_63 = vector.shape_cast %add3A_58 : vector<512xf32> to vector<1x512xf32>
    tpu.vector_store %arg2[%swap3A_59, %swap3A_60], %swap3A_63 {strides = array<i32>} : memref<16x512xf32, #tpu.memory_space<vmem>>, vector<1x512xf32>,
    %iota3A_64 = tpu.iota {dimensions = array<i32: 1>} : vector<1024x512xi32>
    %add3A_65 = arith.constant 1536 : i32
    %add3A_66 = vector.broadcast %add3A_65 : i32 to vector<1024x512xi32>
    %add3A_67 = arith.addi %iota3A_64, %add3A_66 : vector<1024x512xi32>
    %broadcast_in_dim3A_68 = vector.shape_cast %get3A_5 : vector<1024xi32> to vector<1024x1xi32>
    %eq3A_69 = vector.broadcast %broadcast_in_dim3A_68 : vector<1024x1xi32> to vector<1024x512xi32>
    %eq3A_70 = arith.cmpi eq, %eq3A_69, %add3A_67 : vector<1024x512xi32>
    %convert_element_type3A_71 = arith.extui %eq3A_70 : vector<1024x512xi1> to vector<1024x512xi32>
    %convert_element_type3A_72 = arith.sitofp %convert_element_type3A_71 : vector<1024x512xi32> to vector<1024x512xf32>
    %get3A_73 = arith.constant 3 : index
    %get3A_74 = arith.constant 0 : index
    %get3A_75 = vector.load %arg2[%get3A_73, %get3A_74] : memref<16x512xf32, #tpu.memory_space<vmem>>, vector<1x512xf32>
    %get3A_76 = vector.shape_cast %get3A_75 : vector<1x512xf32> to vector<512xf32>
    %reduce_sum3A_77 = arith.constant dense<0.000000e+00> : vector<512xf32>
    %reduce_sum3A_78 = vector.multi_reduction <add>, %convert_element_type3A_72, %reduce_sum3A_77 [0] : vector<1024x512xf32> to vector<512xf32>
    %add3A_79 = arith.addf %get3A_76, %reduce_sum3A_78 : vector<512xf32>
    %swap3A_80 = arith.constant 3 : index
    %swap3A_81 = arith.constant 0 : index
    %swap3A_82 = vector.load %arg2[%swap3A_80, %swap3A_81] : memref<16x512xf32, #tpu.memory_space<vmem>>, vector<1x512xf32>
    %swap3A_83 = vector.shape_cast %swap3A_82 : vector<1x512xf32> to vector<512xf32>
    %swap3A_84 = vector.shape_cast %add3A_79 : vector<512xf32> to vector<1x512xf32>
    tpu.vector_store %arg2[%swap3A_80, %swap3A_81], %swap3A_84 {strides = array<i32>} : memref<16x512xf32, #tpu.memory_space<vmem>>, vector<1x512xf32>,
    %iota3A_85 = tpu.iota {dimensions = array<i32: 1>} : vector<1024x512xi32>
    %add3A_86 = arith.constant 2048 : i32
    %add3A_87 = vector.broadcast %add3A_86 : i32 to vector<1024x512xi32>
    %add3A_88 = arith.addi %iota3A_85, %add3A_87 : vector<1024x512xi32>
    %broadcast_in_dim3A_89 = vector.shape_cast %get3A_5 : vector<1024xi32> to vector<1024x1xi32>
    %eq3A_90 = vector.broadcast %broadcast_in_dim3A_89 : vector<1024x1xi32> to vector<1024x512xi32>
    %eq3A_91 = arith.cmpi eq, %eq3A_90, %add3A_88 : vector<1024x512xi32>
    %convert_element_type3A_92 = arith.extui %eq3A_91 : vector<1024x512xi1> to vector<1024x512xi32>
    %convert_element_type3A_93 = arith.sitofp %convert_element_type3A_92 : vector<1024x512xi32> to vector<1024x512xf32>
    %get3A_94 = arith.constant 4 : index
    %get3A_95 = arith.constant 0 : index
    %get3A_96 = vector.load %arg2[%get3A_94, %get3A_95] : memref<16x512xf32, #tpu.memory_space<vmem>>, vector<1x512xf32>
    %get3A_97 = vector.shape_cast %get3A_96 : vector<1x512xf32> to vector<512xf32>
    %reduce_sum3A_98 = arith.constant dense<0.000000e+00> : vector<512xf32>
    %reduce_sum3A_99 = vector.multi_reduction <add>, %convert_element_type3A_93, %reduce_sum3A_98 [0] : vector<1024x512xf32> to vector<512xf32>
    %add3A_100 = arith.addf %get3A_97, %reduce_sum3A_99 : vector<512xf32>
    %swap3A_101 = arith.constant 4 : index
    %swap3A_102 = arith.constant 0 : index
    %swap3A_103 = vector.load %arg2[%swap3A_101, %swap3A_102] : memref<16x512xf32, #tpu.memory_space<vmem>>, vector<1x512xf32>
    %swap3A_104 = vector.shape_cast %swap3A_103 : vector<1x512xf32> to vector<512xf32>
    %swap3A_105 = vector.shape_cast %add3A_100 : vector<512xf32> to vector<1x512xf32>
    tpu.vector_store %arg2[%swap3A_101, %swap3A_102], %swap3A_105 {strides = array<i32>} : memref<16x512xf32, #tpu.memory_space<vmem>>, vector<1x512xf32>,
    %iota3A_106 = tpu.iota {dimensions = array<i32: 1>} : vector<1024x512xi32>
    %add3A_107 = arith.constant 2560 : i32
    %add3A_108 = vector.broadcast %add3A_107 : i32 to vector<1024x512xi32>
    %add3A_109 = arith.addi %iota3A_106, %add3A_108 : vector<1024x512xi32>
    %broadcast_in_dim3A_110 = vector.shape_cast %get3A_5 : vector<1024xi32> to vector<1024x1xi32>
    %eq3A_111 = vector.broadcast %broadcast_in_dim3A_110 : vector<1024x1xi32> to vector<1024x512xi32>
    %eq3A_112 = arith.cmpi eq, %eq3A_111, %add3A_109 : vector<1024x512xi32>
    %convert_element_type3A_113 = arith.extui %eq3A_112 : vector<1024x512xi1> to vector<1024x512xi32>
    %convert_element_type3A_114 = arith.sitofp %convert_element_type3A_113 : vector<1024x512xi32> to vector<1024x512xf32>
    %get3A_115 = arith.constant 5 : index
    %get3A_116 = arith.constant 0 : index
    %get3A_117 = vector.load %arg2[%get3A_115, %get3A_116] : memref<16x512xf32, #tpu.memory_space<vmem>>, vector<1x512xf32>
    %get3A_118 = vector.shape_cast %get3A_117 : vector<1x512xf32> to vector<512xf32>
    %reduce_sum3A_119 = arith.constant dense<0.000000e+00> : vector<512xf32>
    %reduce_sum3A_120 = vector.multi_reduction <add>, %convert_element_type3A_114, %reduce_sum3A_119 [0] : vector<1024x512xf32> to vector<512xf32>
    %add3A_121 = arith.addf %get3A_118, %reduce_sum3A_120 : vector<512xf32>
    %swap3A_122 = arith.constant 5 : index
    %swap3A_123 = arith.constant 0 : index
    %swap3A_124 = vector.load %arg2[%swap3A_122, %swap3A_123] : memref<16x512xf32, #tpu.memory_space<vmem>>, vector<1x512xf32>
    %swap3A_125 = vector.shape_cast %swap3A_124 : vector<1x512xf32> to vector<512xf32>
    %swap3A_126 = vector.shape_cast %add3A_121 : vector<512xf32> to vector<1x512xf32>
    tpu.vector_store %arg2[%swap3A_122, %swap3A_123], %swap3A_126 {strides = array<i32>} : memref<16x512xf32, #tpu.memory_space<vmem>>, vector<1x512xf32>,
    %iota3A_127 = tpu.iota {dimensions = array<i32: 1>} : vector<1024x512xi32>
    %add3A_128 = arith.constant 3072 : i32
    %add3A_129 = vector.broadcast %add3A_128 : i32 to vector<1024x512xi32>
    %add3A_130 = arith.addi %iota3A_127, %add3A_129 : vector<1024x512xi32>
    %broadcast_in_dim3A_131 = vector.shape_cast %get3A_5 : vector<1024xi32> to vector<1024x1xi32>
    %eq3A_132 = vector.broadcast %broadcast_in_dim3A_131 : vector<1024x1xi32> to vector<1024x512xi32>
    %eq3A_133 = arith.cmpi eq, %eq3A_132, %add3A_130 : vector<1024x512xi32>
    %convert_element_type3A_134 = arith.extui %eq3A_133 : vector<1024x512xi1> to vector<1024x512xi32>
    %convert_element_type3A_135 = arith.sitofp %convert_element_type3A_134 : vector<1024x512xi32> to vector<1024x512xf32>
    %get3A_136 = arith.constant 6 : index
    %get3A_137 = arith.constant 0 : index
    %get3A_138 = vector.load %arg2[%get3A_136, %get3A_137] : memref<16x512xf32, #tpu.memory_space<vmem>>, vector<1x512xf32>
    %get3A_139 = vector.shape_cast %get3A_138 : vector<1x512xf32> to vector<512xf32>
    %reduce_sum3A_140 = arith.constant dense<0.000000e+00> : vector<512xf32>
    %reduce_sum3A_141 = vector.multi_reduction <add>, %convert_element_type3A_135, %reduce_sum3A_140 [0] : vector<1024x512xf32> to vector<512xf32>
    %add3A_142 = arith.addf %get3A_139, %reduce_sum3A_141 : vector<512xf32>
    %swap3A_143 = arith.constant 6 : index
    %swap3A_144 = arith.constant 0 : index
    %swap3A_145 = vector.load %arg2[%swap3A_143, %swap3A_144] : memref<16x512xf32, #tpu.memory_space<vmem>>, vector<1x512xf32>
    %swap3A_146 = vector.shape_cast %swap3A_145 : vector<1x512xf32> to vector<512xf32>
    %swap3A_147 = vector.shape_cast %add3A_142 : vector<512xf32> to vector<1x512xf32>
    tpu.vector_store %arg2[%swap3A_143, %swap3A_144], %swap3A_147 {strides = array<i32>} : memref<16x512xf32, #tpu.memory_space<vmem>>, vector<1x512xf32>,
    %iota3A_148 = tpu.iota {dimensions = array<i32: 1>} : vector<1024x512xi32>
    %add3A_149 = arith.constant 3584 : i32
    %add3A_150 = vector.broadcast %add3A_149 : i32 to vector<1024x512xi32>
    %add3A_151 = arith.addi %iota3A_148, %add3A_150 : vector<1024x512xi32>
    %broadcast_in_dim3A_152 = vector.shape_cast %get3A_5 : vector<1024xi32> to vector<1024x1xi32>
    %eq3A_153 = vector.broadcast %broadcast_in_dim3A_152 : vector<1024x1xi32> to vector<1024x512xi32>
    %eq3A_154 = arith.cmpi eq, %eq3A_153, %add3A_151 : vector<1024x512xi32>
    %convert_element_type3A_155 = arith.extui %eq3A_154 : vector<1024x512xi1> to vector<1024x512xi32>
    %convert_element_type3A_156 = arith.sitofp %convert_element_type3A_155 : vector<1024x512xi32> to vector<1024x512xf32>
    %get3A_157 = arith.constant 7 : index
    %get3A_158 = arith.constant 0 : index
    %get3A_159 = vector.load %arg2[%get3A_157, %get3A_158] : memref<16x512xf32, #tpu.memory_space<vmem>>, vector<1x512xf32>
    %get3A_160 = vector.shape_cast %get3A_159 : vector<1x512xf32> to vector<512xf32>
    %reduce_sum3A_161 = arith.constant dense<0.000000e+00> : vector<512xf32>
    %reduce_sum3A_162 = vector.multi_reduction <add>, %convert_element_type3A_156, %reduce_sum3A_161 [0] : vector<1024x512xf32> to vector<512xf32>
    %add3A_163 = arith.addf %get3A_160, %reduce_sum3A_162 : vector<512xf32>
    %swap3A_164 = arith.constant 7 : index
    %swap3A_165 = arith.constant 0 : index
    %swap3A_166 = vector.load %arg2[%swap3A_164, %swap3A_165] : memref<16x512xf32, #tpu.memory_space<vmem>>, vector<1x512xf32>
    %swap3A_167 = vector.shape_cast %swap3A_166 : vector<1x512xf32> to vector<512xf32>
    %swap3A_168 = vector.shape_cast %add3A_163 : vector<512xf32> to vector<1x512xf32>
    tpu.vector_store %arg2[%swap3A_164, %swap3A_165], %swap3A_168 {strides = array<i32>} : memref<16x512xf32, #tpu.memory_space<vmem>>, vector<1x512xf32>,
    %iota3A_169 = tpu.iota {dimensions = array<i32: 1>} : vector<1024x512xi32>
    %add3A_170 = arith.constant 4096 : i32
    %add3A_171 = vector.broadcast %add3A_170 : i32 to vector<1024x512xi32>
    %add3A_172 = arith.addi %iota3A_169, %add3A_171 : vector<1024x512xi32>
    %broadcast_in_dim3A_173 = vector.shape_cast %get3A_5 : vector<1024xi32> to vector<1024x1xi32>
    %eq3A_174 = vector.broadcast %broadcast_in_dim3A_173 : vector<1024x1xi32> to vector<1024x512xi32>
    %eq3A_175 = arith.cmpi eq, %eq3A_174, %add3A_172 : vector<1024x512xi32>
    %convert_element_type3A_176 = arith.extui %eq3A_175 : vector<1024x512xi1> to vector<1024x512xi32>
    %convert_element_type3A_177 = arith.sitofp %convert_element_type3A_176 : vector<1024x512xi32> to vector<1024x512xf32>
    %get3A_178 = arith.constant 8 : index
    %get3A_179 = arith.constant 0 : index
    %get3A_180 = vector.load %arg2[%get3A_178, %get3A_179] : memref<16x512xf32, #tpu.memory_space<vmem>>, vector<1x512xf32>
    %get3A_181 = vector.shape_cast %get3A_180 : vector<1x512xf32> to vector<512xf32>
    %reduce_sum3A_182 = arith.constant dense<0.000000e+00> : vector<512xf32>
    %reduce_sum3A_183 = vector.multi_reduction <add>, %convert_element_type3A_177, %reduce_sum3A_182 [0] : vector<1024x512xf32> to vector<512xf32>
    %add3A_184 = arith.addf %get3A_181, %reduce_sum3A_183 : vector<512xf32>
    %swap3A_185 = arith.constant 8 : index
    %swap3A_186 = arith.constant 0 : index
    %swap3A_187 = vector.load %arg2[%swap3A_185, %swap3A_186] : memref<16x512xf32, #tpu.memory_space<vmem>>, vector<1x512xf32>
    %swap3A_188 = vector.shape_cast %swap3A_187 : vector<1x512xf32> to vector<512xf32>
    %swap3A_189 = vector.shape_cast %add3A_184 : vector<512xf32> to vector<1x512xf32>
    tpu.vector_store %arg2[%swap3A_185, %swap3A_186], %swap3A_189 {strides = array<i32>} : memref<16x512xf32, #tpu.memory_space<vmem>>, vector<1x512xf32>,
    %iota3A_190 = tpu.iota {dimensions = array<i32: 1>} : vector<1024x512xi32>
    %add3A_191 = arith.constant 4608 : i32
    %add3A_192 = vector.broadcast %add3A_191 : i32 to vector<1024x512xi32>
    %add3A_193 = arith.addi %iota3A_190, %add3A_192 : vector<1024x512xi32>
    %broadcast_in_dim3A_194 = vector.shape_cast %get3A_5 : vector<1024xi32> to vector<1024x1xi32>
    %eq3A_195 = vector.broadcast %broadcast_in_dim3A_194 : vector<1024x1xi32> to vector<1024x512xi32>
    %eq3A_196 = arith.cmpi eq, %eq3A_195, %add3A_193 : vector<1024x512xi32>
    %convert_element_type3A_197 = arith.extui %eq3A_196 : vector<1024x512xi1> to vector<1024x512xi32>
    %convert_element_type3A_198 = arith.sitofp %convert_element_type3A_197 : vector<1024x512xi32> to vector<1024x512xf32>
    %get3A_199 = arith.constant 9 : index
    %get3A_200 = arith.constant 0 : index
    %get3A_201 = vector.load %arg2[%get3A_199, %get3A_200] : memref<16x512xf32, #tpu.memory_space<vmem>>, vector<1x512xf32>
    %get3A_202 = vector.shape_cast %get3A_201 : vector<1x512xf32> to vector<512xf32>
    %reduce_sum3A_203 = arith.constant dense<0.000000e+00> : vector<512xf32>
    %reduce_sum3A_204 = vector.multi_reduction <add>, %convert_element_type3A_198, %reduce_sum3A_203 [0] : vector<1024x512xf32> to vector<512xf32>
    %add3A_205 = arith.addf %get3A_202, %reduce_sum3A_204 : vector<512xf32>
    %swap3A_206 = arith.constant 9 : index
    %swap3A_207 = arith.constant 0 : index
    %swap3A_208 = vector.load %arg2[%swap3A_206, %swap3A_207] : memref<16x512xf32, #tpu.memory_space<vmem>>, vector<1x512xf32>
    %swap3A_209 = vector.shape_cast %swap3A_208 : vector<1x512xf32> to vector<512xf32>
    %swap3A_210 = vector.shape_cast %add3A_205 : vector<512xf32> to vector<1x512xf32>
    tpu.vector_store %arg2[%swap3A_206, %swap3A_207], %swap3A_210 {strides = array<i32>} : memref<16x512xf32, #tpu.memory_space<vmem>>, vector<1x512xf32>,
    %iota3A_211 = tpu.iota {dimensions = array<i32: 1>} : vector<1024x512xi32>
    %add3A_212 = arith.constant 5120 : i32
    %add3A_213 = vector.broadcast %add3A_212 : i32 to vector<1024x512xi32>
    %add3A_214 = arith.addi %iota3A_211, %add3A_213 : vector<1024x512xi32>
    %broadcast_in_dim3A_215 = vector.shape_cast %get3A_5 : vector<1024xi32> to vector<1024x1xi32>
    %eq3A_216 = vector.broadcast %broadcast_in_dim3A_215 : vector<1024x1xi32> to vector<1024x512xi32>
    %eq3A_217 = arith.cmpi eq, %eq3A_216, %add3A_214 : vector<1024x512xi32>
    %convert_element_type3A_218 = arith.extui %eq3A_217 : vector<1024x512xi1> to vector<1024x512xi32>
    %convert_element_type3A_219 = arith.sitofp %convert_element_type3A_218 : vector<1024x512xi32> to vector<1024x512xf32>
    %get3A_220 = arith.constant 10 : index
    %get3A_221 = arith.constant 0 : index
    %get3A_222 = vector.load %arg2[%get3A_220, %get3A_221] : memref<16x512xf32, #tpu.memory_space<vmem>>, vector<1x512xf32>
    %get3A_223 = vector.shape_cast %get3A_222 : vector<1x512xf32> to vector<512xf32>
    %reduce_sum3A_224 = arith.constant dense<0.000000e+00> : vector<512xf32>
    %reduce_sum3A_225 = vector.multi_reduction <add>, %convert_element_type3A_219, %reduce_sum3A_224 [0] : vector<1024x512xf32> to vector<512xf32>
    %add3A_226 = arith.addf %get3A_223, %reduce_sum3A_225 : vector<512xf32>
    %swap3A_227 = arith.constant 10 : index
    %swap3A_228 = arith.constant 0 : index
    %swap3A_229 = vector.load %arg2[%swap3A_227, %swap3A_228] : memref<16x512xf32, #tpu.memory_space<vmem>>, vector<1x512xf32>
    %swap3A_230 = vector.shape_cast %swap3A_229 : vector<1x512xf32> to vector<512xf32>
    %swap3A_231 = vector.shape_cast %add3A_226 : vector<512xf32> to vector<1x512xf32>
    tpu.vector_store %arg2[%swap3A_227, %swap3A_228], %swap3A_231 {strides = array<i32>} : memref<16x512xf32, #tpu.memory_space<vmem>>, vector<1x512xf32>,
    %iota3A_232 = tpu.iota {dimensions = array<i32: 1>} : vector<1024x512xi32>
    %add3A_233 = arith.constant 5632 : i32
    %add3A_234 = vector.broadcast %add3A_233 : i32 to vector<1024x512xi32>
    %add3A_235 = arith.addi %iota3A_232, %add3A_234 : vector<1024x512xi32>
    %broadcast_in_dim3A_236 = vector.shape_cast %get3A_5 : vector<1024xi32> to vector<1024x1xi32>
    %eq3A_237 = vector.broadcast %broadcast_in_dim3A_236 : vector<1024x1xi32> to vector<1024x512xi32>
    %eq3A_238 = arith.cmpi eq, %eq3A_237, %add3A_235 : vector<1024x512xi32>
    %convert_element_type3A_239 = arith.extui %eq3A_238 : vector<1024x512xi1> to vector<1024x512xi32>
    %convert_element_type3A_240 = arith.sitofp %convert_element_type3A_239 : vector<1024x512xi32> to vector<1024x512xf32>
    %get3A_241 = arith.constant 11 : index
    %get3A_242 = arith.constant 0 : index
    %get3A_243 = vector.load %arg2[%get3A_241, %get3A_242] : memref<16x512xf32, #tpu.memory_space<vmem>>, vector<1x512xf32>
    %get3A_244 = vector.shape_cast %get3A_243 : vector<1x512xf32> to vector<512xf32>
    %reduce_sum3A_245 = arith.constant dense<0.000000e+00> : vector<512xf32>
    %reduce_sum3A_246 = vector.multi_reduction <add>, %convert_element_type3A_240, %reduce_sum3A_245 [0] : vector<1024x512xf32> to vector<512xf32>
    %add3A_247 = arith.addf %get3A_244, %reduce_sum3A_246 : vector<512xf32>
    %swap3A_248 = arith.constant 11 : index
    %swap3A_249 = arith.constant 0 : index
    %swap3A_250 = vector.load %arg2[%swap3A_248, %swap3A_249] : memref<16x512xf32, #tpu.memory_space<vmem>>, vector<1x512xf32>
    %swap3A_251 = vector.shape_cast %swap3A_250 : vector<1x512xf32> to vector<512xf32>
    %swap3A_252 = vector.shape_cast %add3A_247 : vector<512xf32> to vector<1x512xf32>
    tpu.vector_store %arg2[%swap3A_248, %swap3A_249], %swap3A_252 {strides = array<i32>} : memref<16x512xf32, #tpu.memory_space<vmem>>, vector<1x512xf32>,
    %iota3A_253 = tpu.iota {dimensions = array<i32: 1>} : vector<1024x512xi32>
    %add3A_254 = arith.constant 6144 : i32
    %add3A_255 = vector.broadcast %add3A_254 : i32 to vector<1024x512xi32>
    %add3A_256 = arith.addi %iota3A_253, %add3A_255 : vector<1024x512xi32>
    %broadcast_in_dim3A_257 = vector.shape_cast %get3A_5 : vector<1024xi32> to vector<1024x1xi32>
    %eq3A_258 = vector.broadcast %broadcast_in_dim3A_257 : vector<1024x1xi32> to vector<1024x512xi32>
    %eq3A_259 = arith.cmpi eq, %eq3A_258, %add3A_256 : vector<1024x512xi32>
    %convert_element_type3A_260 = arith.extui %eq3A_259 : vector<1024x512xi1> to vector<1024x512xi32>
    %convert_element_type3A_261 = arith.sitofp %convert_element_type3A_260 : vector<1024x512xi32> to vector<1024x512xf32>
    %get3A_262 = arith.constant 12 : index
    %get3A_263 = arith.constant 0 : index
    %get3A_264 = vector.load %arg2[%get3A_262, %get3A_263] : memref<16x512xf32, #tpu.memory_space<vmem>>, vector<1x512xf32>
    %get3A_265 = vector.shape_cast %get3A_264 : vector<1x512xf32> to vector<512xf32>
    %reduce_sum3A_266 = arith.constant dense<0.000000e+00> : vector<512xf32>
    %reduce_sum3A_267 = vector.multi_reduction <add>, %convert_element_type3A_261, %reduce_sum3A_266 [0] : vector<1024x512xf32> to vector<512xf32>
    %add3A_268 = arith.addf %get3A_265, %reduce_sum3A_267 : vector<512xf32>
    %swap3A_269 = arith.constant 12 : index
    %swap3A_270 = arith.constant 0 : index
    %swap3A_271 = vector.load %arg2[%swap3A_269, %swap3A_270] : memref<16x512xf32, #tpu.memory_space<vmem>>, vector<1x512xf32>
    %swap3A_272 = vector.shape_cast %swap3A_271 : vector<1x512xf32> to vector<512xf32>
    %swap3A_273 = vector.shape_cast %add3A_268 : vector<512xf32> to vector<1x512xf32>
    tpu.vector_store %arg2[%swap3A_269, %swap3A_270], %swap3A_273 {strides = array<i32>} : memref<16x512xf32, #tpu.memory_space<vmem>>, vector<1x512xf32>,
    %iota3A_274 = tpu.iota {dimensions = array<i32: 1>} : vector<1024x512xi32>
    %add3A_275 = arith.constant 6656 : i32
    %add3A_276 = vector.broadcast %add3A_275 : i32 to vector<1024x512xi32>
    %add3A_277 = arith.addi %iota3A_274, %add3A_276 : vector<1024x512xi32>
    %broadcast_in_dim3A_278 = vector.shape_cast %get3A_5 : vector<1024xi32> to vector<1024x1xi32>
    %eq3A_279 = vector.broadcast %broadcast_in_dim3A_278 : vector<1024x1xi32> to vector<1024x512xi32>
    %eq3A_280 = arith.cmpi eq, %eq3A_279, %add3A_277 : vector<1024x512xi32>
    %convert_element_type3A_281 = arith.extui %eq3A_280 : vector<1024x512xi1> to vector<1024x512xi32>
    %convert_element_type3A_282 = arith.sitofp %convert_element_type3A_281 : vector<1024x512xi32> to vector<1024x512xf32>
    %get3A_283 = arith.constant 13 : index
    %get3A_284 = arith.constant 0 : index
    %get3A_285 = vector.load %arg2[%get3A_283, %get3A_284] : memref<16x512xf32, #tpu.memory_space<vmem>>, vector<1x512xf32>
    %get3A_286 = vector.shape_cast %get3A_285 : vector<1x512xf32> to vector<512xf32>
    %reduce_sum3A_287 = arith.constant dense<0.000000e+00> : vector<512xf32>
    %reduce_sum3A_288 = vector.multi_reduction <add>, %convert_element_type3A_282, %reduce_sum3A_287 [0] : vector<1024x512xf32> to vector<512xf32>
    %add3A_289 = arith.addf %get3A_286, %reduce_sum3A_288 : vector<512xf32>
    %swap3A_290 = arith.constant 13 : index
    %swap3A_291 = arith.constant 0 : index
    %swap3A_292 = vector.load %arg2[%swap3A_290, %swap3A_291] : memref<16x512xf32, #tpu.memory_space<vmem>>, vector<1x512xf32>
    %swap3A_293 = vector.shape_cast %swap3A_292 : vector<1x512xf32> to vector<512xf32>
    %swap3A_294 = vector.shape_cast %add3A_289 : vector<512xf32> to vector<1x512xf32>
    tpu.vector_store %arg2[%swap3A_290, %swap3A_291], %swap3A_294 {strides = array<i32>} : memref<16x512xf32, #tpu.memory_space<vmem>>, vector<1x512xf32>,
    %iota3A_295 = tpu.iota {dimensions = array<i32: 1>} : vector<1024x512xi32>
    %add3A_296 = arith.constant 7168 : i32
    %add3A_297 = vector.broadcast %add3A_296 : i32 to vector<1024x512xi32>
    %add3A_298 = arith.addi %iota3A_295, %add3A_297 : vector<1024x512xi32>
    %broadcast_in_dim3A_299 = vector.shape_cast %get3A_5 : vector<1024xi32> to vector<1024x1xi32>
    %eq3A_300 = vector.broadcast %broadcast_in_dim3A_299 : vector<1024x1xi32> to vector<1024x512xi32>
    %eq3A_301 = arith.cmpi eq, %eq3A_300, %add3A_298 : vector<1024x512xi32>
    %convert_element_type3A_302 = arith.extui %eq3A_301 : vector<1024x512xi1> to vector<1024x512xi32>
    %convert_element_type3A_303 = arith.sitofp %convert_element_type3A_302 : vector<1024x512xi32> to vector<1024x512xf32>
    %get3A_304 = arith.constant 14 : index
    %get3A_305 = arith.constant 0 : index
    %get3A_306 = vector.load %arg2[%get3A_304, %get3A_305] : memref<16x512xf32, #tpu.memory_space<vmem>>, vector<1x512xf32>
    %get3A_307 = vector.shape_cast %get3A_306 : vector<1x512xf32> to vector<512xf32>
    %reduce_sum3A_308 = arith.constant dense<0.000000e+00> : vector<512xf32>
    %reduce_sum3A_309 = vector.multi_reduction <add>, %convert_element_type3A_303, %reduce_sum3A_308 [0] : vector<1024x512xf32> to vector<512xf32>
    %add3A_310 = arith.addf %get3A_307, %reduce_sum3A_309 : vector<512xf32>
    %swap3A_311 = arith.constant 14 : index
    %swap3A_312 = arith.constant 0 : index
    %swap3A_313 = vector.load %arg2[%swap3A_311, %swap3A_312] : memref<16x512xf32, #tpu.memory_space<vmem>>, vector<1x512xf32>
    %swap3A_314 = vector.shape_cast %swap3A_313 : vector<1x512xf32> to vector<512xf32>
    %swap3A_315 = vector.shape_cast %add3A_310 : vector<512xf32> to vector<1x512xf32>
    tpu.vector_store %arg2[%swap3A_311, %swap3A_312], %swap3A_315 {strides = array<i32>} : memref<16x512xf32, #tpu.memory_space<vmem>>, vector<1x512xf32>,
    %iota3A_316 = tpu.iota {dimensions = array<i32: 1>} : vector<1024x512xi32>
    %add3A_317 = arith.constant 7680 : i32
    %add3A_318 = vector.broadcast %add3A_317 : i32 to vector<1024x512xi32>
    %add3A_319 = arith.addi %iota3A_316, %add3A_318 : vector<1024x512xi32>
    %broadcast_in_dim3A_320 = vector.shape_cast %get3A_5 : vector<1024xi32> to vector<1024x1xi32>
    %eq3A_321 = vector.broadcast %broadcast_in_dim3A_320 : vector<1024x1xi32> to vector<1024x512xi32>
    %eq3A_322 = arith.cmpi eq, %eq3A_321, %add3A_319 : vector<1024x512xi32>
    %convert_element_type3A_323 = arith.extui %eq3A_322 : vector<1024x512xi1> to vector<1024x512xi32>
    %convert_element_type3A_324 = arith.sitofp %convert_element_type3A_323 : vector<1024x512xi32> to vector<1024x512xf32>
    %get3A_325 = arith.constant 15 : index
    %get3A_326 = arith.constant 0 : index
    %get3A_327 = vector.load %arg2[%get3A_325, %get3A_326] : memref<16x512xf32, #tpu.memory_space<vmem>>, vector<1x512xf32>
    %get3A_328 = vector.shape_cast %get3A_327 : vector<1x512xf32> to vector<512xf32>
    %reduce_sum3A_329 = arith.constant dense<0.000000e+00> : vector<512xf32>
    %reduce_sum3A_330 = vector.multi_reduction <add>, %convert_element_type3A_324, %reduce_sum3A_329 [0] : vector<1024x512xf32> to vector<512xf32>
    %add3A_331 = arith.addf %get3A_328, %reduce_sum3A_330 : vector<512xf32>
    %swap3A_332 = arith.constant 15 : index
    %swap3A_333 = arith.constant 0 : index
    %swap3A_334 = vector.load %arg2[%swap3A_332, %swap3A_333] : memref<16x512xf32, #tpu.memory_space<vmem>>, vector<1x512xf32>
    %swap3A_335 = vector.shape_cast %swap3A_334 : vector<1x512xf32> to vector<512xf32>
    %swap3A_336 = vector.shape_cast %add3A_331 : vector<512xf32> to vector<1x512xf32>
    tpu.vector_store %arg2[%swap3A_332, %swap3A_333], %swap3A_336 {strides = array<i32>} : memref<16x512xf32, #tpu.memory_space<vmem>>, vector<1x512xf32>,
    return
  }
  func.func @transform_0(%arg0: i32) -> (i32, i32, i32) {
    %c0_i32 = arith.constant 0 : i32
    %c0_i32_0 = arith.constant 0 : i32
    %c0_i32_1 = arith.constant 0 : i32
    return %arg0, %c0_i32, %c0_i32_0 : i32, i32, i32
  }
  func.func @transform_1(%arg0: i32) -> (i32, i32) {
    %c0_i32 = arith.constant 0 : i32
    %c0_i32_0 = arith.constant 0 : i32
    %c0_i32_1 = arith.constant 0 : i32
    return %c0_i32, %c0_i32_0 : i32, i32
  }
}

</mosaic_0001>

<sc_bundles>
// kernel: kernel.6.cloned.1.call-start
scs
__scs_entry_jumppad:
0x0: {  	(pc) =	sbr.rel $0x88, $3  }
0x1: {  	(tag) =	ssettag $0x0;
	lr =	simm.s32 $0x1  }
0x2: {  	[smem:$0x3F9F] =	sst lr;
	_ =	strace $0xD0000000  }
0x3: {  	_ = 	snop  }
0x4: {  	_ = 	snop  }
0x5: {  	_ = 	snop  }
0x6: {  	_ = 	snop  }
0x7: {  	_ = 	snop  }
__scs_overlays_trampoline_lowered:
0x8: {  	[smem:$0x3FAE] =	sst s0  }
0x9: {  	[smem:$0x3FAF] =	sst s1  }
0xa: {  	[smem:$0x3FB0] =	sst s2  }
0xb: {  	[smem:$0x3FB1] =	sst s3  }
0xc: {  	[smem:$0x3FB2] =	sst s4  }
0xd: {  	[smem:$0x3FB3] =	sst s5  }
0xe: {  	[smem:$0x3FB4] =	sst s6  }
0xf: {  	[smem:$0x3FB5] =	sst s7  }
0x10: {  	[smem:$0x3FB6] =	sst s8  }
0x11: {  	[smem:$0x3FB7] =	sst s9;
	s0 =	simm.s32 @!p0 $0x0  }
0x12: {  	s1 =	sld [smem:$0x3F9D];
	s0 =	simm.s32 @p0 $0x1  }
0x13: {  	[smem:$0x3FB8] =	sst s0;
	s0 =	simm.s32 @!p1 $0x0  }
0x14: {  	s2 =	sld [smem:$0x3F9C];
	s0 =	simm.s32 @p1 $0x1  }
0x15: {  	[smem:$0x3FB9] =	sst s0;
	s0 =	simm.s32 @!p2 $0x0  }
0x16: {  	s3 =	sld [smem:$0x3FDB];
	s0 =	simm.s32 @p2 $0x1  }
0x17: {  	s4 =	simm.s32 $0x1BF5;
	[smem:$0x3FBB] =	sst s0  }
0x18: {  	s0 =	sld [smem:$0x3F9E];
	_ =	swait.ge [sflag:s4], $0x0  }
0x19: {  	s7 =	sld [smem:$0x3F9F]  }
0x1a: {  	s8 =	sadd.s32 $0xFFFFE003, lr  }
0x1b: {  	s9 =	sadd.s32 $0xFFFFFEF7, lr;
	s5 =	simm.s32 $0xFFFFFFFF;
	p2 =	slt.u32 s8, $0xFFFFF086  }
0x1c: {  	p1 =	slt.u32 s9, $0xF7A;
	s5 =	simm.s32 @!p2 $0x0  }
0x1d: {  	s5 =	simm.s32 @p1 $0x1;
	p0 =	seq.s32 s7, s2  }
0x1e: {  	s7 =	smul.u32 @!p0 $0xF7A, s2;
	p2 =	seq.s32 @!p0 s5, $0x0  }
0x1f: {  	s9 =	smul.u32 $0xF7A, s1;
	s8 =	simm.s32 @!p0 $0x1BF5;
	p2 =	por !p2, p0  }
0x20: {  	[sflag:s8] =	ssyncset.s32 @!p0 $0xFFFFF086;
	s6 =	sadd.s32 @!p0 s3, s7;
	s7 =	simm.s32 @!p0 $0x108  }
0x21: {  	s3 =	sadd.s32 s3, s9;
	s6 =	sadd.s32 @!p0 $0x88, s6;
	s7 =	simm.s32 @p2 $0x1082  }
0x22: {  	[simem:s7], [sflag:s8] =	dma.local @!p0 [hbm:s6], $0xF7A  }
0x23: {  	s9 =	sor.u32 $0xD0000000, s2;
	s6 =	simm.s32 $0x108;
	_ =	swait.ge @!p0 [sflag:s8], $0x0  }
0x24: {  	s3 =	sadd.s32 $0x88, s3;
	s6 =	simm.s32 @!p1 $0x1082;
	[sflag:s4] =	ssyncset.s32 $0xFFFFF086  }
0x25: {  	[simem:s6], [sflag:s4] =	dma.local [hbm:s3], $0xF7A  }
0x26: {  	[smem:$0x3F9F] =	sst s1;
	(tag) =	ssettag s2;
	_ =	strace s9  }
0x27: {  	s1 =	sld [smem:$0x3FAF]  }
0x28: {  	s2 =	sld [smem:$0x3FB0]  }
0x29: {  	s4 =	sld [smem:$0x3FB2]  }
0x2a: {  	p0 =	seq.s32 s5, $0x0;
	s5 =	sld [smem:$0x3FB3]  }
0x2b: {  	s6 =	sld [smem:$0x3FB4]  }
0x2c: {  	s7 =	sld [smem:$0x3FB5]  }
0x2d: {  	s3 =	simm.s32 $0x108;
	s8 =	sld [smem:$0x3FB6]  }
0x2e: {  	s3 =	simm.s32 @!p0 $0x1082;
	s9 =	sld [smem:$0x3FB7]  }
0x2f: {  	lr =	sadd.s32 s0, s3;
	s0 =	sld [smem:$0x3FAE]  }
0x30: {  	s3 =	sld [smem:$0x3FB1]  }
0x31: {  	[smem:$0x3FBA] =	sst s10  }
0x32: {  	s10 =	sld [smem:$0x3FB8];
	_ =	sdelay $0x3  }
0x33: {  	p0 =	seq.s32 s10, $0x1;
	s10 =	sld [smem:$0x3FBA];
	_ =	sdelay $0x3  }
0x34: {  	[smem:$0x3FBA] =	sst s10  }
0x35: {  	s10 =	sld [smem:$0x3FB9];
	_ =	sdelay $0x3  }
0x36: {  	p1 =	seq.s32 s10, $0x1;
	s10 =	sld [smem:$0x3FBA];
	_ =	sdelay $0x3  }
0x37: {  	[smem:$0x3FBA] =	sst s10  }
0x38: {  	s10 =	sld [smem:$0x3FBB]  }
0x39: {  	_ = 	snop;
	(pc) =	sbr.ind lr, $3  }
0x3a: {  	_ = 	snop  }
0x3b: {  	_ = 	snop  }
0x3c: {  	p2 =	seq.s32 s10, $0x1;
	s10 =	sld [smem:$0x3FBA]  }
0x3d: {  	_ =	shalt  }
0x3e: {  	_ =	shalt  }
0x3f: {  	_ =	shalt  }
0x40: {  	_ =	shalt  }
0x41: {  	_ =	shalt  }
0x42: {  	_ =	shalt  }
0x43: {  	_ =	shalt  }
0x44: {  	_ =	shalt  }
0x45: {  	_ =	shalt  }
0x46: {  	_ =	shalt  }
0x47: {  	_ =	shalt  }
0x48: {  	_ =	shalt  }
0x49: {  	_ =	shalt  }
0x4a: {  	_ =	shalt  }
0x4b: {  	_ =	shalt  }
0x4c: {  	_ =	shalt  }
0x4d: {  	_ =	shalt  }
0x4e: {  	_ =	shalt  }
0x4f: {  	_ =	shalt  }
0x50: {  	_ =	shalt  }
0x51: {  	_ =	shalt  }
0x52: {  	_ =	shalt  }
0x53: {  	_ =	shalt  }
0x54: {  	_ =	shalt  }
0x55: {  	_ =	shalt  }
0x56: {  	_ =	shalt  }
0x57: {  	_ =	shalt  }
0x58: {  	_ =	shalt  }
0x59: {  	_ =	shalt  }
0x5a: {  	_ =	shalt  }
0x5b: {  	_ =	shalt  }
0x5c: {  	_ =	shalt  }
0x5d: {  	_ =	shalt  }
0x5e: {  	_ =	shalt  }
0x5f: {  	_ =	shalt  }
0x60: {  	_ =	shalt  }
0x61: {  	_ =	shalt  }
0x62: {  	_ =	shalt  }
0x63: {  	_ =	shalt  }
0x64: {  	_ =	shalt  }
0x65: {  	_ =	shalt  }
0x66: {  	_ =	shalt  }
0x67: {  	_ =	shalt  }
0x68: {  	_ =	shalt  }
0x69: {  	_ =	shalt  }
0x6a: {  	_ =	shalt  }
0x6b: {  	_ =	shalt  }
0x6c: {  	_ =	shalt  }
0x6d: {  	_ =	shalt  }
0x6e: {  	_ =	shalt  }
0x6f: {  	_ =	shalt  }
0x70: {  	_ =	shalt  }
0x71: {  	_ =	shalt  }
0x72: {  	_ =	shalt  }
0x73: {  	_ =	shalt  }
0x74: {  	_ =	shalt  }
0x75: {  	_ =	shalt  }
0x76: {  	_ =	shalt  }
0x77: {  	_ =	shalt  }
0x78: {  	_ =	shalt  }
0x79: {  	_ =	shalt  }
0x7a: {  	_ =	shalt  }
0x7b: {  	_ =	shalt  }
0x7c: {  	_ =	shalt  }
0x7d: {  	_ =	shalt  }
0x7e: {  	_ =	shalt  }
0x7f: {  	_ =	shalt  }
0x80: {  	_ =	shalt  }
0x81: {  	_ =	shalt  }
0x82: {  	_ =	shalt  }
0x83: {  	_ =	shalt  }
0x84: {  	_ =	shalt  }
0x85: {  	_ =	shalt  }
0x86: {  	_ =	shalt  }
0x87: {  	_ =	shalt  }
.Lfunc_end0:
.L_simem_size_0:
called_computation_lowered:
.L_overlay_start_0:
0x88: {  	s2 =	sld [smem:$0x3FD9]  }
0x89: {  	s3 =	sld [smem:$0x3FFE];
	_ =	sdelay $0x1  }
0x8a: {  	s1 =	srdreg.scid  }
0x8b: {  	s0 =	sand.u32 $0x1, s1  }
0x8c: {  	s14 =	sshll.u32 s0, $0xA;
	s2 =	sadd.s32 s3, s2  }
0x8d: {  	s2 =	sadd.s32 s2, s14  }
0x8e: {  	[smem:$0x3FC6] =	sst s2  }
0x8f: {  	_ = 	snop  }
0x90: {  	s2 =	sld [smem:$0x3FD0];
	_ =	sdelay $0x2  }
0x91: {  	s15 =	simm.s32 $0xA;
	s4 =	simm.s32 $0x10  }
0x92: {  	[smem:s4], [sflag:s15] =	dma.local [hbm:s2], $0x1  }
0x93: {  	_ =	swait.eq [sflag:s15], $0x1  }
0x94: {  	[sflag:s15] =	ssyncset.done $0x0  }
0x95: {  	[sflag:s15] =	ssyncadd.s32 $0xFFFFFFFF  }
0x96: {  	s16 =	sld [smem:$0x11];
	(tm) =	ssettm $0x1  }
0x97: {  	s17 =	sld [smem:$0x3FFB];
	_ =	sdelay $0x3  }
0x98: {  	_ =	strace s17  }
0x99: {  	s3 =	sld [smem:$0x3FFC];
	_ =	sdelay $0x3  }
0x9a: {  	_ =	strace s3  }
0x9b: {  	s3 =	sld [smem:$0x3FFD];
	_ =	sdelay $0x3  }
0x9c: {  	_ =	strace s3  }
0x9d: {  	_ =	strace $0x8FFFFFFF  }
0x9e: {  	s18 =	sld [smem:$0x3FDB];
	_ =	sdelay $0x1  }
0x9f: {  	s19 =	simm.s32 $_scs_section_size  }
0xa0: {  	s5 =	simm.s32 $_size__tile_overlayer_lowered;
	s6 =	simm.s32 $_tile_overlayer_lowered  }
0xa1: {  	s22 =	simm.s32 $0x1BFF;
	s21 =	sshll.u32 s6, $0x1;
	s3 =	sadd.s32 s19, s18  }
0xa2: {  	s7 =	simm.s32 $0x0;
	s20 =	sshll.u32 s5, $0x1;
	s5 =	sadd.s32 s21, s3  }
0xa3: {  	[timem:s7], [sflag:s22] =	dma.local [hbm:s5], s20  }
0xa4: {  	_ =	swait.ge [sflag:s22], s20  }
0xa5: {  	s4 =	ssub.s32 $0x0, s20;
	[sflag:s22] =	ssyncset.done $0x0  }
0xa6: {  	[sflag:s22] =	ssyncadd.s32 s4;
	_ =	sdelay $0x1  }
0xa7: {  	s23 =	simm.s32 $0x1B8B  }
0xa8: {  	_ =	swait.ge [sflag:s23], $0x1  }
0xa9: {  	[sflag:s23] =	ssyncset.done $0x0  }
0xaa: {  	s25 =	simm.s32 $0x1B8E;
	s24 =	sld [smem:$0x3FFE];
	[sflag:s23] =	ssyncadd.s32 $0xFFFFFFFF  }
0xab: {  	s26 =	simm.s32 $execute0_lowered;
	[smem:$0x3FD2] =	sst s25  }
0xac: {  	s5 =	sshll.u32 s26, $0x1;
	_ =	strace $0x80000046;
	[dreg:$0x1] =	wrdreg $0xFFFFFFFF  }
0xad: {  	s28 =	simm.s32 $_size_execute0_lowered;
	s3 =	sadd.s32 s3, s5;
	[dreg:$0x0] =	wrdreg $0x0  }
0xae: {  	s5 =	sshll.u32 s28, $0x1;
	[dreg:$0x2] =	wrdreg s3  }
0xaf: {  	[dreg:$0x3] =	wrdreg s5  }
0xb0: {  	[dreg:$0x4] =	wrdreg $0xC0  }
0xb1: {  	_ =	task [dreg:s7], $0x5FFFF  }
0xb2: {  	[dreg:$0x1] =	wrdreg $0xFFFFFFFF  }
0xb3: {  	[dreg:$0x0] =	wrdreg $0x60  }
0xb4: {  	[dreg:$0x2] =	wrdreg s24  }
0xb5: {  	[dreg:$0x3] =	wrdreg s16  }
0xb6: {  	[dreg:$0x4] =	wrdreg $0x88000  }
0xb7: {  	[dreg:$0x5] =	wrdreg $0x9  }
0xb8: {  	_ =	task.clear_ibuf [dreg:s7], $0x6FFFF;
	_ =	strace $0x90000046  }
0xb9: {  	s29 =	simm.s32 $0x9;
	_ =	strace $0x80000048  }
0xba: {  	_ =	swait.ge [sflag:s29], $0x1  }
0xbb: {  	[sflag:s29] =	ssyncadd.s32 $0xFFFFFFFF  }
0xbc: {  	_ =	strace $0x90000048  }
0xbd: {  	_ =	sfence  }
0xbe: {  	s30 =	sld [smem:$0x0];
	_ =	sdelay $0x2  }
0xbf: {  	s31 =	sshll.u32 s1, $0xD;
	s1 =	sshrl.u32 s1, $0x2  }
0xc0: {  	s3 =	sand.u32 $0x4000, s31;
	s1 =	sadd.s32 s1, s30  }
0xc1: {  	s0 =	sor.u32 s3, s0;
	s1 =	sshll.u32 s1, $0x11  }
0xc2: {  	s0 =	sor.u32 s1, s0  }
0xc3: {  	s0 =	sadd.s32 $0x8F2B, s0  }
0xc4: {  	[sflag:s0] =	ssyncadd.remote.s32 $0x1  }
0xc5: {  	_ =	sfence.sel $0xFFFF  }
0xc6: {  	[dreg:$0x0] =	wrdreg $0xFFFFFFFF;
	(pc) =	sbr.abs _section_cstart, $3  }
0xc7: {  	[dreg:$0x1] =	wrdreg $0xFFFFFFFF  }
0xc8: {  	_ =	task.clear_ibuf [dreg:s7], $0x2FFFF;
	_ =	strace $0x9FFFFFFF  }
0xc9: {  	(tm) =	ssettm $0x7FFFFFFF  }
tec
execute0_lowered:
.L_overlay_start_1:
0x0: {  	(tag) =	ssettag $0x1  }
0x1: {  	s0 =	rddreg [dreg:$0x0]  }
0x2: {  	s3 =	rddreg [dreg:$0x1]  }
0x3: {  	s1 =	rddreg [dreg:$0x2];
	s2 =	simm.s32 $0x0  }
0x4: {  	s4 =	srdreg.scid;
	s13 =	stileid.u32;
	s28 =	simm.s32 $0x4800  }
0x5: {  	s29 =	simm.s32 $0x1;
	s30 =	simm.s32 $0x800;
	s31 =	simm.s32 $0x80  }
0x6: {  	[smem:$0x7FF] =	sst s2;
	s5 =	sadd.s32 $0x81200, s0;
	s10 =	sadd.s32 $0x1200, s0  }
0x7: {  	s8 =	sand.u32 $0x1, s4;
	s22 =	sadd.s32 $0x101200, s0;
	s24 =	sshll.u32 s13, $0x10  }
0x8: {  	s0 =	sadd.s32 $0x121200, s0;
	s11 =	sshll.u32 s13, $0x8;
	s12 =	sshll.u32 s13, $0xF  }
0x9: {  	s26 =	sshll.u32 s13, $0xD;
	_ =	strace $0x80000047;
	s6 =	ssub.s32 $0x2, s8  }
0xa: {  	s4 =	sadd.s32 s24, s1;
	p0 =	seq.s32 s8, $0x0;
	s8 =	sadd.s32 s3, s11  }
0xb: {  	s7 =	sshrl.u32 s6, $0x1;
	s25 =	sadd.s32 $0x4000, s4;
	s10 =	smov.u32 @p0 s5  }
0xc: {  	s0 =	smov.u32 @p0 s22;
	s9 =	ssub.s32 s6, s7;
	[dreg:$0x4] =	wrdreg s25  }
0xd: {  	s6 =	sadd.s32 $0x8000, s4;
	s7 =	sadd.s32 $0xC000, s4;
	s10 =	sadd.s32 s10, s12  }
0xe: {  	s24 =	sadd.s32 s0, s26;
	s0 =	simm.s32 $0x0;
	s9 =	smax.u32 s9, $0x1  }
0xf: {  	s11 =	sadd.s32 $0x800, s10;
	s12 =	sadd.s32 $0x1000, s10;
	s13 =	sadd.s32 $0x1800, s10  }
0x10: {  	s14 =	sadd.s32 $0x2000, s10;
	s15 =	sadd.s32 $0x2800, s10;
	s16 =	sadd.s32 $0x3000, s10  }
0x11: {  	s17 =	sadd.s32 $0x3800, s10;
	s18 =	sadd.s32 $0x4000, s10;
	s19 =	sadd.s32 $0x4800, s10  }
0x12: {  	s20 =	sadd.s32 $0x5000, s10;
	s21 =	sadd.s32 $0x5800, s10;
	s22 =	sadd.s32 $0x6000, s10  }
0x13: {  	v0 =	vimm.f32 $0.0e+00;
	s23 =	sadd.s32 $0x6800, s10;
	s25 =	sadd.s32 $0x7000, s10;
	s26 =	sadd.s32 $0x7800, s10  }
.LBB2_1:
0x14: {  	s3 =	simm.s32 $0x0;
	s5 =	simm.s32 $0x200  }
.LBB2_2:
0x15: {  	p0 =	sne.s32 s5, $0xFE00;
	[tilespmem:s3+$0x4870] =	vst v0  }
0x16: {  	[tilespmem:s3+$0x4800] =	vst v0  }
0x17: {  	[tilespmem:s3+$0x4810] =	vst v0  }
.Ltmp0:
0x18: {  	[tilespmem:s3+$0x4820] =	vst v0;
	(pc) =	sbr.rel @p0 .LBB2_2-.Ltmp0, $4  }
0x19: {  	[tilespmem:s3+$0x4830] =	vst v0  }
0x1a: {  	[tilespmem:s3+$0x4840] =	vst v0  }
0x1b: {  	[tilespmem:s3+$0x4850] =	vst v0  }
0x1c: {  	[tilespmem:s3+$0x4860] =	vst v0;
	s3 =	sshra.s32 s5, $0x2;
	s5 =	sadd.s32 $0x200, s5  }
0x1d: {  	[tilespmem:s3+$0x4870] =	vst v0  }
0x1e: {  	[tilespmem:s3+$0x4800] =	vst v0  }
0x1f: {  	[tilespmem:s3+$0x4810] =	vst v0  }
0x20: {  	[tilespmem:s3+$0x4820] =	vst v0  }
0x21: {  	[tilespmem:s3+$0x4830] =	vst v0  }
0x22: {  	[tilespmem:s3+$0x4840] =	vst v0  }
0x23: {  	[tilespmem:s3+$0x4850] =	vst v0  }
0x24: {  	[tilespmem:s3+$0x4860] =	vst v0  }
0x25: {  	[spmem:s4] =	stream.linear.scatter [tilespmem:s28], [sflag:$0x1], $0x4000, $0x38;
	[tilespmem:$0x18800] =	vst v63  }
0x26: {  	_ =	swait.ge [sflag:s29], $0x4000  }
0x27: {  	[sflag:s29] =	ssyncset.done $0x0  }
0x28: {  	s5 =	rddreg [dreg:$0x4];
	[sflag:s29] =	ssyncadd.s32 $0xFFFFC000  }
0x29: {  	[spmem:s5] =	stream.linear.scatter [tilespmem:s28], [sflag:$0x1], $0x4000, $0x38;
	[tilespmem:$0x18800] =	vst v63  }
0x2a: {  	_ =	swait.ge [sflag:s29], $0x4000  }
0x2b: {  	[sflag:s29] =	ssyncset.done $0x0  }
0x2c: {  	[sflag:s29] =	ssyncadd.s32 $0xFFFFC000  }
0x2d: {  	[spmem:s6] =	stream.linear.scatter [tilespmem:s28], [sflag:$0x1], $0x4000, $0x38;
	[tilespmem:$0x18800] =	vst v63  }
0x2e: {  	_ =	swait.ge [sflag:s29], $0x4000  }
0x2f: {  	[sflag:s29] =	ssyncset.done $0x0  }
0x30: {  	[sflag:s29] =	ssyncadd.s32 $0xFFFFC000  }
0x31: {  	[spmem:s7] =	stream.linear.scatter [tilespmem:s28], [sflag:$0x1], $0x4000, $0x38;
	[tilespmem:$0x18800] =	vst v63  }
0x32: {  	_ =	swait.ge [sflag:s29], $0x4000  }
0x33: {  	[sflag:s29] =	ssyncset.done $0x0  }
0x34: {  	[sflag:s29] =	ssyncadd.s32 $0xFFFFC000  }
0x35: {  	[tilespmem:s2], [sflag:$0x1] =	stream.linear.gather [hbm4b:s8+s2], $0x800, $0x38;
	[tilespmem:$0x18800] =	vst v63  }
0x36: {  	_ =	swait.ge [sflag:s29], $0x800  }
0x37: {  	[sflag:s29] =	ssyncset.done $0x0  }
0x38: {  	[sflag:s29] =	ssyncadd.s32 $0xFFFFF800  }
0x39: {  	[bflag:$0x0] =	sbarrier.arrive $0xFFFF  }
0x3a: {  	[tilespmem:s30], [sflag:$0x1] =	stream.linear.gather [hbm4b:s10+s2], $0x4000, $0x38;
	[tilespmem:$0x18800] =	vst v63  }
0x3b: {  	_ =	swait.ge [sflag:s29], $0x4000  }
0x3c: {  	[sflag:s29] =	ssyncset.done $0x0  }
0x3d: {  	[sflag:s29] =	ssyncadd.s32 $0xFFFFC000  }
0x3e: {  	[spmem:s1] =	stream.indirect.scatter.add.f32 [tilespmem:s30], [sflag:$0x1], $0x80, s2, s31, $0xb8;
	[tilespmem:$0x18800] =	vst v63  }
0x3f: {  	_ =	swait.ge [sflag:s29], $0x4000  }
0x40: {  	[sflag:s29] =	ssyncset.done $0x0  }
0x41: {  	[sflag:s29] =	ssyncadd.s32 $0xFFFFC000  }
0x42: {  	[tilespmem:s30], [sflag:$0x1] =	stream.linear.gather [hbm4b:s11+s2], $0x4000, $0x38;
	[tilespmem:$0x18800] =	vst v63  }
0x43: {  	_ =	swait.ge [sflag:s29], $0x4000  }
0x44: {  	[sflag:s29] =	ssyncset.done $0x0  }
0x45: {  	[sflag:s29] =	ssyncadd.s32 $0xFFFFC000  }
0x46: {  	[spmem:s1] =	stream.indirect.scatter.add.f32 [tilespmem:s30], [sflag:$0x1], $0x80, s31, s31, $0xb8;
	[tilespmem:$0x18800] =	vst v63  }
0x47: {  	_ =	swait.ge [sflag:s29], $0x4000  }
0x48: {  	[sflag:s29] =	ssyncset.done $0x0  }
0x49: {  	[sflag:s29] =	ssyncadd.s32 $0xFFFFC000  }
0x4a: {  	[tilespmem:s30], [sflag:$0x1] =	stream.linear.gather [hbm4b:s12+s2], $0x4000, $0x38;
	[tilespmem:$0x18800] =	vst v63  }
0x4b: {  	_ =	swait.ge [sflag:s29], $0x4000  }
0x4c: {  	[sflag:s29] =	ssyncset.done $0x0  }
0x4d: {  	s5 =	simm.s32 $0x100;
	[sflag:s29] =	ssyncadd.s32 $0xFFFFC000  }
0x4e: {  	[spmem:s1] =	stream.indirect.scatter.add.f32 [tilespmem:s30], [sflag:$0x1], $0x80, s5, s31, $0xb8;
	[tilespmem:$0x18800] =	vst v63  }
0x4f: {  	_ =	swait.ge [sflag:s29], $0x4000  }
0x50: {  	[sflag:s29] =	ssyncset.done $0x0  }
0x51: {  	[sflag:s29] =	ssyncadd.s32 $0xFFFFC000  }
0x52: {  	[tilespmem:s30], [sflag:$0x1] =	stream.linear.gather [hbm4b:s13+s2], $0x4000, $0x38;
	[tilespmem:$0x18800] =	vst v63  }
0x53: {  	_ =	swait.ge [sflag:s29], $0x4000  }
0x54: {  	[sflag:s29] =	ssyncset.done $0x0  }
0x55: {  	s5 =	simm.s32 $0x180;
	[sflag:s29] =	ssyncadd.s32 $0xFFFFC000  }
0x56: {  	[spmem:s1] =	stream.indirect.scatter.add.f32 [tilespmem:s30], [sflag:$0x1], $0x80, s5, s31, $0xb8;
	[tilespmem:$0x18800] =	vst v63  }
0x57: {  	_ =	swait.ge [sflag:s29], $0x4000  }
0x58: {  	[sflag:s29] =	ssyncset.done $0x0  }
0x59: {  	[sflag:s29] =	ssyncadd.s32 $0xFFFFC000  }
0x5a: {  	[tilespmem:s30], [sflag:$0x1] =	stream.linear.gather [hbm4b:s14+s2], $0x4000, $0x38;
	[tilespmem:$0x18800] =	vst v63  }
0x5b: {  	_ =	swait.ge [sflag:s29], $0x4000  }
0x5c: {  	[sflag:s29] =	ssyncset.done $0x0  }
0x5d: {  	s5 =	simm.s32 $0x200;
	[sflag:s29] =	ssyncadd.s32 $0xFFFFC000  }
0x5e: {  	[spmem:s1] =	stream.indirect.scatter.add.f32 [tilespmem:s30], [sflag:$0x1], $0x80, s5, s31, $0xb8;
	[tilespmem:$0x18800] =	vst v63  }
0x5f: {  	_ =	swait.ge [sflag:s29], $0x4000  }
0x60: {  	[sflag:s29] =	ssyncset.done $0x0  }
0x61: {  	[sflag:s29] =	ssyncadd.s32 $0xFFFFC000  }
0x62: {  	[tilespmem:s30], [sflag:$0x1] =	stream.linear.gather [hbm4b:s15+s2], $0x4000, $0x38;
	[tilespmem:$0x18800] =	vst v63  }
0x63: {  	_ =	swait.ge [sflag:s29], $0x4000  }
0x64: {  	[sflag:s29] =	ssyncset.done $0x0  }
0x65: {  	s5 =	simm.s32 $0x280;
	[sflag:s29] =	ssyncadd.s32 $0xFFFFC000  }
0x66: {  	[spmem:s1] =	stream.indirect.scatter.add.f32 [tilespmem:s30], [sflag:$0x1], $0x80, s5, s31, $0xb8;
	[tilespmem:$0x18800] =	vst v63  }
0x67: {  	_ =	swait.ge [sflag:s29], $0x4000  }
0x68: {  	[sflag:s29] =	ssyncset.done $0x0  }
0x69: {  	[sflag:s29] =	ssyncadd.s32 $0xFFFFC000  }
0x6a: {  	[tilespmem:s30], [sflag:$0x1] =	stream.linear.gather [hbm4b:s16+s2], $0x4000, $0x38;
	[tilespmem:$0x18800] =	vst v63  }
0x6b: {  	_ =	swait.ge [sflag:s29], $0x4000  }
0x6c: {  	[sflag:s29] =	ssyncset.done $0x0  }
0x6d: {  	s5 =	simm.s32 $0x300;
	[sflag:s29] =	ssyncadd.s32 $0xFFFFC000  }
0x6e: {  	[spmem:s1] =	stream.indirect.scatter.add.f32 [tilespmem:s30], [sflag:$0x1], $0x80, s5, s31, $0xb8;
	[tilespmem:$0x18800] =	vst v63  }
0x6f: {  	_ =	swait.ge [sflag:s29], $0x4000  }
0x70: {  	[sflag:s29] =	ssyncset.done $0x0  }
0x71: {  	[sflag:s29] =	ssyncadd.s32 $0xFFFFC000  }
0x72: {  	[tilespmem:s30], [sflag:$0x1] =	stream.linear.gather [hbm4b:s17+s2], $0x4000, $0x38;
	[tilespmem:$0x18800] =	vst v63  }
0x73: {  	_ =	swait.ge [sflag:s29], $0x4000  }
0x74: {  	[sflag:s29] =	ssyncset.done $0x0  }
0x75: {  	s5 =	simm.s32 $0x380;
	[sflag:s29] =	ssyncadd.s32 $0xFFFFC000  }
0x76: {  	[spmem:s1] =	stream.indirect.scatter.add.f32 [tilespmem:s30], [sflag:$0x1], $0x80, s5, s31, $0xb8;
	[tilespmem:$0x18800] =	vst v63  }
0x77: {  	_ =	swait.ge [sflag:s29], $0x4000  }
0x78: {  	[sflag:s29] =	ssyncset.done $0x0  }
0x79: {  	[sflag:s29] =	ssyncadd.s32 $0xFFFFC000  }
0x7a: {  	[tilespmem:s30], [sflag:$0x1] =	stream.linear.gather [hbm4b:s18+s2], $0x4000, $0x38;
	[tilespmem:$0x18800] =	vst v63  }
0x7b: {  	_ =	swait.ge [sflag:s29], $0x4000  }
0x7c: {  	[sflag:s29] =	ssyncset.done $0x0  }
0x7d: {  	s5 =	simm.s32 $0x400;
	[sflag:s29] =	ssyncadd.s32 $0xFFFFC000  }
0x7e: {  	[spmem:s1] =	stream.indirect.scatter.add.f32 [tilespmem:s30], [sflag:$0x1], $0x80, s5, s31, $0xb8;
	[tilespmem:$0x18800] =	vst v63  }
0x7f: {  	_ =	swait.ge [sflag:s29], $0x4000  }
0x80: {  	[sflag:s29] =	ssyncset.done $0x0  }
0x81: {  	[sflag:s29] =	ssyncadd.s32 $0xFFFFC000  }
0x82: {  	[tilespmem:s30], [sflag:$0x1] =	stream.linear.gather [hbm4b:s19+s2], $0x4000, $0x38;
	[tilespmem:$0x18800] =	vst v63  }
0x83: {  	_ =	swait.ge [sflag:s29], $0x4000  }
0x84: {  	[sflag:s29] =	ssyncset.done $0x0  }
0x85: {  	s5 =	simm.s32 $0x480;
	[sflag:s29] =	ssyncadd.s32 $0xFFFFC000  }
0x86: {  	[spmem:s1] =	stream.indirect.scatter.add.f32 [tilespmem:s30], [sflag:$0x1], $0x80, s5, s31, $0xb8;
	[tilespmem:$0x18800] =	vst v63  }
0x87: {  	_ =	swait.ge [sflag:s29], $0x4000  }
0x88: {  	[sflag:s29] =	ssyncset.done $0x0  }
0x89: {  	[sflag:s29] =	ssyncadd.s32 $0xFFFFC000  }
0x8a: {  	[tilespmem:s30], [sflag:$0x1] =	stream.linear.gather [hbm4b:s20+s2], $0x4000, $0x38;
	[tilespmem:$0x18800] =	vst v63  }
0x8b: {  	_ =	swait.ge [sflag:s29], $0x4000  }
0x8c: {  	[sflag:s29] =	ssyncset.done $0x0  }
0x8d: {  	s5 =	simm.s32 $0x500;
	[sflag:s29] =	ssyncadd.s32 $0xFFFFC000  }
0x8e: {  	[spmem:s1] =	stream.indirect.scatter.add.f32 [tilespmem:s30], [sflag:$0x1], $0x80, s5, s31, $0xb8;
	[tilespmem:$0x18800] =	vst v63  }
0x8f: {  	_ =	swait.ge [sflag:s29], $0x4000  }
0x90: {  	[sflag:s29] =	ssyncset.done $0x0  }
0x91: {  	[sflag:s29] =	ssyncadd.s32 $0xFFFFC000  }
0x92: {  	[tilespmem:s30], [sflag:$0x1] =	stream.linear.gather [hbm4b:s21+s2], $0x4000, $0x38;
	[tilespmem:$0x18800] =	vst v63  }
0x93: {  	_ =	swait.ge [sflag:s29], $0x4000  }
0x94: {  	[sflag:s29] =	ssyncset.done $0x0  }
0x95: {  	s5 =	simm.s32 $0x580;
	[sflag:s29] =	ssyncadd.s32 $0xFFFFC000  }
0x96: {  	[spmem:s1] =	stream.indirect.scatter.add.f32 [tilespmem:s30], [sflag:$0x1], $0x80, s5, s31, $0xb8;
	[tilespmem:$0x18800] =	vst v63  }
0x97: {  	_ =	swait.ge [sflag:s29], $0x4000  }
0x98: {  	[sflag:s29] =	ssyncset.done $0x0  }
0x99: {  	[sflag:s29] =	ssyncadd.s32 $0xFFFFC000  }
0x9a: {  	[tilespmem:s30], [sflag:$0x1] =	stream.linear.gather [hbm4b:s22+s2], $0x4000, $0x38;
	[tilespmem:$0x18800] =	vst v63  }
0x9b: {  	_ =	swait.ge [sflag:s29], $0x4000  }
0x9c: {  	[sflag:s29] =	ssyncset.done $0x0  }
0x9d: {  	s5 =	simm.s32 $0x600;
	[sflag:s29] =	ssyncadd.s32 $0xFFFFC000  }
0x9e: {  	[spmem:s1] =	stream.indirect.scatter.add.f32 [tilespmem:s30], [sflag:$0x1], $0x80, s5, s31, $0xb8;
	[tilespmem:$0x18800] =	vst v63  }
0x9f: {  	_ =	swait.ge [sflag:s29], $0x4000  }
0xa0: {  	[sflag:s29] =	ssyncset.done $0x0  }
0xa1: {  	[sflag:s29] =	ssyncadd.s32 $0xFFFFC000  }
0xa2: {  	[tilespmem:s30], [sflag:$0x1] =	stream.linear.gather [hbm4b:s23+s2], $0x4000, $0x38;
	[tilespmem:$0x18800] =	vst v63  }
0xa3: {  	_ =	swait.ge [sflag:s29], $0x4000  }
0xa4: {  	[sflag:s29] =	ssyncset.done $0x0  }
0xa5: {  	s5 =	simm.s32 $0x680;
	[sflag:s29] =	ssyncadd.s32 $0xFFFFC000  }
0xa6: {  	[spmem:s1] =	stream.indirect.scatter.add.f32 [tilespmem:s30], [sflag:$0x1], $0x80, s5, s31, $0xb8;
	[tilespmem:$0x18800] =	vst v63  }
0xa7: {  	_ =	swait.ge [sflag:s29], $0x4000  }
0xa8: {  	[sflag:s29] =	ssyncset.done $0x0  }
0xa9: {  	[sflag:s29] =	ssyncadd.s32 $0xFFFFC000  }
0xaa: {  	[tilespmem:s30], [sflag:$0x1] =	stream.linear.gather [hbm4b:s25+s2], $0x4000, $0x38;
	[tilespmem:$0x18800] =	vst v63  }
0xab: {  	_ =	swait.ge [sflag:s29], $0x4000  }
0xac: {  	[sflag:s29] =	ssyncset.done $0x0  }
0xad: {  	s5 =	simm.s32 $0x700;
	[sflag:s29] =	ssyncadd.s32 $0xFFFFC000  }
0xae: {  	[spmem:s1] =	stream.indirect.scatter.add.f32 [tilespmem:s30], [sflag:$0x1], $0x80, s5, s31, $0xb8;
	[tilespmem:$0x18800] =	vst v63  }
0xaf: {  	_ =	swait.ge [sflag:s29], $0x4000  }
0xb0: {  	[sflag:s29] =	ssyncset.done $0x0  }
0xb1: {  	[sflag:s29] =	ssyncadd.s32 $0xFFFFC000  }
0xb2: {  	[tilespmem:s30], [sflag:$0x1] =	stream.linear.gather [hbm4b:s26+s2], $0x4000, $0x38;
	[tilespmem:$0x18800] =	vst v63  }
0xb3: {  	_ =	swait.ge [sflag:s29], $0x4000  }
0xb4: {  	[sflag:s29] =	ssyncset.done $0x0  }
0xb5: {  	s5 =	simm.s32 $0x780;
	[sflag:s29] =	ssyncadd.s32 $0xFFFFC000  }
0xb6: {  	[spmem:s1] =	stream.indirect.scatter.add.f32 [tilespmem:s30], [sflag:$0x1], $0x80, s5, s31, $0xb8;
	[tilespmem:$0x18800] =	vst v63  }
0xb7: {  	s0 =	sadd.s32 $0x1, s0;
	_ =	swait.ge [sflag:s29], $0x4000  }
0xb8: {  	p0 =	sne.s32 s0, s9;
	s5 =	stileid.u32;
	[sflag:s29] =	ssyncset.done $0x0  }
0xb9: {  	s3 =	sshll.u32 s5, $0x6;
	s5 =	sshrl.u32 s4, $0x3;
	[sflag:s29] =	ssyncadd.s32 $0xFFFFC000  }
.Ltmp1:
0xba: {  	s3 =	sor.u32 $0x1C01, s3;
	[bflag:$0x0] =	sbarrier.arrive $0xFFFF;
	(pc) =	sbr.rel @p0 .LBB2_1-.Ltmp1, $4  }
0xbb: {  	[hbm:s24], [sflag:s3] =	dma.local [spmem:s5], $0x2000  }
0xbc: {  	_ =	swait.ge [sflag:s29], $0x2000  }
0xbd: {  	[sflag:s29] =	ssyncset.done $0x0  }
0xbe: {  	[sflag:s29] =	ssyncadd.s32 $0xFFFFE000  }
0xbf: {  	_ =	sfence.sel $0x180000  }
0xc0: {  	[bflag:$0x0] =	sbarrier.arrive $0xFFFF  }
0xc1: {  	_ =	strace $0x90000047  }
0xc2: {  	s0 =	stileid.u32;
	[bflag:$0x2] =	sbarrier.arrive $0xFFFF  }
0xc3: {  	p0 =	sne.s32 s0, $0x0;
	s0 =	rddreg [dreg:$0x3]  }
0xc4: {  	s0 =	sadd.s32 @!p0 $0x100000, s0  }
0xc5: {  	[sflag:s0] =	ssyncadd.tile.s32 @!p0 $0x1;
	_ =	shalt  }
.Lfunc_end2:
_tile_overlayer_lowered:
.L_overlay_start_2:
0xc6: {  	(tag) =	ssettag $0x2  }
0xc7: {  	s0 =	rddreg [dreg:$0x0];
	s2 =	stileid.u32  }
0xc8: {  	s1 =	rddreg [dreg:$0x1];
	p0 =	sne.s32 s2, $0x0  }
0xc9: {  	s3 =	rddreg [dreg:$0x2];
	[bflag:$0x3] =	sbarrier.arrive $0xFFFF;
	s2 =	simm.s32 @!p0 $0x1C01  }
0xca: {  	[timem:s3], [sflag:s2] =	dma.local @!p0 [hbm:s0], s1  }
0xcb: {  	s0 =	simm.s32 @!p0 $0x1  }
0xcc: {  	_ =	swait.ge @!p0 [sflag:s0], s1  }
0xcd: {  	s1 =	ssub.s32 @!p0 $0x0, s1;
	[sflag:s0] =	ssyncset.done @!p0 $0x0  }
0xce: {  	[sflag:s0] =	ssyncadd.s32 @!p0 s1  }
0xcf: {  	[bflag:$0x3] =	sbarrier.arrive $0xFFFF  }
0xd0: {  	_ =	shalt  }

</sc_bundles>
